<compile_context>
chip_gen: v7x
topology: tpu7x:2x2x1
jax: 0.10.2.dev20260603
libtpu: 0.0.44.dev20260713+nightly
codegen_flags: <defaults>
</compile_context>

<pallas_src>
import jax
import jax.numpy as jnp
from jax import lax
from jax.experimental import pallas as pl
from jax.experimental.pallas import tpu as pltpu
from jax.experimental.pallas import tpu_sc as plsc

N_NODES = 10000
N_EDGES = 320000
D = 128
DE = 16
HF = 64

NC = 2
NS = 16
EPT = N_EDGES // NS
CH = 125
NCH = EPT // CH
NPT = N_NODES // NS
ZB = 125
CW = 8
NBUF = 2


def _make_sc_pass(with_meta: bool):
    out_type = [jax.ShapeDtypeStruct((NC, N_NODES, HF), jnp.float32)]
    if with_meta:
        out_type += [
            jax.ShapeDtypeStruct((NC, N_NODES, DE), jnp.float32),
            jax.ShapeDtypeStruct((NC, N_NODES, CW), jnp.float32),
        ]
    scratch = [
        pltpu.VMEM((NCH, CH), jnp.int32),
        pltpu.VMEM((NCH, CH), jnp.int32),
        pltpu.VMEM((NBUF, CH, HF), jnp.float32),
        pltpu.VMEM((ZB, HF), jnp.float32),
        pltpu.VMEM_SHARED((N_NODES, HF), jnp.float32),
    ] + [pltpu.SemaphoreType.DMA] * NBUF
    if with_meta:
        scratch += [
            pltpu.VMEM((CH, DE), jnp.float32),
            pltpu.VMEM((ZB, DE), jnp.float32),
            pltpu.VMEM((128, CW), jnp.float32),
            pltpu.VMEM_SHARED((N_NODES, DE), jnp.float32),
            pltpu.VMEM_SHARED((N_NODES, CW), jnp.float32),
        ]

    def body(x2_hbm, src_hbm, dst_hbm, *rest):
        if with_meta:
            (ea_hbm, onesz_hbm, out_h, out_e, out_c,
             idx_s, idx_d, rows, zbuf, acc_h, *tail) = rest
            gsem = tail[:NBUF]
            eabuf, zbuf_e, ones, acc_e, acc_c = tail[NBUF:]
        else:
            (out_h, idx_s, idx_d, rows, zbuf, acc_h, *tail) = rest
            gsem = tail[:NBUF]

        cid = lax.axis_index("c")
        sid = lax.axis_index("s")

        pltpu.sync_copy(src_hbm.at[cid, sid], idx_s)
        pltpu.sync_copy(dst_hbm.at[sid], idx_d)

        z = jnp.zeros((16,), jnp.float32)

        def zrow(i, c):
            for k in range(HF // 16):
                zbuf[i, pl.ds(k * 16, 16)] = z
            return c

        lax.fori_loop(0, ZB, zrow, 0)
        for k in range(NPT // ZB):
            pltpu.sync_copy(zbuf, acc_h.at[pl.ds(sid * NPT + k * ZB, ZB)])

        if with_meta:
            def zea(i, c):
                zbuf_e[i, pl.ds(0, 16)] = z
                return c

            lax.fori_loop(0, ZB, zea, 0)
            for k in range(NPT // ZB):
                pltpu.sync_copy(zbuf_e,
                                acc_e.at[pl.ds(sid * NPT + k * ZB, ZB)])
            pltpu.sync_copy(onesz_hbm.at[1], ones)
            for k in range(NPT // ZB):
                pltpu.sync_copy(ones.at[pl.ds(0, ZB)],
                                acc_c.at[pl.ds(sid * NPT + k * ZB, ZB)])
            pltpu.sync_copy(onesz_hbm.at[0], ones)

        plsc.subcore_barrier()

        gix = lambda j: idx_s.at[j]
        dix = lambda j: idx_d.at[j]

        for b in range(NBUF):
            pltpu.async_copy(x2_hbm.at[gix(b)], rows.at[b], gsem[b])

        def grp(g, c):
            for b in range(NBUF):
                j = g * NBUF + b
                pltpu.make_async_copy(
                    x2_hbm.at[gix(0)], rows.at[b], gsem[b]).wait()
                pltpu.sync_copy(rows.at[b], acc_h.at[dix(j)], add=True)
                nxt = j + NBUF

                @pl.when(nxt < NCH)
                def _():
                    pltpu.async_copy(x2_hbm.at[gix(nxt)], rows.at[b], gsem[b])

                if with_meta:
                    in_first = j < (NCH // 2)
                    mine_ea = in_first == (cid == 0)

                    @pl.when(mine_ea)
                    def _():
                        pltpu.sync_copy(ea_hbm.at[sid, j], eabuf)
                        pltpu.sync_copy(eabuf, acc_e.at[dix(j)], add=True)

                    @pl.when(jnp.logical_not(mine_ea))
                    def _():
                        pltpu.sync_copy(ones.at[pl.ds(0, CH)],
                                        acc_c.at[dix(j)], add=True)
            return c

        lax.fori_loop(0, NCH // NBUF, grp, 0)
        plsc.subcore_barrier()

        sl = pl.ds(sid * NPT, NPT)
        pltpu.sync_copy(acc_h.at[sl], out_h.at[cid, sl])
        if with_meta:
            pltpu.sync_copy(acc_e.at[sl], out_e.at[cid, sl])
            pltpu.sync_copy(acc_c.at[sl], out_c.at[cid, sl])

    mesh = plsc.VectorSubcoreMesh(core_axis_name="c", subcore_axis_name="s")
    return pl.kernel(body, mesh=mesh, out_type=out_type, scratch_types=scratch,
                     compiler_params=pltpu.CompilerParams(
                         use_tc_tiling_on_sc=False))


_sc_pass_meta = _make_sc_pass(True)
_sc_pass = _make_sc_pass(False)

_RB = 1000


def _fuse_body(h, ph, pe0, pe1, pc0, pc1, wst, wsb, bs, wxt, wxb, we, bn, o):
    hv = h[...]
    h_lo, h_hi = hv[:, :HF], hv[:, HF:]
    sh_lo = ph[0] + h_lo
    sh_hi = ph[1] + h_hi
    cnt = pc0[0][:, :1] + pc1[0][:, :1] + 1.0
    dot = lambda a, b: jnp.dot(a, b, preferred_element_type=jnp.float32)
    num = (dot(sh_lo, wxt[...]) + dot(sh_hi, wxb[...])
           + dot(pe0[0] + pe1[0], we[...]))
    self_ = dot(h_lo, wst[...]) + dot(h_hi, wsb[...])
    o[...] = jnp.maximum(self_ + bs[...] + num / cnt + bn[...], 0.0)


def _tc_fuse(h, ph, pe, pc, W_self, b_self, W_neigh, b_neigh):
    grid = (N_NODES // _RB,)
    row = lambda i: (i, 0)
    part0 = lambda i: (0, i, 0)
    part1 = lambda i: (1, i, 0)
    fixed = lambda i: (0, 0)
    return pl.pallas_call(
        _fuse_body,
        grid=grid,
        in_specs=[
            pl.BlockSpec((_RB, D), row),
            pl.BlockSpec((NC, _RB, HF), part0),
            pl.BlockSpec((1, _RB, DE), part0),
            pl.BlockSpec((1, _RB, DE), part1),
            pl.BlockSpec((1, _RB, CW), part0),
            pl.BlockSpec((1, _RB, CW), part1),
            pl.BlockSpec((HF, D), fixed),
            pl.BlockSpec((HF, D), fixed),
            pl.BlockSpec((1, D), fixed),
            pl.BlockSpec((HF, D), fixed),
            pl.BlockSpec((HF, D), fixed),
            pl.BlockSpec((DE, D), fixed),
            pl.BlockSpec((1, D), fixed),
        ],
        out_specs=pl.BlockSpec((_RB, D), row),
        out_shape=jax.ShapeDtypeStruct((N_NODES, D), jnp.float32),
    )(h, ph, pe, pe, pc, pc, W_self[:HF], W_self[HF:], b_self.reshape(1, D),
      W_neigh[:HF], W_neigh[HF:D], W_neigh[D:], b_neigh.reshape(1, D))


def kernel(x, edge_index, edge_attr,
           W_self1, b_self1, W_neigh1, b_neigh1,
           W_self2, b_self2, W_neigh2, b_neigh2):
    eidx = edge_index.astype(jnp.int32)
    src = jnp.stack([2 * eidx[0], 2 * eidx[0] + 1]).reshape(NC, NS, NCH, CH)
    dst = eidx[1].reshape(NS, NCH, CH)
    ea = edge_attr.reshape(NS, NCH, CH, DE)
    onesz = jnp.stack([jnp.ones((128, CW), jnp.float32),
                       jnp.zeros((128, CW), jnp.float32)])

    ph, pe, pc = _sc_pass_meta(x.reshape(NC * N_NODES, HF), src, dst,
                               ea, onesz)
    h1 = _tc_fuse(x, ph, pe, pc, W_self1, b_self1, W_neigh1, b_neigh1)
    outs = _sc_pass(h1.reshape(NC * N_NODES, HF), src, dst)
    ph2 = outs[0] if isinstance(outs, (list, tuple)) else outs
    return _tc_fuse(h1, ph2, pe, pc, W_self2, b_self2, W_neigh2, b_neigh2)

# --- scband reference (transcript-rebuilt; emitter-appended) ---
"""Pipeline reference for scband-link-prediction-model-18391049961797 (READ-ONLY COPY).

The authoritative reference and input builder live on the scoring server;
editing this copy changes nothing except your own understanding.
"""

import jax, jax.numpy as jnp
import numpy as np

N_NODES = 10000
N_EDGES = 320000
D_FEAT = 128
D_EDGE = 16
D_HID = 128
D_OUT = 128


def setup_inputs(seed: int = 0) -> dict:
    key = jax.random.key(seed)
    ks = jax.random.split(key, 12)
    x = jax.random.normal(ks[0], (N_NODES, D_FEAT), dtype=jnp.float32)
    edge_index = jax.random.randint(ks[1], (2, N_EDGES), 0, N_NODES, dtype=jnp.int64)
    edge_attr = jax.random.normal(ks[2], (N_EDGES, D_EDGE), dtype=jnp.float32)
    # layer 1 params (Linear stored as [in, out] for x @ W + b)
    W_self1 = jax.random.normal(ks[3], (D_FEAT, D_HID), dtype=jnp.float32) * 0.05
    b_self1 = jnp.zeros((D_HID,), dtype=jnp.float32)
    W_neigh1 = jax.random.normal(ks[4], (D_FEAT + D_EDGE, D_HID), dtype=jnp.float32) * 0.05
    b_neigh1 = jnp.zeros((D_HID,), dtype=jnp.float32)
    # layer 2 params
    W_self2 = jax.random.normal(ks[5], (D_HID, D_OUT), dtype=jnp.float32) * 0.05
    b_self2 = jnp.zeros((D_OUT,), dtype=jnp.float32)
    W_neigh2 = jax.random.normal(ks[6], (D_HID + D_EDGE, D_OUT), dtype=jnp.float32) * 0.05
    b_neigh2 = jnp.zeros((D_OUT,), dtype=jnp.float32)
    return {"x": x, "edge_index": edge_index, "edge_attr": edge_attr,
            "W_self1": W_self1, "b_self1": b_self1, "W_neigh1": W_neigh1, "b_neigh1": b_neigh1,
            "W_self2": W_self2, "b_self2": b_self2, "W_neigh2": W_neigh2, "b_neigh2": b_neigh2}


def _edge_sage_conv(x, edge_index, edge_attr, W_self, b_self, W_neigh, b_neigh):
    n = x.shape[0]
    # add_self_loops: append (i, i) for every node, with zero edge_attr
    loop = jnp.arange(n, dtype=edge_index.dtype)
    src = jnp.concatenate([edge_index[0], loop], axis=0)
    dst = jnp.concatenate([edge_index[1], loop], axis=0)
    ea = jnp.concatenate([edge_attr, jnp.zeros((n, edge_attr.shape[1]), dtype=edge_attr.dtype)], axis=0)
    # message: lin_neigh(cat(x_j, edge_attr))
    x_j = jnp.take(x, src, axis=0)
    msg = jnp.concatenate([x_j, ea], axis=-1) @ W_neigh + b_neigh
    # aggr='mean' at destination nodes
    summed = jax.ops.segment_sum(msg, dst, num_segments=n)
    cnt = jax.ops.segment_sum(jnp.ones((dst.shape[0],), dtype=x.dtype), dst, num_segments=n)
    aggr = summed / jnp.clip(cnt, 1.0, None)[:, None]
    # update: relu(lin_self(x) + aggr)
    return jax.nn.relu(x @ W_self + b_self + aggr)


def reference(x, edge_index, edge_attr,
              W_self1, b_self1, W_neigh1, b_neigh1,
              W_self2, b_self2, W_neigh2, b_neigh2):
    h = _edge_sage_conv(x, edge_index, edge_attr, W_self1, b_self1, W_neigh1, b_neigh1)
    out = _edge_sage_conv(h, edge_index, edge_attr, W_self2, b_self2, W_neigh2, b_neigh2)
    return out

if __name__ == "__main__":
    import jax
    _d = setup_inputs()
    print(jax.jit(kernel)(*tuple(_d.values())))

</pallas_src>

<mosaic_0001>
#map = affine_map<(d0, d1) -> (0, 0)>
#map1 = affine_map<(d0, d1) -> (0, 0, 0, 0)>
#map2 = affine_map<(d0, d1) -> (0, 0, 0)>
module attributes {stable_mosaic.version = 14 : i64} {
  func.func @body(%arg0: i32, %arg1: i32, %arg2: memref<20000x64xf32, #tpu.memory_space<hbm>>, %arg3: memref<2x16x160x125xi32, #tpu.memory_space<hbm>>, %arg4: memref<16x160x125xi32, #tpu.memory_space<hbm>>, %arg5: memref<2x10000x64xf32, #tpu.memory_space<hbm>>, %arg6: memref<160x125xi32, #tpu.memory_space<vmem>>, %arg7: memref<160x125xi32, #tpu.memory_space<vmem>>, %arg8: memref<2x125x64xf32, #tpu.memory_space<vmem>>, %arg9: memref<125x64xf32, #tpu.memory_space<vmem>>, %arg10: memref<10000x64xf32, #tpu.memory_space<vmem_shared>>, %arg11: memref<!tpu.dma_semaphore, #tpu.memory_space<semaphore_mem>>, %arg12: memref<!tpu.dma_semaphore, #tpu.memory_space<semaphore_mem>>) attributes {dimension_semantics = [#tpu.dimension_semantics<core_parallel>, #tpu.dimension_semantics<subcore_parallel>], iteration_bounds = array<i64: 2, 16>, scalar_prefetch = 0 : i64, scratch_operands = 7 : i64, tpu.core_type = #tpu.core_type<sc_vector_subcore>, window_params = [{transform_indices = #map}, {transform_indices = #map1}, {transform_indices = #map2}, {transform_indices = #map2}]} {
    "tpu.region"() ({
      %run_scoped3A = tpu.sem_alloc : memref<!tpu.dma_semaphore, #tpu.memory_space<semaphore_mem>>
      %dma_start3A_56 = arith.constant 0 : i32
      %dma_start3A_57 = arith.constant 0 : i32
      %dma_start3A_58 = tpu.memref_slice %arg3[%arg0, %arg1, %dma_start3A_56, %dma_start3A_57] : memref<2x16x160x125xi32, #tpu.memory_space<hbm>> -> memref<1x1x160x125xi32, #tpu.memory_space<hbm>>
      %dma_start3A_59 = tpu.memref_squeeze %dma_start3A_58 : memref<1x1x160x125xi32, #tpu.memory_space<hbm>> -> memref<160x125xi32, #tpu.memory_space<hbm>>
      %dma_start3A_60 = arith.constant 0 : i32
      %dma_start3A_61 = arith.constant 0 : i32
      %dma_start3A_62 = tpu.memref_slice %arg3[%arg0, %arg1, %dma_start3A_60, %dma_start3A_61] : memref<2x16x160x125xi32, #tpu.memory_space<hbm>> -> memref<1x1x160x125xi32, #tpu.memory_space<hbm>>
      %dma_start3A_63 = tpu.memref_squeeze %dma_start3A_62 : memref<1x1x160x125xi32, #tpu.memory_space<hbm>> -> memref<160x125xi32, #tpu.memory_space<hbm>>
      tpu.enqueue_dma source(%dma_start3A_63 : memref<160x125xi32, #tpu.memory_space<hbm>>) target(%arg6 : memref<160x125xi32, #tpu.memory_space<vmem>>) target_semaphore(%run_scoped3A : memref<!tpu.dma_semaphore, #tpu.memory_space<semaphore_mem>>)
      %dma_wait3A = arith.constant 0 : i32
      %dma_wait3A_64 = arith.constant 0 : i32
      %dma_wait3A_65 = tpu.memref_slice %arg3[%arg0, %arg1, %dma_wait3A, %dma_wait3A_64] : memref<2x16x160x125xi32, #tpu.memory_space<hbm>> -> memref<1x1x160x125xi32, #tpu.memory_space<hbm>>
      %dma_wait3A_66 = tpu.memref_squeeze %dma_wait3A_65 : memref<1x1x160x125xi32, #tpu.memory_space<hbm>> -> memref<160x125xi32, #tpu.memory_space<hbm>>
      %dma_wait3A_67 = arith.constant 0 : i32
      %dma_wait3A_68 = arith.constant 0 : i32
      %dma_wait3A_69 = tpu.memref_slice %arg3[%arg0, %arg1, %dma_wait3A_67, %dma_wait3A_68] : memref<2x16x160x125xi32, #tpu.memory_space<hbm>> -> memref<1x1x160x125xi32, #tpu.memory_space<hbm>>
      %dma_wait3A_70 = tpu.memref_squeeze %dma_wait3A_69 : memref<1x1x160x125xi32, #tpu.memory_space<hbm>> -> memref<160x125xi32, #tpu.memory_space<hbm>>
      tpu.wait_dma2 semaphore(%run_scoped3A : memref<!tpu.dma_semaphore, #tpu.memory_space<semaphore_mem>>) src(%dma_wait3A_70 : memref<160x125xi32, #tpu.memory_space<hbm>>) dst(%arg6 : memref<160x125xi32, #tpu.memory_space<vmem>>)
      tpu.yield
    }) : () -> ()
    "tpu.region"() ({
      %run_scoped3A = tpu.sem_alloc : memref<!tpu.dma_semaphore, #tpu.memory_space<semaphore_mem>>
      %dma_start3A_56 = arith.constant 0 : i32
      %dma_start3A_57 = arith.constant 0 : i32
      %dma_start3A_58 = tpu.memref_slice %arg4[%arg1, %dma_start3A_56, %dma_start3A_57] : memref<16x160x125xi32, #tpu.memory_space<hbm>> -> memref<1x160x125xi32, #tpu.memory_space<hbm>>
      %dma_start3A_59 = tpu.memref_squeeze %dma_start3A_58 : memref<1x160x125xi32, #tpu.memory_space<hbm>> -> memref<160x125xi32, #tpu.memory_space<hbm>>
      %dma_start3A_60 = arith.constant 0 : i32
      %dma_start3A_61 = arith.constant 0 : i32
      %dma_start3A_62 = tpu.memref_slice %arg4[%arg1, %dma_start3A_60, %dma_start3A_61] : memref<16x160x125xi32, #tpu.memory_space<hbm>> -> memref<1x160x125xi32, #tpu.memory_space<hbm>>
      %dma_start3A_63 = tpu.memref_squeeze %dma_start3A_62 : memref<1x160x125xi32, #tpu.memory_space<hbm>> -> memref<160x125xi32, #tpu.memory_space<hbm>>
      tpu.enqueue_dma source(%dma_start3A_63 : memref<160x125xi32, #tpu.memory_space<hbm>>) target(%arg7 : memref<160x125xi32, #tpu.memory_space<vmem>>) target_semaphore(%run_scoped3A : memref<!tpu.dma_semaphore, #tpu.memory_space<semaphore_mem>>)
      %dma_wait3A = arith.constant 0 : i32
      %dma_wait3A_64 = arith.constant 0 : i32
      %dma_wait3A_65 = tpu.memref_slice %arg4[%arg1, %dma_wait3A, %dma_wait3A_64] : memref<16x160x125xi32, #tpu.memory_space<hbm>> -> memref<1x160x125xi32, #tpu.memory_space<hbm>>
      %dma_wait3A_66 = tpu.memref_squeeze %dma_wait3A_65 : memref<1x160x125xi32, #tpu.memory_space<hbm>> -> memref<160x125xi32, #tpu.memory_space<hbm>>
      %dma_wait3A_67 = arith.constant 0 : i32
      %dma_wait3A_68 = arith.constant 0 : i32
      %dma_wait3A_69 = tpu.memref_slice %arg4[%arg1, %dma_wait3A_67, %dma_wait3A_68] : memref<16x160x125xi32, #tpu.memory_space<hbm>> -> memref<1x160x125xi32, #tpu.memory_space<hbm>>
      %dma_wait3A_70 = tpu.memref_squeeze %dma_wait3A_69 : memref<1x160x125xi32, #tpu.memory_space<hbm>> -> memref<160x125xi32, #tpu.memory_space<hbm>>
      tpu.wait_dma2 semaphore(%run_scoped3A : memref<!tpu.dma_semaphore, #tpu.memory_space<semaphore_mem>>) src(%dma_wait3A_70 : memref<160x125xi32, #tpu.memory_space<hbm>>) dst(%arg7 : memref<160x125xi32, #tpu.memory_space<vmem>>)
      tpu.yield
    }) : () -> ()
    %broadcast_in_dim3A = arith.constant 0.000000e+00 : f32
    %broadcast_in_dim3A_0 = vector.broadcast %broadcast_in_dim3A : f32 to vector<16xf32>
    %scan3A = arith.constant 0 : i32
    %scan3A_1 = arith.constant 0 : i32
    %scan3A_2 = arith.constant 125 : i32
    %scan3A_3 = arith.addi %scan3A_1, %scan3A_2 : i32
    %scan3A_4 = arith.constant 1 : i32
    scf.for %scan3A_56 = %scan3A_1 to %scan3A_3 step %scan3A_4  : i32 {
      %swap3A = arith.index_cast %scan3A_56 : i32 to index
      %swap3A_57 = arith.constant 0 : index
      %swap3A_58 = tpu.vector_load %arg9[%swap3A, %swap3A_57] {strides = array<i32>} : memref<125x64xf32, #tpu.memory_space<vmem>>, vector<1x16xf32>,
      %swap3A_59 = vector.shape_cast %swap3A_58 : vector<1x16xf32> to vector<16xf32>
      %swap3A_60 = vector.shape_cast %broadcast_in_dim3A_0 : vector<16xf32> to vector<1x16xf32>
      tpu.vector_store %arg9[%swap3A, %swap3A_57], %swap3A_60 {strides = array<i32>} : memref<125x64xf32, #tpu.memory_space<vmem>>, vector<1x16xf32>,
      %swap3A_61 = arith.index_cast %scan3A_56 : i32 to index
      %swap3A_62 = arith.constant 16 : index
      %swap3A_63 = tpu.vector_load %arg9[%swap3A_61, %swap3A_62] {strides = array<i32>} : memref<125x64xf32, #tpu.memory_space<vmem>>, vector<1x16xf32>,
      %swap3A_64 = vector.shape_cast %swap3A_63 : vector<1x16xf32> to vector<16xf32>
      %swap3A_65 = vector.shape_cast %broadcast_in_dim3A_0 : vector<16xf32> to vector<1x16xf32>
      tpu.vector_store %arg9[%swap3A_61, %swap3A_62], %swap3A_65 {strides = array<i32>} : memref<125x64xf32, #tpu.memory_space<vmem>>, vector<1x16xf32>,
      %swap3A_66 = arith.index_cast %scan3A_56 : i32 to index
      %swap3A_67 = arith.constant 32 : index
      %swap3A_68 = tpu.vector_load %arg9[%swap3A_66, %swap3A_67] {strides = array<i32>} : memref<125x64xf32, #tpu.memory_space<vmem>>, vector<1x16xf32>,
      %swap3A_69 = vector.shape_cast %swap3A_68 : vector<1x16xf32> to vector<16xf32>
      %swap3A_70 = vector.shape_cast %broadcast_in_dim3A_0 : vector<16xf32> to vector<1x16xf32>
      tpu.vector_store %arg9[%swap3A_66, %swap3A_67], %swap3A_70 {strides = array<i32>} : memref<125x64xf32, #tpu.memory_space<vmem>>, vector<1x16xf32>,
      %swap3A_71 = arith.index_cast %scan3A_56 : i32 to index
      %swap3A_72 = arith.constant 48 : index
      %swap3A_73 = tpu.vector_load %arg9[%swap3A_71, %swap3A_72] {strides = array<i32>} : memref<125x64xf32, #tpu.memory_space<vmem>>, vector<1x16xf32>,
      %swap3A_74 = vector.shape_cast %swap3A_73 : vector<1x16xf32> to vector<16xf32>
      %swap3A_75 = vector.shape_cast %broadcast_in_dim3A_0 : vector<16xf32> to vector<1x16xf32>
      tpu.vector_store %arg9[%swap3A_71, %swap3A_72], %swap3A_75 {strides = array<i32>} : memref<125x64xf32, #tpu.memory_space<vmem>>, vector<1x16xf32>,
    }
    %scan3A_5 = arith.constant 125 : i32
    %mul3A = arith.constant 625 : i32
    %mul3A_6 = arith.muli %arg1, %mul3A : i32
    %add3A = arith.constant 0 : i32
    %add3A_7 = arith.addi %mul3A_6, %add3A : i32
    "tpu.region"() ({
      %run_scoped3A = tpu.sem_alloc : memref<!tpu.dma_semaphore, #tpu.memory_space<semaphore_mem>>
      %dma_start3A_56 = arith.constant 0 : i32
      %dma_start3A_57 = tpu.memref_slice %arg10[%add3A_7, %dma_start3A_56] : memref<10000x64xf32, #tpu.memory_space<vmem_shared>> -> memref<125x64xf32, #tpu.memory_space<vmem_shared>>
      %dma_start3A_58 = arith.constant 0 : i32
      %dma_start3A_59 = tpu.memref_slice %arg10[%add3A_7, %dma_start3A_58] : memref<10000x64xf32, #tpu.memory_space<vmem_shared>> -> memref<125x64xf32, #tpu.memory_space<vmem_shared>>
      tpu.enqueue_dma source(%arg9 : memref<125x64xf32, #tpu.memory_space<vmem>>) target(%dma_start3A_59 : memref<125x64xf32, #tpu.memory_space<vmem_shared>>) target_semaphore(%run_scoped3A : memref<!tpu.dma_semaphore, #tpu.memory_space<semaphore_mem>>)
      %dma_wait3A = arith.constant 0 : i32
      %dma_wait3A_60 = tpu.memref_slice %arg10[%add3A_7, %dma_wait3A] : memref<10000x64xf32, #tpu.memory_space<vmem_shared>> -> memref<125x64xf32, #tpu.memory_space<vmem_shared>>
      %dma_wait3A_61 = arith.constant 0 : i32
      %dma_wait3A_62 = tpu.memref_slice %arg10[%add3A_7, %dma_wait3A_61] : memref<10000x64xf32, #tpu.memory_space<vmem_shared>> -> memref<125x64xf32, #tpu.memory_space<vmem_shared>>
      tpu.wait_dma2 semaphore(%run_scoped3A : memref<!tpu.dma_semaphore, #tpu.memory_space<semaphore_mem>>) src(%arg9 : memref<125x64xf32, #tpu.memory_space<vmem>>) dst(%dma_wait3A_62 : memref<125x64xf32, #tpu.memory_space<vmem_shared>>)
      tpu.yield
    }) : () -> ()
    %mul3A_8 = arith.constant 625 : i32
    %mul3A_9 = arith.muli %arg1, %mul3A_8 : i32
    %add3A_10 = arith.constant 125 : i32
    %add3A_11 = arith.addi %mul3A_9, %add3A_10 : i32
    "tpu.region"() ({
      %run_scoped3A = tpu.sem_alloc : memref<!tpu.dma_semaphore, #tpu.memory_space<semaphore_mem>>
      %dma_start3A_56 = arith.constant 0 : i32
      %dma_start3A_57 = tpu.memref_slice %arg10[%add3A_11, %dma_start3A_56] : memref<10000x64xf32, #tpu.memory_space<vmem_shared>> -> memref<125x64xf32, #tpu.memory_space<vmem_shared>>
      %dma_start3A_58 = arith.constant 0 : i32
      %dma_start3A_59 = tpu.memref_slice %arg10[%add3A_11, %dma_start3A_58] : memref<10000x64xf32, #tpu.memory_space<vmem_shared>> -> memref<125x64xf32, #tpu.memory_space<vmem_shared>>
      tpu.enqueue_dma source(%arg9 : memref<125x64xf32, #tpu.memory_space<vmem>>) target(%dma_start3A_59 : memref<125x64xf32, #tpu.memory_space<vmem_shared>>) target_semaphore(%run_scoped3A : memref<!tpu.dma_semaphore, #tpu.memory_space<semaphore_mem>>)
      %dma_wait3A = arith.constant 0 : i32
      %dma_wait3A_60 = tpu.memref_slice %arg10[%add3A_11, %dma_wait3A] : memref<10000x64xf32, #tpu.memory_space<vmem_shared>> -> memref<125x64xf32, #tpu.memory_space<vmem_shared>>
      %dma_wait3A_61 = arith.constant 0 : i32
      %dma_wait3A_62 = tpu.memref_slice %arg10[%add3A_11, %dma_wait3A_61] : memref<10000x64xf32, #tpu.memory_space<vmem_shared>> -> memref<125x64xf32, #tpu.memory_space<vmem_shared>>
      tpu.wait_dma2 semaphore(%run_scoped3A : memref<!tpu.dma_semaphore, #tpu.memory_space<semaphore_mem>>) src(%arg9 : memref<125x64xf32, #tpu.memory_space<vmem>>) dst(%dma_wait3A_62 : memref<125x64xf32, #tpu.memory_space<vmem_shared>>)
      tpu.yield
    }) : () -> ()
    %mul3A_12 = arith.constant 625 : i32
    %mul3A_13 = arith.muli %arg1, %mul3A_12 : i32
    %add3A_14 = arith.constant 250 : i32
    %add3A_15 = arith.addi %mul3A_13, %add3A_14 : i32
    "tpu.region"() ({
      %run_scoped3A = tpu.sem_alloc : memref<!tpu.dma_semaphore, #tpu.memory_space<semaphore_mem>>
      %dma_start3A_56 = arith.constant 0 : i32
      %dma_start3A_57 = tpu.memref_slice %arg10[%add3A_15, %dma_start3A_56] : memref<10000x64xf32, #tpu.memory_space<vmem_shared>> -> memref<125x64xf32, #tpu.memory_space<vmem_shared>>
      %dma_start3A_58 = arith.constant 0 : i32
      %dma_start3A_59 = tpu.memref_slice %arg10[%add3A_15, %dma_start3A_58] : memref<10000x64xf32, #tpu.memory_space<vmem_shared>> -> memref<125x64xf32, #tpu.memory_space<vmem_shared>>
      tpu.enqueue_dma source(%arg9 : memref<125x64xf32, #tpu.memory_space<vmem>>) target(%dma_start3A_59 : memref<125x64xf32, #tpu.memory_space<vmem_shared>>) target_semaphore(%run_scoped3A : memref<!tpu.dma_semaphore, #tpu.memory_space<semaphore_mem>>)
      %dma_wait3A = arith.constant 0 : i32
      %dma_wait3A_60 = tpu.memref_slice %arg10[%add3A_15, %dma_wait3A] : memref<10000x64xf32, #tpu.memory_space<vmem_shared>> -> memref<125x64xf32, #tpu.memory_space<vmem_shared>>
      %dma_wait3A_61 = arith.constant 0 : i32
      %dma_wait3A_62 = tpu.memref_slice %arg10[%add3A_15, %dma_wait3A_61] : memref<10000x64xf32, #tpu.memory_space<vmem_shared>> -> memref<125x64xf32, #tpu.memory_space<vmem_shared>>
      tpu.wait_dma2 semaphore(%run_scoped3A : memref<!tpu.dma_semaphore, #tpu.memory_space<semaphore_mem>>) src(%arg9 : memref<125x64xf32, #tpu.memory_space<vmem>>) dst(%dma_wait3A_62 : memref<125x64xf32, #tpu.memory_space<vmem_shared>>)
      tpu.yield
    }) : () -> ()
    %mul3A_16 = arith.constant 625 : i32
    %mul3A_17 = arith.muli %arg1, %mul3A_16 : i32
    %add3A_18 = arith.constant 375 : i32
    %add3A_19 = arith.addi %mul3A_17, %add3A_18 : i32
    "tpu.region"() ({
      %run_scoped3A = tpu.sem_alloc : memref<!tpu.dma_semaphore, #tpu.memory_space<semaphore_mem>>
      %dma_start3A_56 = arith.constant 0 : i32
      %dma_start3A_57 = tpu.memref_slice %arg10[%add3A_19, %dma_start3A_56] : memref<10000x64xf32, #tpu.memory_space<vmem_shared>> -> memref<125x64xf32, #tpu.memory_space<vmem_shared>>
      %dma_start3A_58 = arith.constant 0 : i32
      %dma_start3A_59 = tpu.memref_slice %arg10[%add3A_19, %dma_start3A_58] : memref<10000x64xf32, #tpu.memory_space<vmem_shared>> -> memref<125x64xf32, #tpu.memory_space<vmem_shared>>
      tpu.enqueue_dma source(%arg9 : memref<125x64xf32, #tpu.memory_space<vmem>>) target(%dma_start3A_59 : memref<125x64xf32, #tpu.memory_space<vmem_shared>>) target_semaphore(%run_scoped3A : memref<!tpu.dma_semaphore, #tpu.memory_space<semaphore_mem>>)
      %dma_wait3A = arith.constant 0 : i32
      %dma_wait3A_60 = tpu.memref_slice %arg10[%add3A_19, %dma_wait3A] : memref<10000x64xf32, #tpu.memory_space<vmem_shared>> -> memref<125x64xf32, #tpu.memory_space<vmem_shared>>
      %dma_wait3A_61 = arith.constant 0 : i32
      %dma_wait3A_62 = tpu.memref_slice %arg10[%add3A_19, %dma_wait3A_61] : memref<10000x64xf32, #tpu.memory_space<vmem_shared>> -> memref<125x64xf32, #tpu.memory_space<vmem_shared>>
      tpu.wait_dma2 semaphore(%run_scoped3A : memref<!tpu.dma_semaphore, #tpu.memory_space<semaphore_mem>>) src(%arg9 : memref<125x64xf32, #tpu.memory_space<vmem>>) dst(%dma_wait3A_62 : memref<125x64xf32, #tpu.memory_space<vmem_shared>>)
      tpu.yield
    }) : () -> ()
    %mul3A_20 = arith.constant 625 : i32
    %mul3A_21 = arith.muli %arg1, %mul3A_20 : i32
    %add3A_22 = arith.constant 500 : i32
    %add3A_23 = arith.addi %mul3A_21, %add3A_22 : i32
    "tpu.region"() ({
      %run_scoped3A = tpu.sem_alloc : memref<!tpu.dma_semaphore, #tpu.memory_space<semaphore_mem>>
      %dma_start3A_56 = arith.constant 0 : i32
      %dma_start3A_57 = tpu.memref_slice %arg10[%add3A_23, %dma_start3A_56] : memref<10000x64xf32, #tpu.memory_space<vmem_shared>> -> memref<125x64xf32, #tpu.memory_space<vmem_shared>>
      %dma_start3A_58 = arith.constant 0 : i32
      %dma_start3A_59 = tpu.memref_slice %arg10[%add3A_23, %dma_start3A_58] : memref<10000x64xf32, #tpu.memory_space<vmem_shared>> -> memref<125x64xf32, #tpu.memory_space<vmem_shared>>
      tpu.enqueue_dma source(%arg9 : memref<125x64xf32, #tpu.memory_space<vmem>>) target(%dma_start3A_59 : memref<125x64xf32, #tpu.memory_space<vmem_shared>>) target_semaphore(%run_scoped3A : memref<!tpu.dma_semaphore, #tpu.memory_space<semaphore_mem>>)
      %dma_wait3A = arith.constant 0 : i32
      %dma_wait3A_60 = tpu.memref_slice %arg10[%add3A_23, %dma_wait3A] : memref<10000x64xf32, #tpu.memory_space<vmem_shared>> -> memref<125x64xf32, #tpu.memory_space<vmem_shared>>
      %dma_wait3A_61 = arith.constant 0 : i32
      %dma_wait3A_62 = tpu.memref_slice %arg10[%add3A_23, %dma_wait3A_61] : memref<10000x64xf32, #tpu.memory_space<vmem_shared>> -> memref<125x64xf32, #tpu.memory_space<vmem_shared>>
      tpu.wait_dma2 semaphore(%run_scoped3A : memref<!tpu.dma_semaphore, #tpu.memory_space<semaphore_mem>>) src(%arg9 : memref<125x64xf32, #tpu.memory_space<vmem>>) dst(%dma_wait3A_62 : memref<125x64xf32, #tpu.memory_space<vmem_shared>>)
      tpu.yield
    }) : () -> ()
    %barrier3A = arith.constant 0 : index
    tpu.barrier barrier_id(%barrier3A)
    %dma_start3A = arith.constant 0 : i32
    %dma_start3A_24 = arith.constant 0 : i32
    %dma_start3A_25 = arith.constant 0 : i32
    %dma_start3A_26 = arith.constant 0 : i32
    %dma_start3A_27 = tpu.memref_slice %arg8[%dma_start3A_24, %dma_start3A_25, %dma_start3A_26] : memref<2x125x64xf32, #tpu.memory_space<vmem>> -> memref<1x125x64xf32, #tpu.memory_space<vmem>>
    %dma_start3A_28 = tpu.memref_squeeze %dma_start3A_27 : memref<1x125x64xf32, #tpu.memory_space<vmem>> -> memref<125x64xf32, #tpu.memory_space<vmem>>
    %dma_start3A_29 = arith.constant 0 : i32
    %dma_start3A_30 = tpu.memref_slice %arg6[%dma_start3A, %dma_start3A_29] : memref<160x125xi32, #tpu.memory_space<vmem>> -> memref<1x125xi32, #tpu.memory_space<vmem>>
    %dma_start3A_31 = tpu.memref_squeeze %dma_start3A_30 : memref<1x125xi32, #tpu.memory_space<vmem>> -> memref<125xi32, #tpu.memory_space<vmem>>
    %dma_start3A_32 = arith.constant 0 : i32
    %dma_start3A_33 = arith.constant 0 : i32
    %dma_start3A_34 = tpu.memref_slice %arg2[%dma_start3A_32, %dma_start3A_33] : memref<20000x64xf32, #tpu.memory_space<hbm>> -> memref<20000x64xf32, #tpu.memory_space<hbm>>
    tpu.enqueue_indirect_dma source(%dma_start3A_34 : memref<20000x64xf32, #tpu.memory_space<hbm>>) target(%dma_start3A_28 : memref<125x64xf32, #tpu.memory_space<vmem>>) offsets(%dma_start3A_31 : memref<125xi32, #tpu.memory_space<vmem>>) semaphore(%arg11 : memref<!tpu.dma_semaphore, #tpu.memory_space<semaphore_mem>>)
    %dma_start3A_35 = arith.constant 1 : i32
    %dma_start3A_36 = arith.constant 1 : i32
    %dma_start3A_37 = arith.constant 0 : i32
    %dma_start3A_38 = arith.constant 0 : i32
    %dma_start3A_39 = tpu.memref_slice %arg8[%dma_start3A_36, %dma_start3A_37, %dma_start3A_38] : memref<2x125x64xf32, #tpu.memory_space<vmem>> -> memref<1x125x64xf32, #tpu.memory_space<vmem>>
    %dma_start3A_40 = tpu.memref_squeeze %dma_start3A_39 : memref<1x125x64xf32, #tpu.memory_space<vmem>> -> memref<125x64xf32, #tpu.memory_space<vmem>>
    %dma_start3A_41 = arith.constant 0 : i32
    %dma_start3A_42 = tpu.memref_slice %arg6[%dma_start3A_35, %dma_start3A_41] : memref<160x125xi32, #tpu.memory_space<vmem>> -> memref<1x125xi32, #tpu.memory_space<vmem>>
    %dma_start3A_43 = tpu.memref_squeeze %dma_start3A_42 : memref<1x125xi32, #tpu.memory_space<vmem>> -> memref<125xi32, #tpu.memory_space<vmem>>
    %dma_start3A_44 = arith.constant 0 : i32
    %dma_start3A_45 = arith.constant 0 : i32
    %dma_start3A_46 = tpu.memref_slice %arg2[%dma_start3A_44, %dma_start3A_45] : memref<20000x64xf32, #tpu.memory_space<hbm>> -> memref<20000x64xf32, #tpu.memory_space<hbm>>
    tpu.enqueue_indirect_dma source(%dma_start3A_46 : memref<20000x64xf32, #tpu.memory_space<hbm>>) target(%dma_start3A_40 : memref<125x64xf32, #tpu.memory_space<vmem>>) offsets(%dma_start3A_43 : memref<125xi32, #tpu.memory_space<vmem>>) semaphore(%arg12 : memref<!tpu.dma_semaphore, #tpu.memory_space<semaphore_mem>>)
    %scan3A_47 = arith.constant 0 : i32
    %scan3A_48 = arith.constant 0 : i32
    %scan3A_49 = arith.constant 80 : i32
    %scan3A_50 = arith.addi %scan3A_48, %scan3A_49 : i32
    %scan3A_51 = arith.constant 1 : i32
    scf.for %scan3A_56 = %scan3A_48 to %scan3A_50 step %scan3A_51  : i32 {
      %mul3A_57 = arith.constant 2 : i32
      %mul3A_58 = arith.muli %scan3A_56, %mul3A_57 : i32
      %add3A_59 = arith.constant 0 : i32
      %add3A_60 = arith.addi %mul3A_58, %add3A_59 : i32
      %dma_wait3A = arith.constant 0 : i32
      %dma_wait3A_61 = arith.constant 0 : i32
      %dma_wait3A_62 = arith.constant 0 : i32
      %dma_wait3A_63 = arith.constant 0 : i32
      %dma_wait3A_64 = tpu.memref_slice %arg8[%dma_wait3A_61, %dma_wait3A_62, %dma_wait3A_63] : memref<2x125x64xf32, #tpu.memory_space<vmem>> -> memref<1x125x64xf32, #tpu.memory_space<vmem>>
      %dma_wait3A_65 = tpu.memref_squeeze %dma_wait3A_64 : memref<1x125x64xf32, #tpu.memory_space<vmem>> -> memref<125x64xf32, #tpu.memory_space<vmem>>
      %dma_wait3A_66 = arith.constant 0 : i32
      %dma_wait3A_67 = tpu.memref_slice %arg6[%dma_wait3A, %dma_wait3A_66] : memref<160x125xi32, #tpu.memory_space<vmem>> -> memref<1x125xi32, #tpu.memory_space<vmem>>
      %dma_wait3A_68 = tpu.memref_squeeze %dma_wait3A_67 : memref<1x125xi32, #tpu.memory_space<vmem>> -> memref<125xi32, #tpu.memory_space<vmem>>
      %dma_wait3A_69 = arith.constant 0 : i32
      %dma_wait3A_70 = arith.constant 0 : i32
      %dma_wait3A_71 = tpu.memref_slice %arg2[%dma_wait3A_69, %dma_wait3A_70] : memref<20000x64xf32, #tpu.memory_space<hbm>> -> memref<20000x64xf32, #tpu.memory_space<hbm>>
      tpu.wait_indirect_dma semaphore(%arg11 : memref<!tpu.dma_semaphore, #tpu.memory_space<semaphore_mem>>) src(%dma_wait3A_71 : memref<20000x64xf32, #tpu.memory_space<hbm>>) dst(%dma_wait3A_65 : memref<125x64xf32, #tpu.memory_space<vmem>>)
      %run_scoped3A = arith.constant 0 : i32
      "tpu.region"() ({
        %run_scoped3A_100 = tpu.sem_alloc : memref<!tpu.dma_semaphore, #tpu.memory_space<semaphore_mem>>
        %dma_start3A_101 = arith.constant 0 : i32
        %dma_start3A_102 = arith.constant 0 : i32
        %dma_start3A_103 = tpu.memref_slice %arg8[%run_scoped3A, %dma_start3A_101, %dma_start3A_102] : memref<2x125x64xf32, #tpu.memory_space<vmem>> -> memref<1x125x64xf32, #tpu.memory_space<vmem>>
        %dma_start3A_104 = tpu.memref_squeeze %dma_start3A_103 : memref<1x125x64xf32, #tpu.memory_space<vmem>> -> memref<125x64xf32, #tpu.memory_space<vmem>>
        %dma_start3A_105 = arith.constant 0 : i32
        %dma_start3A_106 = tpu.memref_slice %arg7[%add3A_60, %dma_start3A_105] : memref<160x125xi32, #tpu.memory_space<vmem>> -> memref<1x125xi32, #tpu.memory_space<vmem>>
        %dma_start3A_107 = tpu.memref_squeeze %dma_start3A_106 : memref<1x125xi32, #tpu.memory_space<vmem>> -> memref<125xi32, #tpu.memory_space<vmem>>
        %dma_start3A_108 = arith.constant 0 : i32
        %dma_start3A_109 = arith.constant 0 : i32
        %dma_start3A_110 = tpu.memref_slice %arg10[%dma_start3A_108, %dma_start3A_109] : memref<10000x64xf32, #tpu.memory_space<vmem_shared>> -> memref<10000x64xf32, #tpu.memory_space<vmem_shared>>
        tpu.enqueue_indirect_dma source(%dma_start3A_104 : memref<125x64xf32, #tpu.memory_space<vmem>>) target(%dma_start3A_110 : memref<10000x64xf32, #tpu.memory_space<vmem_shared>>) offsets(%dma_start3A_107 : memref<125xi32, #tpu.memory_space<vmem>>) semaphore(%run_scoped3A_100 : memref<!tpu.dma_semaphore, #tpu.memory_space<semaphore_mem>>) {add = true}
        %dma_wait3A_111 = arith.constant 0 : i32
        %dma_wait3A_112 = arith.constant 0 : i32
        %dma_wait3A_113 = tpu.memref_slice %arg8[%run_scoped3A, %dma_wait3A_111, %dma_wait3A_112] : memref<2x125x64xf32, #tpu.memory_space<vmem>> -> memref<1x125x64xf32, #tpu.memory_space<vmem>>
        %dma_wait3A_114 = tpu.memref_squeeze %dma_wait3A_113 : memref<1x125x64xf32, #tpu.memory_space<vmem>> -> memref<125x64xf32, #tpu.memory_space<vmem>>
        %dma_wait3A_115 = arith.constant 0 : i32
        %dma_wait3A_116 = tpu.memref_slice %arg7[%add3A_60, %dma_wait3A_115] : memref<160x125xi32, #tpu.memory_space<vmem>> -> memref<1x125xi32, #tpu.memory_space<vmem>>
        %dma_wait3A_117 = tpu.memref_squeeze %dma_wait3A_116 : memref<1x125xi32, #tpu.memory_space<vmem>> -> memref<125xi32, #tpu.memory_space<vmem>>
        %dma_wait3A_118 = arith.constant 0 : i32
        %dma_wait3A_119 = arith.constant 0 : i32
        %dma_wait3A_120 = tpu.memref_slice %arg10[%dma_wait3A_118, %dma_wait3A_119] : memref<10000x64xf32, #tpu.memory_space<vmem_shared>> -> memref<10000x64xf32, #tpu.memory_space<vmem_shared>>
        tpu.wait_indirect_dma semaphore(%run_scoped3A_100 : memref<!tpu.dma_semaphore, #tpu.memory_space<semaphore_mem>>) src(%dma_wait3A_114 : memref<125x64xf32, #tpu.memory_space<vmem>>) dst(%dma_wait3A_120 : memref<10000x64xf32, #tpu.memory_space<vmem_shared>>)
        tpu.yield
      }) : () -> ()
      %add3A_72 = arith.constant 2 : i32
      %add3A_73 = arith.addi %add3A_60, %add3A_72 : i32
      %lt3A = arith.constant 160 : i32
      %lt3A_74 = arith.cmpi slt, %add3A_73, %lt3A : i32
      %convert_element_type3A = arith.extui %lt3A_74 : i1 to i32
      %cond3A = arith.constant 0 : i32
      %cond3A_75 = arith.cmpi ne, %convert_element_type3A, %cond3A : i32
      scf.if %cond3A_75 {
        %dma_start3A_100 = arith.constant 0 : i32
        %dma_start3A_101 = arith.constant 0 : i32
        %dma_start3A_102 = arith.constant 0 : i32
        %dma_start3A_103 = tpu.memref_slice %arg8[%dma_start3A_100, %dma_start3A_101, %dma_start3A_102] : memref<2x125x64xf32, #tpu.memory_space<vmem>> -> memref<1x125x64xf32, #tpu.memory_space<vmem>>
        %dma_start3A_104 = tpu.memref_squeeze %dma_start3A_103 : memref<1x125x64xf32, #tpu.memory_space<vmem>> -> memref<125x64xf32, #tpu.memory_space<vmem>>
        %dma_start3A_105 = arith.constant 0 : i32
        %dma_start3A_106 = tpu.memref_slice %arg6[%add3A_73, %dma_start3A_105] : memref<160x125xi32, #tpu.memory_space<vmem>> -> memref<1x125xi32, #tpu.memory_space<vmem>>
        %dma_start3A_107 = tpu.memref_squeeze %dma_start3A_106 : memref<1x125xi32, #tpu.memory_space<vmem>> -> memref<125xi32, #tpu.memory_space<vmem>>
        %dma_start3A_108 = arith.constant 0 : i32
        %dma_start3A_109 = arith.constant 0 : i32
        %dma_start3A_110 = tpu.memref_slice %arg2[%dma_start3A_108, %dma_start3A_109] : memref<20000x64xf32, #tpu.memory_space<hbm>> -> memref<20000x64xf32, #tpu.memory_space<hbm>>
        tpu.enqueue_indirect_dma source(%dma_start3A_110 : memref<20000x64xf32, #tpu.memory_space<hbm>>) target(%dma_start3A_104 : memref<125x64xf32, #tpu.memory_space<vmem>>) offsets(%dma_start3A_107 : memref<125xi32, #tpu.memory_space<vmem>>) semaphore(%arg11 : memref<!tpu.dma_semaphore, #tpu.memory_space<semaphore_mem>>)
      } else {
      }
      %mul3A_76 = arith.constant 2 : i32
      %mul3A_77 = arith.muli %scan3A_56, %mul3A_76 : i32
      %add3A_78 = arith.constant 1 : i32
      %add3A_79 = arith.addi %mul3A_77, %add3A_78 : i32
      %dma_wait3A_80 = arith.constant 0 : i32
      %dma_wait3A_81 = arith.constant 1 : i32
      %dma_wait3A_82 = arith.constant 0 : i32
      %dma_wait3A_83 = arith.constant 0 : i32
      %dma_wait3A_84 = tpu.memref_slice %arg8[%dma_wait3A_81, %dma_wait3A_82, %dma_wait3A_83] : memref<2x125x64xf32, #tpu.memory_space<vmem>> -> memref<1x125x64xf32, #tpu.memory_space<vmem>>
      %dma_wait3A_85 = tpu.memref_squeeze %dma_wait3A_84 : memref<1x125x64xf32, #tpu.memory_space<vmem>> -> memref<125x64xf32, #tpu.memory_space<vmem>>
      %dma_wait3A_86 = arith.constant 0 : i32
      %dma_wait3A_87 = tpu.memref_slice %arg6[%dma_wait3A_80, %dma_wait3A_86] : memref<160x125xi32, #tpu.memory_space<vmem>> -> memref<1x125xi32, #tpu.memory_space<vmem>>
      %dma_wait3A_88 = tpu.memref_squeeze %dma_wait3A_87 : memref<1x125xi32, #tpu.memory_space<vmem>> -> memref<125xi32, #tpu.memory_space<vmem>>
      %dma_wait3A_89 = arith.constant 0 : i32
      %dma_wait3A_90 = arith.constant 0 : i32
      %dma_wait3A_91 = tpu.memref_slice %arg2[%dma_wait3A_89, %dma_wait3A_90] : memref<20000x64xf32, #tpu.memory_space<hbm>> -> memref<20000x64xf32, #tpu.memory_space<hbm>>
      tpu.wait_indirect_dma semaphore(%arg12 : memref<!tpu.dma_semaphore, #tpu.memory_space<semaphore_mem>>) src(%dma_wait3A_91 : memref<20000x64xf32, #tpu.memory_space<hbm>>) dst(%dma_wait3A_85 : memref<125x64xf32, #tpu.memory_space<vmem>>)
      %run_scoped3A_92 = arith.constant 1 : i32
      "tpu.region"() ({
        %run_scoped3A_100 = tpu.sem_alloc : memref<!tpu.dma_semaphore, #tpu.memory_space<semaphore_mem>>
        %dma_start3A_101 = arith.constant 0 : i32
        %dma_start3A_102 = arith.constant 0 : i32
        %dma_start3A_103 = tpu.memref_slice %arg8[%run_scoped3A_92, %dma_start3A_101, %dma_start3A_102] : memref<2x125x64xf32, #tpu.memory_space<vmem>> -> memref<1x125x64xf32, #tpu.memory_space<vmem>>
        %dma_start3A_104 = tpu.memref_squeeze %dma_start3A_103 : memref<1x125x64xf32, #tpu.memory_space<vmem>> -> memref<125x64xf32, #tpu.memory_space<vmem>>
        %dma_start3A_105 = arith.constant 0 : i32
        %dma_start3A_106 = tpu.memref_slice %arg7[%add3A_79, %dma_start3A_105] : memref<160x125xi32, #tpu.memory_space<vmem>> -> memref<1x125xi32, #tpu.memory_space<vmem>>
        %dma_start3A_107 = tpu.memref_squeeze %dma_start3A_106 : memref<1x125xi32, #tpu.memory_space<vmem>> -> memref<125xi32, #tpu.memory_space<vmem>>
        %dma_start3A_108 = arith.constant 0 : i32
        %dma_start3A_109 = arith.constant 0 : i32
        %dma_start3A_110 = tpu.memref_slice %arg10[%dma_start3A_108, %dma_start3A_109] : memref<10000x64xf32, #tpu.memory_space<vmem_shared>> -> memref<10000x64xf32, #tpu.memory_space<vmem_shared>>
        tpu.enqueue_indirect_dma source(%dma_start3A_104 : memref<125x64xf32, #tpu.memory_space<vmem>>) target(%dma_start3A_110 : memref<10000x64xf32, #tpu.memory_space<vmem_shared>>) offsets(%dma_start3A_107 : memref<125xi32, #tpu.memory_space<vmem>>) semaphore(%run_scoped3A_100 : memref<!tpu.dma_semaphore, #tpu.memory_space<semaphore_mem>>) {add = true}
        %dma_wait3A_111 = arith.constant 0 : i32
        %dma_wait3A_112 = arith.constant 0 : i32
        %dma_wait3A_113 = tpu.memref_slice %arg8[%run_scoped3A_92, %dma_wait3A_111, %dma_wait3A_112] : memref<2x125x64xf32, #tpu.memory_space<vmem>> -> memref<1x125x64xf32, #tpu.memory_space<vmem>>
        %dma_wait3A_114 = tpu.memref_squeeze %dma_wait3A_113 : memref<1x125x64xf32, #tpu.memory_space<vmem>> -> memref<125x64xf32, #tpu.memory_space<vmem>>
        %dma_wait3A_115 = arith.constant 0 : i32
        %dma_wait3A_116 = tpu.memref_slice %arg7[%add3A_79, %dma_wait3A_115] : memref<160x125xi32, #tpu.memory_space<vmem>> -> memref<1x125xi32, #tpu.memory_space<vmem>>
        %dma_wait3A_117 = tpu.memref_squeeze %dma_wait3A_116 : memref<1x125xi32, #tpu.memory_space<vmem>> -> memref<125xi32, #tpu.memory_space<vmem>>
        %dma_wait3A_118 = arith.constant 0 : i32
        %dma_wait3A_119 = arith.constant 0 : i32
        %dma_wait3A_120 = tpu.memref_slice %arg10[%dma_wait3A_118, %dma_wait3A_119] : memref<10000x64xf32, #tpu.memory_space<vmem_shared>> -> memref<10000x64xf32, #tpu.memory_space<vmem_shared>>
        tpu.wait_indirect_dma semaphore(%run_scoped3A_100 : memref<!tpu.dma_semaphore, #tpu.memory_space<semaphore_mem>>) src(%dma_wait3A_114 : memref<125x64xf32, #tpu.memory_space<vmem>>) dst(%dma_wait3A_120 : memref<10000x64xf32, #tpu.memory_space<vmem_shared>>)
        tpu.yield
      }) : () -> ()
      %add3A_93 = arith.constant 2 : i32
      %add3A_94 = arith.addi %add3A_79, %add3A_93 : i32
      %lt3A_95 = arith.constant 160 : i32
      %lt3A_96 = arith.cmpi slt, %add3A_94, %lt3A_95 : i32
      %convert_element_type3A_97 = arith.extui %lt3A_96 : i1 to i32
      %cond3A_98 = arith.constant 0 : i32
      %cond3A_99 = arith.cmpi ne, %convert_element_type3A_97, %cond3A_98 : i32
      scf.if %cond3A_99 {
        %dma_start3A_100 = arith.constant 1 : i32
        %dma_start3A_101 = arith.constant 0 : i32
        %dma_start3A_102 = arith.constant 0 : i32
        %dma_start3A_103 = tpu.memref_slice %arg8[%dma_start3A_100, %dma_start3A_101, %dma_start3A_102] : memref<2x125x64xf32, #tpu.memory_space<vmem>> -> memref<1x125x64xf32, #tpu.memory_space<vmem>>
        %dma_start3A_104 = tpu.memref_squeeze %dma_start3A_103 : memref<1x125x64xf32, #tpu.memory_space<vmem>> -> memref<125x64xf32, #tpu.memory_space<vmem>>
        %dma_start3A_105 = arith.constant 0 : i32
        %dma_start3A_106 = tpu.memref_slice %arg6[%add3A_94, %dma_start3A_105] : memref<160x125xi32, #tpu.memory_space<vmem>> -> memref<1x125xi32, #tpu.memory_space<vmem>>
        %dma_start3A_107 = tpu.memref_squeeze %dma_start3A_106 : memref<1x125xi32, #tpu.memory_space<vmem>> -> memref<125xi32, #tpu.memory_space<vmem>>
        %dma_start3A_108 = arith.constant 0 : i32
        %dma_start3A_109 = arith.constant 0 : i32
        %dma_start3A_110 = tpu.memref_slice %arg2[%dma_start3A_108, %dma_start3A_109] : memref<20000x64xf32, #tpu.memory_space<hbm>> -> memref<20000x64xf32, #tpu.memory_space<hbm>>
        tpu.enqueue_indirect_dma source(%dma_start3A_110 : memref<20000x64xf32, #tpu.memory_space<hbm>>) target(%dma_start3A_104 : memref<125x64xf32, #tpu.memory_space<vmem>>) offsets(%dma_start3A_107 : memref<125xi32, #tpu.memory_space<vmem>>) semaphore(%arg12 : memref<!tpu.dma_semaphore, #tpu.memory_space<semaphore_mem>>)
      } else {
      }
    }
    %scan3A_52 = arith.constant 80 : i32
    %barrier3A_53 = arith.constant 0 : index
    tpu.barrier barrier_id(%barrier3A_53)
    %mul3A_54 = arith.constant 625 : i32
    %mul3A_55 = arith.muli %arg1, %mul3A_54 : i32
    "tpu.region"() ({
      %run_scoped3A = tpu.sem_alloc : memref<!tpu.dma_semaphore, #tpu.memory_space<semaphore_mem>>
      %dma_start3A_56 = arith.constant 0 : i32
      %dma_start3A_57 = tpu.memref_slice %arg5[%arg0, %mul3A_55, %dma_start3A_56] : memref<2x10000x64xf32, #tpu.memory_space<hbm>> -> memref<1x625x64xf32, #tpu.memory_space<hbm>>
      %dma_start3A_58 = tpu.memref_squeeze %dma_start3A_57 : memref<1x625x64xf32, #tpu.memory_space<hbm>> -> memref<625x64xf32, #tpu.memory_space<hbm>>
      %dma_start3A_59 = arith.constant 0 : i32
      %dma_start3A_60 = tpu.memref_slice %arg10[%mul3A_55, %dma_start3A_59] : memref<10000x64xf32, #tpu.memory_space<vmem_shared>> -> memref<625x64xf32, #tpu.memory_space<vmem_shared>>
      tpu.enqueue_dma source(%dma_start3A_60 : memref<625x64xf32, #tpu.memory_space<vmem_shared>>) target(%dma_start3A_58 : memref<625x64xf32, #tpu.memory_space<hbm>>) target_semaphore(%run_scoped3A : memref<!tpu.dma_semaphore, #tpu.memory_space<semaphore_mem>>)
      %dma_wait3A = arith.constant 0 : i32
      %dma_wait3A_61 = tpu.memref_slice %arg5[%arg0, %mul3A_55, %dma_wait3A] : memref<2x10000x64xf32, #tpu.memory_space<hbm>> -> memref<1x625x64xf32, #tpu.memory_space<hbm>>
      %dma_wait3A_62 = tpu.memref_squeeze %dma_wait3A_61 : memref<1x625x64xf32, #tpu.memory_space<hbm>> -> memref<625x64xf32, #tpu.memory_space<hbm>>
      %dma_wait3A_63 = arith.constant 0 : i32
      %dma_wait3A_64 = tpu.memref_slice %arg10[%mul3A_55, %dma_wait3A_63] : memref<10000x64xf32, #tpu.memory_space<vmem_shared>> -> memref<625x64xf32, #tpu.memory_space<vmem_shared>>
      tpu.wait_dma2 semaphore(%run_scoped3A : memref<!tpu.dma_semaphore, #tpu.memory_space<semaphore_mem>>) src(%dma_wait3A_64 : memref<625x64xf32, #tpu.memory_space<vmem_shared>>) dst(%dma_wait3A_62 : memref<625x64xf32, #tpu.memory_space<hbm>>)
      tpu.yield
    }) : () -> ()
    return
  }
}

#map = affine_map<(d0, d1) -> (0, 0)>
#map1 = affine_map<(d0, d1) -> (0, 0, 0, 0)>
#map2 = affine_map<(d0, d1) -> (0, 0, 0)>
module attributes {stable_mosaic.version = 14 : i64} {
  func.func @body(%arg0: i32, %arg1: i32, %arg2: memref<20000x64xf32, #tpu.memory_space<hbm>>, %arg3: memref<2x16x160x125xi32, #tpu.memory_space<hbm>>, %arg4: memref<16x160x125xi32, #tpu.memory_space<hbm>>, %arg5: memref<16x160x125x16xf32, #tpu.memory_space<hbm>>, %arg6: memref<2x128x8xf32, #tpu.memory_space<hbm>>, %arg7: memref<2x10000x64xf32, #tpu.memory_space<hbm>>, %arg8: memref<2x10000x16xf32, #tpu.memory_space<hbm>>, %arg9: memref<2x10000x8xf32, #tpu.memory_space<hbm>>, %arg10: memref<160x125xi32, #tpu.memory_space<vmem>>, %arg11: memref<160x125xi32, #tpu.memory_space<vmem>>, %arg12: memref<2x125x64xf32, #tpu.memory_space<vmem>>, %arg13: memref<125x64xf32, #tpu.memory_space<vmem>>, %arg14: memref<10000x64xf32, #tpu.memory_space<vmem_shared>>, %arg15: memref<!tpu.dma_semaphore, #tpu.memory_space<semaphore_mem>>, %arg16: memref<!tpu.dma_semaphore, #tpu.memory_space<semaphore_mem>>, %arg17: memref<125x16xf32, #tpu.memory_space<vmem>>, %arg18: memref<125x16xf32, #tpu.memory_space<vmem>>, %arg19: memref<128x8xf32, #tpu.memory_space<vmem>>, %arg20: memref<10000x16xf32, #tpu.memory_space<vmem_shared>>, %arg21: memref<10000x8xf32, #tpu.memory_space<vmem_shared>>) attributes {dimension_semantics = [#tpu.dimension_semantics<core_parallel>, #tpu.dimension_semantics<subcore_parallel>], iteration_bounds = array<i64: 2, 16>, scalar_prefetch = 0 : i64, scratch_operands = 12 : i64, tpu.core_type = #tpu.core_type<sc_vector_subcore>, window_params = [{transform_indices = #map}, {transform_indices = #map1}, {transform_indices = #map2}, {transform_indices = #map1}, {transform_indices = #map2}, {transform_indices = #map2}, {transform_indices = #map2}, {transform_indices = #map2}]} {
    "tpu.region"() ({
      %run_scoped3A_103 = tpu.sem_alloc : memref<!tpu.dma_semaphore, #tpu.memory_space<semaphore_mem>>
      %dma_start3A_104 = arith.constant 0 : i32
      %dma_start3A_105 = arith.constant 0 : i32
      %dma_start3A_106 = tpu.memref_slice %arg3[%arg0, %arg1, %dma_start3A_104, %dma_start3A_105] : memref<2x16x160x125xi32, #tpu.memory_space<hbm>> -> memref<1x1x160x125xi32, #tpu.memory_space<hbm>>
      %dma_start3A_107 = tpu.memref_squeeze %dma_start3A_106 : memref<1x1x160x125xi32, #tpu.memory_space<hbm>> -> memref<160x125xi32, #tpu.memory_space<hbm>>
      %dma_start3A_108 = arith.constant 0 : i32
      %dma_start3A_109 = arith.constant 0 : i32
      %dma_start3A_110 = tpu.memref_slice %arg3[%arg0, %arg1, %dma_start3A_108, %dma_start3A_109] : memref<2x16x160x125xi32, #tpu.memory_space<hbm>> -> memref<1x1x160x125xi32, #tpu.memory_space<hbm>>
      %dma_start3A_111 = tpu.memref_squeeze %dma_start3A_110 : memref<1x1x160x125xi32, #tpu.memory_space<hbm>> -> memref<160x125xi32, #tpu.memory_space<hbm>>
      tpu.enqueue_dma source(%dma_start3A_111 : memref<160x125xi32, #tpu.memory_space<hbm>>) target(%arg10 : memref<160x125xi32, #tpu.memory_space<vmem>>) target_semaphore(%run_scoped3A_103 : memref<!tpu.dma_semaphore, #tpu.memory_space<semaphore_mem>>)
      %dma_wait3A = arith.constant 0 : i32
      %dma_wait3A_112 = arith.constant 0 : i32
      %dma_wait3A_113 = tpu.memref_slice %arg3[%arg0, %arg1, %dma_wait3A, %dma_wait3A_112] : memref<2x16x160x125xi32, #tpu.memory_space<hbm>> -> memref<1x1x160x125xi32, #tpu.memory_space<hbm>>
      %dma_wait3A_114 = tpu.memref_squeeze %dma_wait3A_113 : memref<1x1x160x125xi32, #tpu.memory_space<hbm>> -> memref<160x125xi32, #tpu.memory_space<hbm>>
      %dma_wait3A_115 = arith.constant 0 : i32
      %dma_wait3A_116 = arith.constant 0 : i32
      %dma_wait3A_117 = tpu.memref_slice %arg3[%arg0, %arg1, %dma_wait3A_115, %dma_wait3A_116] : memref<2x16x160x125xi32, #tpu.memory_space<hbm>> -> memref<1x1x160x125xi32, #tpu.memory_space<hbm>>
      %dma_wait3A_118 = tpu.memref_squeeze %dma_wait3A_117 : memref<1x1x160x125xi32, #tpu.memory_space<hbm>> -> memref<160x125xi32, #tpu.memory_space<hbm>>
      tpu.wait_dma2 semaphore(%run_scoped3A_103 : memref<!tpu.dma_semaphore, #tpu.memory_space<semaphore_mem>>) src(%dma_wait3A_118 : memref<160x125xi32, #tpu.memory_space<hbm>>) dst(%arg10 : memref<160x125xi32, #tpu.memory_space<vmem>>)
      tpu.yield
    }) : () -> ()
    "tpu.region"() ({
      %run_scoped3A_103 = tpu.sem_alloc : memref<!tpu.dma_semaphore, #tpu.memory_space<semaphore_mem>>
      %dma_start3A_104 = arith.constant 0 : i32
      %dma_start3A_105 = arith.constant 0 : i32
      %dma_start3A_106 = tpu.memref_slice %arg4[%arg1, %dma_start3A_104, %dma_start3A_105] : memref<16x160x125xi32, #tpu.memory_space<hbm>> -> memref<1x160x125xi32, #tpu.memory_space<hbm>>
      %dma_start3A_107 = tpu.memref_squeeze %dma_start3A_106 : memref<1x160x125xi32, #tpu.memory_space<hbm>> -> memref<160x125xi32, #tpu.memory_space<hbm>>
      %dma_start3A_108 = arith.constant 0 : i32
      %dma_start3A_109 = arith.constant 0 : i32
      %dma_start3A_110 = tpu.memref_slice %arg4[%arg1, %dma_start3A_108, %dma_start3A_109] : memref<16x160x125xi32, #tpu.memory_space<hbm>> -> memref<1x160x125xi32, #tpu.memory_space<hbm>>
      %dma_start3A_111 = tpu.memref_squeeze %dma_start3A_110 : memref<1x160x125xi32, #tpu.memory_space<hbm>> -> memref<160x125xi32, #tpu.memory_space<hbm>>
      tpu.enqueue_dma source(%dma_start3A_111 : memref<160x125xi32, #tpu.memory_space<hbm>>) target(%arg11 : memref<160x125xi32, #tpu.memory_space<vmem>>) target_semaphore(%run_scoped3A_103 : memref<!tpu.dma_semaphore, #tpu.memory_space<semaphore_mem>>)
      %dma_wait3A = arith.constant 0 : i32
      %dma_wait3A_112 = arith.constant 0 : i32
      %dma_wait3A_113 = tpu.memref_slice %arg4[%arg1, %dma_wait3A, %dma_wait3A_112] : memref<16x160x125xi32, #tpu.memory_space<hbm>> -> memref<1x160x125xi32, #tpu.memory_space<hbm>>
      %dma_wait3A_114 = tpu.memref_squeeze %dma_wait3A_113 : memref<1x160x125xi32, #tpu.memory_space<hbm>> -> memref<160x125xi32, #tpu.memory_space<hbm>>
      %dma_wait3A_115 = arith.constant 0 : i32
      %dma_wait3A_116 = arith.constant 0 : i32
      %dma_wait3A_117 = tpu.memref_slice %arg4[%arg1, %dma_wait3A_115, %dma_wait3A_116] : memref<16x160x125xi32, #tpu.memory_space<hbm>> -> memref<1x160x125xi32, #tpu.memory_space<hbm>>
      %dma_wait3A_118 = tpu.memref_squeeze %dma_wait3A_117 : memref<1x160x125xi32, #tpu.memory_space<hbm>> -> memref<160x125xi32, #tpu.memory_space<hbm>>
      tpu.wait_dma2 semaphore(%run_scoped3A_103 : memref<!tpu.dma_semaphore, #tpu.memory_space<semaphore_mem>>) src(%dma_wait3A_118 : memref<160x125xi32, #tpu.memory_space<hbm>>) dst(%arg11 : memref<160x125xi32, #tpu.memory_space<vmem>>)
      tpu.yield
    }) : () -> ()
    %broadcast_in_dim3A = arith.constant 0.000000e+00 : f32
    %broadcast_in_dim3A_0 = vector.broadcast %broadcast_in_dim3A : f32 to vector<16xf32>
    %scan3A = arith.constant 0 : i32
    %scan3A_1 = arith.constant 0 : i32
    %scan3A_2 = arith.constant 125 : i32
    %scan3A_3 = arith.addi %scan3A_1, %scan3A_2 : i32
    %scan3A_4 = arith.constant 1 : i32
    scf.for %scan3A_103 = %scan3A_1 to %scan3A_3 step %scan3A_4  : i32 {
      %swap3A = arith.index_cast %scan3A_103 : i32 to index
      %swap3A_104 = arith.constant 0 : index
      %swap3A_105 = tpu.vector_load %arg13[%swap3A, %swap3A_104] {strides = array<i32>} : memref<125x64xf32, #tpu.memory_space<vmem>>, vector<1x16xf32>,
      %swap3A_106 = vector.shape_cast %swap3A_105 : vector<1x16xf32> to vector<16xf32>
      %swap3A_107 = vector.shape_cast %broadcast_in_dim3A_0 : vector<16xf32> to vector<1x16xf32>
      tpu.vector_store %arg13[%swap3A, %swap3A_104], %swap3A_107 {strides = array<i32>} : memref<125x64xf32, #tpu.memory_space<vmem>>, vector<1x16xf32>,
      %swap3A_108 = arith.index_cast %scan3A_103 : i32 to index
      %swap3A_109 = arith.constant 16 : index
      %swap3A_110 = tpu.vector_load %arg13[%swap3A_108, %swap3A_109] {strides = array<i32>} : memref<125x64xf32, #tpu.memory_space<vmem>>, vector<1x16xf32>,
      %swap3A_111 = vector.shape_cast %swap3A_110 : vector<1x16xf32> to vector<16xf32>
      %swap3A_112 = vector.shape_cast %broadcast_in_dim3A_0 : vector<16xf32> to vector<1x16xf32>
      tpu.vector_store %arg13[%swap3A_108, %swap3A_109], %swap3A_112 {strides = array<i32>} : memref<125x64xf32, #tpu.memory_space<vmem>>, vector<1x16xf32>,
      %swap3A_113 = arith.index_cast %scan3A_103 : i32 to index
      %swap3A_114 = arith.constant 32 : index
      %swap3A_115 = tpu.vector_load %arg13[%swap3A_113, %swap3A_114] {strides = array<i32>} : memref<125x64xf32, #tpu.memory_space<vmem>>, vector<1x16xf32>,
      %swap3A_116 = vector.shape_cast %swap3A_115 : vector<1x16xf32> to vector<16xf32>
      %swap3A_117 = vector.shape_cast %broadcast_in_dim3A_0 : vector<16xf32> to vector<1x16xf32>
      tpu.vector_store %arg13[%swap3A_113, %swap3A_114], %swap3A_117 {strides = array<i32>} : memref<125x64xf32, #tpu.memory_space<vmem>>, vector<1x16xf32>,
      %swap3A_118 = arith.index_cast %scan3A_103 : i32 to index
      %swap3A_119 = arith.constant 48 : index
      %swap3A_120 = tpu.vector_load %arg13[%swap3A_118, %swap3A_119] {strides = array<i32>} : memref<125x64xf32, #tpu.memory_space<vmem>>, vector<1x16xf32>,
      %swap3A_121 = vector.shape_cast %swap3A_120 : vector<1x16xf32> to vector<16xf32>
      %swap3A_122 = vector.shape_cast %broadcast_in_dim3A_0 : vector<16xf32> to vector<1x16xf32>
      tpu.vector_store %arg13[%swap3A_118, %swap3A_119], %swap3A_122 {strides = array<i32>} : memref<125x64xf32, #tpu.memory_space<vmem>>, vector<1x16xf32>,
    }
    %scan3A_5 = arith.constant 125 : i32
    %mul3A = arith.constant 625 : i32
    %mul3A_6 = arith.muli %arg1, %mul3A : i32
    %add3A = arith.constant 0 : i32
    %add3A_7 = arith.addi %mul3A_6, %add3A : i32
    "tpu.region"() ({
      %run_scoped3A_103 = tpu.sem_alloc : memref<!tpu.dma_semaphore, #tpu.memory_space<semaphore_mem>>
      %dma_start3A_104 = arith.constant 0 : i32
      %dma_start3A_105 = tpu.memref_slice %arg14[%add3A_7, %dma_start3A_104] : memref<10000x64xf32, #tpu.memory_space<vmem_shared>> -> memref<125x64xf32, #tpu.memory_space<vmem_shared>>
      %dma_start3A_106 = arith.constant 0 : i32
      %dma_start3A_107 = tpu.memref_slice %arg14[%add3A_7, %dma_start3A_106] : memref<10000x64xf32, #tpu.memory_space<vmem_shared>> -> memref<125x64xf32, #tpu.memory_space<vmem_shared>>
      tpu.enqueue_dma source(%arg13 : memref<125x64xf32, #tpu.memory_space<vmem>>) target(%dma_start3A_107 : memref<125x64xf32, #tpu.memory_space<vmem_shared>>) target_semaphore(%run_scoped3A_103 : memref<!tpu.dma_semaphore, #tpu.memory_space<semaphore_mem>>)
      %dma_wait3A = arith.constant 0 : i32
      %dma_wait3A_108 = tpu.memref_slice %arg14[%add3A_7, %dma_wait3A] : memref<10000x64xf32, #tpu.memory_space<vmem_shared>> -> memref<125x64xf32, #tpu.memory_space<vmem_shared>>
      %dma_wait3A_109 = arith.constant 0 : i32
      %dma_wait3A_110 = tpu.memref_slice %arg14[%add3A_7, %dma_wait3A_109] : memref<10000x64xf32, #tpu.memory_space<vmem_shared>> -> memref<125x64xf32, #tpu.memory_space<vmem_shared>>
      tpu.wait_dma2 semaphore(%run_scoped3A_103 : memref<!tpu.dma_semaphore, #tpu.memory_space<semaphore_mem>>) src(%arg13 : memref<125x64xf32, #tpu.memory_space<vmem>>) dst(%dma_wait3A_110 : memref<125x64xf32, #tpu.memory_space<vmem_shared>>)
      tpu.yield
    }) : () -> ()
    %mul3A_8 = arith.constant 625 : i32
    %mul3A_9 = arith.muli %arg1, %mul3A_8 : i32
    %add3A_10 = arith.constant 125 : i32
    %add3A_11 = arith.addi %mul3A_9, %add3A_10 : i32
    "tpu.region"() ({
      %run_scoped3A_103 = tpu.sem_alloc : memref<!tpu.dma_semaphore, #tpu.memory_space<semaphore_mem>>
      %dma_start3A_104 = arith.constant 0 : i32
      %dma_start3A_105 = tpu.memref_slice %arg14[%add3A_11, %dma_start3A_104] : memref<10000x64xf32, #tpu.memory_space<vmem_shared>> -> memref<125x64xf32, #tpu.memory_space<vmem_shared>>
      %dma_start3A_106 = arith.constant 0 : i32
      %dma_start3A_107 = tpu.memref_slice %arg14[%add3A_11, %dma_start3A_106] : memref<10000x64xf32, #tpu.memory_space<vmem_shared>> -> memref<125x64xf32, #tpu.memory_space<vmem_shared>>
      tpu.enqueue_dma source(%arg13 : memref<125x64xf32, #tpu.memory_space<vmem>>) target(%dma_start3A_107 : memref<125x64xf32, #tpu.memory_space<vmem_shared>>) target_semaphore(%run_scoped3A_103 : memref<!tpu.dma_semaphore, #tpu.memory_space<semaphore_mem>>)
      %dma_wait3A = arith.constant 0 : i32
      %dma_wait3A_108 = tpu.memref_slice %arg14[%add3A_11, %dma_wait3A] : memref<10000x64xf32, #tpu.memory_space<vmem_shared>> -> memref<125x64xf32, #tpu.memory_space<vmem_shared>>
      %dma_wait3A_109 = arith.constant 0 : i32
      %dma_wait3A_110 = tpu.memref_slice %arg14[%add3A_11, %dma_wait3A_109] : memref<10000x64xf32, #tpu.memory_space<vmem_shared>> -> memref<125x64xf32, #tpu.memory_space<vmem_shared>>
      tpu.wait_dma2 semaphore(%run_scoped3A_103 : memref<!tpu.dma_semaphore, #tpu.memory_space<semaphore_mem>>) src(%arg13 : memref<125x64xf32, #tpu.memory_space<vmem>>) dst(%dma_wait3A_110 : memref<125x64xf32, #tpu.memory_space<vmem_shared>>)
      tpu.yield
    }) : () -> ()
    %mul3A_12 = arith.constant 625 : i32
    %mul3A_13 = arith.muli %arg1, %mul3A_12 : i32
    %add3A_14 = arith.constant 250 : i32
    %add3A_15 = arith.addi %mul3A_13, %add3A_14 : i32
    "tpu.region"() ({
      %run_scoped3A_103 = tpu.sem_alloc : memref<!tpu.dma_semaphore, #tpu.memory_space<semaphore_mem>>
      %dma_start3A_104 = arith.constant 0 : i32
      %dma_start3A_105 = tpu.memref_slice %arg14[%add3A_15, %dma_start3A_104] : memref<10000x64xf32, #tpu.memory_space<vmem_shared>> -> memref<125x64xf32, #tpu.memory_space<vmem_shared>>
      %dma_start3A_106 = arith.constant 0 : i32
      %dma_start3A_107 = tpu.memref_slice %arg14[%add3A_15, %dma_start3A_106] : memref<10000x64xf32, #tpu.memory_space<vmem_shared>> -> memref<125x64xf32, #tpu.memory_space<vmem_shared>>
      tpu.enqueue_dma source(%arg13 : memref<125x64xf32, #tpu.memory_space<vmem>>) target(%dma_start3A_107 : memref<125x64xf32, #tpu.memory_space<vmem_shared>>) target_semaphore(%run_scoped3A_103 : memref<!tpu.dma_semaphore, #tpu.memory_space<semaphore_mem>>)
      %dma_wait3A = arith.constant 0 : i32
      %dma_wait3A_108 = tpu.memref_slice %arg14[%add3A_15, %dma_wait3A] : memref<10000x64xf32, #tpu.memory_space<vmem_shared>> -> memref<125x64xf32, #tpu.memory_space<vmem_shared>>
      %dma_wait3A_109 = arith.constant 0 : i32
      %dma_wait3A_110 = tpu.memref_slice %arg14[%add3A_15, %dma_wait3A_109] : memref<10000x64xf32, #tpu.memory_space<vmem_shared>> -> memref<125x64xf32, #tpu.memory_space<vmem_shared>>
      tpu.wait_dma2 semaphore(%run_scoped3A_103 : memref<!tpu.dma_semaphore, #tpu.memory_space<semaphore_mem>>) src(%arg13 : memref<125x64xf32, #tpu.memory_space<vmem>>) dst(%dma_wait3A_110 : memref<125x64xf32, #tpu.memory_space<vmem_shared>>)
      tpu.yield
    }) : () -> ()
    %mul3A_16 = arith.constant 625 : i32
    %mul3A_17 = arith.muli %arg1, %mul3A_16 : i32
    %add3A_18 = arith.constant 375 : i32
    %add3A_19 = arith.addi %mul3A_17, %add3A_18 : i32
    "tpu.region"() ({
      %run_scoped3A_103 = tpu.sem_alloc : memref<!tpu.dma_semaphore, #tpu.memory_space<semaphore_mem>>
      %dma_start3A_104 = arith.constant 0 : i32
      %dma_start3A_105 = tpu.memref_slice %arg14[%add3A_19, %dma_start3A_104] : memref<10000x64xf32, #tpu.memory_space<vmem_shared>> -> memref<125x64xf32, #tpu.memory_space<vmem_shared>>
      %dma_start3A_106 = arith.constant 0 : i32
      %dma_start3A_107 = tpu.memref_slice %arg14[%add3A_19, %dma_start3A_106] : memref<10000x64xf32, #tpu.memory_space<vmem_shared>> -> memref<125x64xf32, #tpu.memory_space<vmem_shared>>
      tpu.enqueue_dma source(%arg13 : memref<125x64xf32, #tpu.memory_space<vmem>>) target(%dma_start3A_107 : memref<125x64xf32, #tpu.memory_space<vmem_shared>>) target_semaphore(%run_scoped3A_103 : memref<!tpu.dma_semaphore, #tpu.memory_space<semaphore_mem>>)
      %dma_wait3A = arith.constant 0 : i32
      %dma_wait3A_108 = tpu.memref_slice %arg14[%add3A_19, %dma_wait3A] : memref<10000x64xf32, #tpu.memory_space<vmem_shared>> -> memref<125x64xf32, #tpu.memory_space<vmem_shared>>
      %dma_wait3A_109 = arith.constant 0 : i32
      %dma_wait3A_110 = tpu.memref_slice %arg14[%add3A_19, %dma_wait3A_109] : memref<10000x64xf32, #tpu.memory_space<vmem_shared>> -> memref<125x64xf32, #tpu.memory_space<vmem_shared>>
      tpu.wait_dma2 semaphore(%run_scoped3A_103 : memref<!tpu.dma_semaphore, #tpu.memory_space<semaphore_mem>>) src(%arg13 : memref<125x64xf32, #tpu.memory_space<vmem>>) dst(%dma_wait3A_110 : memref<125x64xf32, #tpu.memory_space<vmem_shared>>)
      tpu.yield
    }) : () -> ()
    %mul3A_20 = arith.constant 625 : i32
    %mul3A_21 = arith.muli %arg1, %mul3A_20 : i32
    %add3A_22 = arith.constant 500 : i32
    %add3A_23 = arith.addi %mul3A_21, %add3A_22 : i32
    "tpu.region"() ({
      %run_scoped3A_103 = tpu.sem_alloc : memref<!tpu.dma_semaphore, #tpu.memory_space<semaphore_mem>>
      %dma_start3A_104 = arith.constant 0 : i32
      %dma_start3A_105 = tpu.memref_slice %arg14[%add3A_23, %dma_start3A_104] : memref<10000x64xf32, #tpu.memory_space<vmem_shared>> -> memref<125x64xf32, #tpu.memory_space<vmem_shared>>
      %dma_start3A_106 = arith.constant 0 : i32
      %dma_start3A_107 = tpu.memref_slice %arg14[%add3A_23, %dma_start3A_106] : memref<10000x64xf32, #tpu.memory_space<vmem_shared>> -> memref<125x64xf32, #tpu.memory_space<vmem_shared>>
      tpu.enqueue_dma source(%arg13 : memref<125x64xf32, #tpu.memory_space<vmem>>) target(%dma_start3A_107 : memref<125x64xf32, #tpu.memory_space<vmem_shared>>) target_semaphore(%run_scoped3A_103 : memref<!tpu.dma_semaphore, #tpu.memory_space<semaphore_mem>>)
      %dma_wait3A = arith.constant 0 : i32
      %dma_wait3A_108 = tpu.memref_slice %arg14[%add3A_23, %dma_wait3A] : memref<10000x64xf32, #tpu.memory_space<vmem_shared>> -> memref<125x64xf32, #tpu.memory_space<vmem_shared>>
      %dma_wait3A_109 = arith.constant 0 : i32
      %dma_wait3A_110 = tpu.memref_slice %arg14[%add3A_23, %dma_wait3A_109] : memref<10000x64xf32, #tpu.memory_space<vmem_shared>> -> memref<125x64xf32, #tpu.memory_space<vmem_shared>>
      tpu.wait_dma2 semaphore(%run_scoped3A_103 : memref<!tpu.dma_semaphore, #tpu.memory_space<semaphore_mem>>) src(%arg13 : memref<125x64xf32, #tpu.memory_space<vmem>>) dst(%dma_wait3A_110 : memref<125x64xf32, #tpu.memory_space<vmem_shared>>)
      tpu.yield
    }) : () -> ()
    %scan3A_24 = arith.constant 0 : i32
    %scan3A_25 = arith.constant 0 : i32
    %scan3A_26 = arith.constant 125 : i32
    %scan3A_27 = arith.addi %scan3A_25, %scan3A_26 : i32
    %scan3A_28 = arith.constant 1 : i32
    scf.for %scan3A_103 = %scan3A_25 to %scan3A_27 step %scan3A_28  : i32 {
      %swap3A = arith.index_cast %scan3A_103 : i32 to index
      %swap3A_104 = arith.constant 0 : index
      %swap3A_105 = tpu.vector_load %arg18[%swap3A, %swap3A_104] {strides = array<i32>} : memref<125x16xf32, #tpu.memory_space<vmem>>, vector<1x16xf32>,
      %swap3A_106 = vector.shape_cast %swap3A_105 : vector<1x16xf32> to vector<16xf32>
      %swap3A_107 = vector.shape_cast %broadcast_in_dim3A_0 : vector<16xf32> to vector<1x16xf32>
      tpu.vector_store %arg18[%swap3A, %swap3A_104], %swap3A_107 {strides = array<i32>} : memref<125x16xf32, #tpu.memory_space<vmem>>, vector<1x16xf32>,
    }
    %scan3A_29 = arith.constant 125 : i32
    %mul3A_30 = arith.constant 625 : i32
    %mul3A_31 = arith.muli %arg1, %mul3A_30 : i32
    %add3A_32 = arith.constant 0 : i32
    %add3A_33 = arith.addi %mul3A_31, %add3A_32 : i32
    "tpu.region"() ({
      %run_scoped3A_103 = tpu.sem_alloc : memref<!tpu.dma_semaphore, #tpu.memory_space<semaphore_mem>>
      %dma_start3A_104 = arith.constant 0 : i32
      %dma_start3A_105 = tpu.memref_slice %arg20[%add3A_33, %dma_start3A_104] : memref<10000x16xf32, #tpu.memory_space<vmem_shared>> -> memref<125x16xf32, #tpu.memory_space<vmem_shared>>
      %dma_start3A_106 = arith.constant 0 : i32
      %dma_start3A_107 = tpu.memref_slice %arg20[%add3A_33, %dma_start3A_106] : memref<10000x16xf32, #tpu.memory_space<vmem_shared>> -> memref<125x16xf32, #tpu.memory_space<vmem_shared>>
      tpu.enqueue_dma source(%arg18 : memref<125x16xf32, #tpu.memory_space<vmem>>) target(%dma_start3A_107 : memref<125x16xf32, #tpu.memory_space<vmem_shared>>) target_semaphore(%run_scoped3A_103 : memref<!tpu.dma_semaphore, #tpu.memory_space<semaphore_mem>>)
      %dma_wait3A = arith.constant 0 : i32
      %dma_wait3A_108 = tpu.memref_slice %arg20[%add3A_33, %dma_wait3A] : memref<10000x16xf32, #tpu.memory_space<vmem_shared>> -> memref<125x16xf32, #tpu.memory_space<vmem_shared>>
      %dma_wait3A_109 = arith.constant 0 : i32
      %dma_wait3A_110 = tpu.memref_slice %arg20[%add3A_33, %dma_wait3A_109] : memref<10000x16xf32, #tpu.memory_space<vmem_shared>> -> memref<125x16xf32, #tpu.memory_space<vmem_shared>>
      tpu.wait_dma2 semaphore(%run_scoped3A_103 : memref<!tpu.dma_semaphore, #tpu.memory_space<semaphore_mem>>) src(%arg18 : memref<125x16xf32, #tpu.memory_space<vmem>>) dst(%dma_wait3A_110 : memref<125x16xf32, #tpu.memory_space<vmem_shared>>)
      tpu.yield
    }) : () -> ()
    %mul3A_34 = arith.constant 625 : i32
    %mul3A_35 = arith.muli %arg1, %mul3A_34 : i32
    %add3A_36 = arith.constant 125 : i32
    %add3A_37 = arith.addi %mul3A_35, %add3A_36 : i32
    "tpu.region"() ({
      %run_scoped3A_103 = tpu.sem_alloc : memref<!tpu.dma_semaphore, #tpu.memory_space<semaphore_mem>>
      %dma_start3A_104 = arith.constant 0 : i32
      %dma_start3A_105 = tpu.memref_slice %arg20[%add3A_37, %dma_start3A_104] : memref<10000x16xf32, #tpu.memory_space<vmem_shared>> -> memref<125x16xf32, #tpu.memory_space<vmem_shared>>
      %dma_start3A_106 = arith.constant 0 : i32
      %dma_start3A_107 = tpu.memref_slice %arg20[%add3A_37, %dma_start3A_106] : memref<10000x16xf32, #tpu.memory_space<vmem_shared>> -> memref<125x16xf32, #tpu.memory_space<vmem_shared>>
      tpu.enqueue_dma source(%arg18 : memref<125x16xf32, #tpu.memory_space<vmem>>) target(%dma_start3A_107 : memref<125x16xf32, #tpu.memory_space<vmem_shared>>) target_semaphore(%run_scoped3A_103 : memref<!tpu.dma_semaphore, #tpu.memory_space<semaphore_mem>>)
      %dma_wait3A = arith.constant 0 : i32
      %dma_wait3A_108 = tpu.memref_slice %arg20[%add3A_37, %dma_wait3A] : memref<10000x16xf32, #tpu.memory_space<vmem_shared>> -> memref<125x16xf32, #tpu.memory_space<vmem_shared>>
      %dma_wait3A_109 = arith.constant 0 : i32
      %dma_wait3A_110 = tpu.memref_slice %arg20[%add3A_37, %dma_wait3A_109] : memref<10000x16xf32, #tpu.memory_space<vmem_shared>> -> memref<125x16xf32, #tpu.memory_space<vmem_shared>>
      tpu.wait_dma2 semaphore(%run_scoped3A_103 : memref<!tpu.dma_semaphore, #tpu.memory_space<semaphore_mem>>) src(%arg18 : memref<125x16xf32, #tpu.memory_space<vmem>>) dst(%dma_wait3A_110 : memref<125x16xf32, #tpu.memory_space<vmem_shared>>)
      tpu.yield
    }) : () -> ()
    %mul3A_38 = arith.constant 625 : i32
    %mul3A_39 = arith.muli %arg1, %mul3A_38 : i32
    %add3A_40 = arith.constant 250 : i32
    %add3A_41 = arith.addi %mul3A_39, %add3A_40 : i32
    "tpu.region"() ({
      %run_scoped3A_103 = tpu.sem_alloc : memref<!tpu.dma_semaphore, #tpu.memory_space<semaphore_mem>>
      %dma_start3A_104 = arith.constant 0 : i32
      %dma_start3A_105 = tpu.memref_slice %arg20[%add3A_41, %dma_start3A_104] : memref<10000x16xf32, #tpu.memory_space<vmem_shared>> -> memref<125x16xf32, #tpu.memory_space<vmem_shared>>
      %dma_start3A_106 = arith.constant 0 : i32
      %dma_start3A_107 = tpu.memref_slice %arg20[%add3A_41, %dma_start3A_106] : memref<10000x16xf32, #tpu.memory_space<vmem_shared>> -> memref<125x16xf32, #tpu.memory_space<vmem_shared>>
      tpu.enqueue_dma source(%arg18 : memref<125x16xf32, #tpu.memory_space<vmem>>) target(%dma_start3A_107 : memref<125x16xf32, #tpu.memory_space<vmem_shared>>) target_semaphore(%run_scoped3A_103 : memref<!tpu.dma_semaphore, #tpu.memory_space<semaphore_mem>>)
      %dma_wait3A = arith.constant 0 : i32
      %dma_wait3A_108 = tpu.memref_slice %arg20[%add3A_41, %dma_wait3A] : memref<10000x16xf32, #tpu.memory_space<vmem_shared>> -> memref<125x16xf32, #tpu.memory_space<vmem_shared>>
      %dma_wait3A_109 = arith.constant 0 : i32
      %dma_wait3A_110 = tpu.memref_slice %arg20[%add3A_41, %dma_wait3A_109] : memref<10000x16xf32, #tpu.memory_space<vmem_shared>> -> memref<125x16xf32, #tpu.memory_space<vmem_shared>>
      tpu.wait_dma2 semaphore(%run_scoped3A_103 : memref<!tpu.dma_semaphore, #tpu.memory_space<semaphore_mem>>) src(%arg18 : memref<125x16xf32, #tpu.memory_space<vmem>>) dst(%dma_wait3A_110 : memref<125x16xf32, #tpu.memory_space<vmem_shared>>)
      tpu.yield
    }) : () -> ()
    %mul3A_42 = arith.constant 625 : i32
    %mul3A_43 = arith.muli %arg1, %mul3A_42 : i32
    %add3A_44 = arith.constant 375 : i32
    %add3A_45 = arith.addi %mul3A_43, %add3A_44 : i32
    "tpu.region"() ({
      %run_scoped3A_103 = tpu.sem_alloc : memref<!tpu.dma_semaphore, #tpu.memory_space<semaphore_mem>>
      %dma_start3A_104 = arith.constant 0 : i32
      %dma_start3A_105 = tpu.memref_slice %arg20[%add3A_45, %dma_start3A_104] : memref<10000x16xf32, #tpu.memory_space<vmem_shared>> -> memref<125x16xf32, #tpu.memory_space<vmem_shared>>
      %dma_start3A_106 = arith.constant 0 : i32
      %dma_start3A_107 = tpu.memref_slice %arg20[%add3A_45, %dma_start3A_106] : memref<10000x16xf32, #tpu.memory_space<vmem_shared>> -> memref<125x16xf32, #tpu.memory_space<vmem_shared>>
      tpu.enqueue_dma source(%arg18 : memref<125x16xf32, #tpu.memory_space<vmem>>) target(%dma_start3A_107 : memref<125x16xf32, #tpu.memory_space<vmem_shared>>) target_semaphore(%run_scoped3A_103 : memref<!tpu.dma_semaphore, #tpu.memory_space<semaphore_mem>>)
      %dma_wait3A = arith.constant 0 : i32
      %dma_wait3A_108 = tpu.memref_slice %arg20[%add3A_45, %dma_wait3A] : memref<10000x16xf32, #tpu.memory_space<vmem_shared>> -> memref<125x16xf32, #tpu.memory_space<vmem_shared>>
      %dma_wait3A_109 = arith.constant 0 : i32
      %dma_wait3A_110 = tpu.memref_slice %arg20[%add3A_45, %dma_wait3A_109] : memref<10000x16xf32, #tpu.memory_space<vmem_shared>> -> memref<125x16xf32, #tpu.memory_space<vmem_shared>>
      tpu.wait_dma2 semaphore(%run_scoped3A_103 : memref<!tpu.dma_semaphore, #tpu.memory_space<semaphore_mem>>) src(%arg18 : memref<125x16xf32, #tpu.memory_space<vmem>>) dst(%dma_wait3A_110 : memref<125x16xf32, #tpu.memory_space<vmem_shared>>)
      tpu.yield
    }) : () -> ()
    %mul3A_46 = arith.constant 625 : i32
    %mul3A_47 = arith.muli %arg1, %mul3A_46 : i32
    %add3A_48 = arith.constant 500 : i32
    %add3A_49 = arith.addi %mul3A_47, %add3A_48 : i32
    "tpu.region"() ({
      %run_scoped3A_103 = tpu.sem_alloc : memref<!tpu.dma_semaphore, #tpu.memory_space<semaphore_mem>>
      %dma_start3A_104 = arith.constant 0 : i32
      %dma_start3A_105 = tpu.memref_slice %arg20[%add3A_49, %dma_start3A_104] : memref<10000x16xf32, #tpu.memory_space<vmem_shared>> -> memref<125x16xf32, #tpu.memory_space<vmem_shared>>
      %dma_start3A_106 = arith.constant 0 : i32
      %dma_start3A_107 = tpu.memref_slice %arg20[%add3A_49, %dma_start3A_106] : memref<10000x16xf32, #tpu.memory_space<vmem_shared>> -> memref<125x16xf32, #tpu.memory_space<vmem_shared>>
      tpu.enqueue_dma source(%arg18 : memref<125x16xf32, #tpu.memory_space<vmem>>) target(%dma_start3A_107 : memref<125x16xf32, #tpu.memory_space<vmem_shared>>) target_semaphore(%run_scoped3A_103 : memref<!tpu.dma_semaphore, #tpu.memory_space<semaphore_mem>>)
      %dma_wait3A = arith.constant 0 : i32
      %dma_wait3A_108 = tpu.memref_slice %arg20[%add3A_49, %dma_wait3A] : memref<10000x16xf32, #tpu.memory_space<vmem_shared>> -> memref<125x16xf32, #tpu.memory_space<vmem_shared>>
      %dma_wait3A_109 = arith.constant 0 : i32
      %dma_wait3A_110 = tpu.memref_slice %arg20[%add3A_49, %dma_wait3A_109] : memref<10000x16xf32, #tpu.memory_space<vmem_shared>> -> memref<125x16xf32, #tpu.memory_space<vmem_shared>>
      tpu.wait_dma2 semaphore(%run_scoped3A_103 : memref<!tpu.dma_semaphore, #tpu.memory_space<semaphore_mem>>) src(%arg18 : memref<125x16xf32, #tpu.memory_space<vmem>>) dst(%dma_wait3A_110 : memref<125x16xf32, #tpu.memory_space<vmem_shared>>)
      tpu.yield
    }) : () -> ()
    %run_scoped3A = arith.constant 1 : i32
    "tpu.region"() ({
      %run_scoped3A_103 = tpu.sem_alloc : memref<!tpu.dma_semaphore, #tpu.memory_space<semaphore_mem>>
      %dma_start3A_104 = arith.constant 0 : i32
      %dma_start3A_105 = arith.constant 0 : i32
      %dma_start3A_106 = tpu.memref_slice %arg6[%run_scoped3A, %dma_start3A_104, %dma_start3A_105] : memref<2x128x8xf32, #tpu.memory_space<hbm>> -> memref<1x128x8xf32, #tpu.memory_space<hbm>>
      %dma_start3A_107 = tpu.memref_squeeze %dma_start3A_106 : memref<1x128x8xf32, #tpu.memory_space<hbm>> -> memref<128x8xf32, #tpu.memory_space<hbm>>
      %dma_start3A_108 = arith.constant 0 : i32
      %dma_start3A_109 = arith.constant 0 : i32
      %dma_start3A_110 = tpu.memref_slice %arg6[%run_scoped3A, %dma_start3A_108, %dma_start3A_109] : memref<2x128x8xf32, #tpu.memory_space<hbm>> -> memref<1x128x8xf32, #tpu.memory_space<hbm>>
      %dma_start3A_111 = tpu.memref_squeeze %dma_start3A_110 : memref<1x128x8xf32, #tpu.memory_space<hbm>> -> memref<128x8xf32, #tpu.memory_space<hbm>>
      tpu.enqueue_dma source(%dma_start3A_111 : memref<128x8xf32, #tpu.memory_space<hbm>>) target(%arg19 : memref<128x8xf32, #tpu.memory_space<vmem>>) target_semaphore(%run_scoped3A_103 : memref<!tpu.dma_semaphore, #tpu.memory_space<semaphore_mem>>)
      %dma_wait3A = arith.constant 0 : i32
      %dma_wait3A_112 = arith.constant 0 : i32
      %dma_wait3A_113 = tpu.memref_slice %arg6[%run_scoped3A, %dma_wait3A, %dma_wait3A_112] : memref<2x128x8xf32, #tpu.memory_space<hbm>> -> memref<1x128x8xf32, #tpu.memory_space<hbm>>
      %dma_wait3A_114 = tpu.memref_squeeze %dma_wait3A_113 : memref<1x128x8xf32, #tpu.memory_space<hbm>> -> memref<128x8xf32, #tpu.memory_space<hbm>>
      %dma_wait3A_115 = arith.constant 0 : i32
      %dma_wait3A_116 = arith.constant 0 : i32
      %dma_wait3A_117 = tpu.memref_slice %arg6[%run_scoped3A, %dma_wait3A_115, %dma_wait3A_116] : memref<2x128x8xf32, #tpu.memory_space<hbm>> -> memref<1x128x8xf32, #tpu.memory_space<hbm>>
      %dma_wait3A_118 = tpu.memref_squeeze %dma_wait3A_117 : memref<1x128x8xf32, #tpu.memory_space<hbm>> -> memref<128x8xf32, #tpu.memory_space<hbm>>
      tpu.wait_dma2 semaphore(%run_scoped3A_103 : memref<!tpu.dma_semaphore, #tpu.memory_space<semaphore_mem>>) src(%dma_wait3A_118 : memref<128x8xf32, #tpu.memory_space<hbm>>) dst(%arg19 : memref<128x8xf32, #tpu.memory_space<vmem>>)
      tpu.yield
    }) : () -> ()
    %mul3A_50 = arith.constant 625 : i32
    %mul3A_51 = arith.muli %arg1, %mul3A_50 : i32
    %add3A_52 = arith.constant 0 : i32
    %add3A_53 = arith.addi %mul3A_51, %add3A_52 : i32
    "tpu.region"() ({
      %run_scoped3A_103 = tpu.sem_alloc : memref<!tpu.dma_semaphore, #tpu.memory_space<semaphore_mem>>
      %dma_start3A_104 = arith.constant 0 : i32
      %dma_start3A_105 = arith.constant 0 : i32
      %dma_start3A_106 = tpu.memref_slice %arg19[%dma_start3A_104, %dma_start3A_105] : memref<128x8xf32, #tpu.memory_space<vmem>> -> memref<125x8xf32, #tpu.memory_space<vmem>>
      %dma_start3A_107 = arith.constant 0 : i32
      %dma_start3A_108 = tpu.memref_slice %arg21[%add3A_53, %dma_start3A_107] : memref<10000x8xf32, #tpu.memory_space<vmem_shared>> -> memref<125x8xf32, #tpu.memory_space<vmem_shared>>
      %dma_start3A_109 = arith.constant 0 : i32
      %dma_start3A_110 = tpu.memref_slice %arg21[%add3A_53, %dma_start3A_109] : memref<10000x8xf32, #tpu.memory_space<vmem_shared>> -> memref<125x8xf32, #tpu.memory_space<vmem_shared>>
      %dma_start3A_111 = arith.constant 0 : i32
      %dma_start3A_112 = arith.constant 0 : i32
      %dma_start3A_113 = tpu.memref_slice %arg19[%dma_start3A_111, %dma_start3A_112] : memref<128x8xf32, #tpu.memory_space<vmem>> -> memref<125x8xf32, #tpu.memory_space<vmem>>
      tpu.enqueue_dma source(%dma_start3A_113 : memref<125x8xf32, #tpu.memory_space<vmem>>) target(%dma_start3A_110 : memref<125x8xf32, #tpu.memory_space<vmem_shared>>) target_semaphore(%run_scoped3A_103 : memref<!tpu.dma_semaphore, #tpu.memory_space<semaphore_mem>>)
      %dma_wait3A = arith.constant 0 : i32
      %dma_wait3A_114 = arith.constant 0 : i32
      %dma_wait3A_115 = tpu.memref_slice %arg19[%dma_wait3A, %dma_wait3A_114] : memref<128x8xf32, #tpu.memory_space<vmem>> -> memref<125x8xf32, #tpu.memory_space<vmem>>
      %dma_wait3A_116 = arith.constant 0 : i32
      %dma_wait3A_117 = tpu.memref_slice %arg21[%add3A_53, %dma_wait3A_116] : memref<10000x8xf32, #tpu.memory_space<vmem_shared>> -> memref<125x8xf32, #tpu.memory_space<vmem_shared>>
      %dma_wait3A_118 = arith.constant 0 : i32
      %dma_wait3A_119 = tpu.memref_slice %arg21[%add3A_53, %dma_wait3A_118] : memref<10000x8xf32, #tpu.memory_space<vmem_shared>> -> memref<125x8xf32, #tpu.memory_space<vmem_shared>>
      %dma_wait3A_120 = arith.constant 0 : i32
      %dma_wait3A_121 = arith.constant 0 : i32
      %dma_wait3A_122 = tpu.memref_slice %arg19[%dma_wait3A_120, %dma_wait3A_121] : memref<128x8xf32, #tpu.memory_space<vmem>> -> memref<125x8xf32, #tpu.memory_space<vmem>>
      tpu.wait_dma2 semaphore(%run_scoped3A_103 : memref<!tpu.dma_semaphore, #tpu.memory_space<semaphore_mem>>) src(%dma_wait3A_122 : memref<125x8xf32, #tpu.memory_space<vmem>>) dst(%dma_wait3A_119 : memref<125x8xf32, #tpu.memory_space<vmem_shared>>)
      tpu.yield
    }) : () -> ()
    %mul3A_54 = arith.constant 625 : i32
    %mul3A_55 = arith.muli %arg1, %mul3A_54 : i32
    %add3A_56 = arith.constant 125 : i32
    %add3A_57 = arith.addi %mul3A_55, %add3A_56 : i32
    "tpu.region"() ({
      %run_scoped3A_103 = tpu.sem_alloc : memref<!tpu.dma_semaphore, #tpu.memory_space<semaphore_mem>>
      %dma_start3A_104 = arith.constant 0 : i32
      %dma_start3A_105 = arith.constant 0 : i32
      %dma_start3A_106 = tpu.memref_slice %arg19[%dma_start3A_104, %dma_start3A_105] : memref<128x8xf32, #tpu.memory_space<vmem>> -> memref<125x8xf32, #tpu.memory_space<vmem>>
      %dma_start3A_107 = arith.constant 0 : i32
      %dma_start3A_108 = tpu.memref_slice %arg21[%add3A_57, %dma_start3A_107] : memref<10000x8xf32, #tpu.memory_space<vmem_shared>> -> memref<125x8xf32, #tpu.memory_space<vmem_shared>>
      %dma_start3A_109 = arith.constant 0 : i32
      %dma_start3A_110 = tpu.memref_slice %arg21[%add3A_57, %dma_start3A_109] : memref<10000x8xf32, #tpu.memory_space<vmem_shared>> -> memref<125x8xf32, #tpu.memory_space<vmem_shared>>
      %dma_start3A_111 = arith.constant 0 : i32
      %dma_start3A_112 = arith.constant 0 : i32
      %dma_start3A_113 = tpu.memref_slice %arg19[%dma_start3A_111, %dma_start3A_112] : memref<128x8xf32, #tpu.memory_space<vmem>> -> memref<125x8xf32, #tpu.memory_space<vmem>>
      tpu.enqueue_dma source(%dma_start3A_113 : memref<125x8xf32, #tpu.memory_space<vmem>>) target(%dma_start3A_110 : memref<125x8xf32, #tpu.memory_space<vmem_shared>>) target_semaphore(%run_scoped3A_103 : memref<!tpu.dma_semaphore, #tpu.memory_space<semaphore_mem>>)
      %dma_wait3A = arith.constant 0 : i32
      %dma_wait3A_114 = arith.constant 0 : i32
      %dma_wait3A_115 = tpu.memref_slice %arg19[%dma_wait3A, %dma_wait3A_114] : memref<128x8xf32, #tpu.memory_space<vmem>> -> memref<125x8xf32, #tpu.memory_space<vmem>>
      %dma_wait3A_116 = arith.constant 0 : i32
      %dma_wait3A_117 = tpu.memref_slice %arg21[%add3A_57, %dma_wait3A_116] : memref<10000x8xf32, #tpu.memory_space<vmem_shared>> -> memref<125x8xf32, #tpu.memory_space<vmem_shared>>
      %dma_wait3A_118 = arith.constant 0 : i32
      %dma_wait3A_119 = tpu.memref_slice %arg21[%add3A_57, %dma_wait3A_118] : memref<10000x8xf32, #tpu.memory_space<vmem_shared>> -> memref<125x8xf32, #tpu.memory_space<vmem_shared>>
      %dma_wait3A_120 = arith.constant 0 : i32
      %dma_wait3A_121 = arith.constant 0 : i32
      %dma_wait3A_122 = tpu.memref_slice %arg19[%dma_wait3A_120, %dma_wait3A_121] : memref<128x8xf32, #tpu.memory_space<vmem>> -> memref<125x8xf32, #tpu.memory_space<vmem>>
      tpu.wait_dma2 semaphore(%run_scoped3A_103 : memref<!tpu.dma_semaphore, #tpu.memory_space<semaphore_mem>>) src(%dma_wait3A_122 : memref<125x8xf32, #tpu.memory_space<vmem>>) dst(%dma_wait3A_119 : memref<125x8xf32, #tpu.memory_space<vmem_shared>>)
      tpu.yield
    }) : () -> ()
    %mul3A_58 = arith.constant 625 : i32
    %mul3A_59 = arith.muli %arg1, %mul3A_58 : i32
    %add3A_60 = arith.constant 250 : i32
    %add3A_61 = arith.addi %mul3A_59, %add3A_60 : i32
    "tpu.region"() ({
      %run_scoped3A_103 = tpu.sem_alloc : memref<!tpu.dma_semaphore, #tpu.memory_space<semaphore_mem>>
      %dma_start3A_104 = arith.constant 0 : i32
      %dma_start3A_105 = arith.constant 0 : i32
      %dma_start3A_106 = tpu.memref_slice %arg19[%dma_start3A_104, %dma_start3A_105] : memref<128x8xf32, #tpu.memory_space<vmem>> -> memref<125x8xf32, #tpu.memory_space<vmem>>
      %dma_start3A_107 = arith.constant 0 : i32
      %dma_start3A_108 = tpu.memref_slice %arg21[%add3A_61, %dma_start3A_107] : memref<10000x8xf32, #tpu.memory_space<vmem_shared>> -> memref<125x8xf32, #tpu.memory_space<vmem_shared>>
      %dma_start3A_109 = arith.constant 0 : i32
      %dma_start3A_110 = tpu.memref_slice %arg21[%add3A_61, %dma_start3A_109] : memref<10000x8xf32, #tpu.memory_space<vmem_shared>> -> memref<125x8xf32, #tpu.memory_space<vmem_shared>>
      %dma_start3A_111 = arith.constant 0 : i32
      %dma_start3A_112 = arith.constant 0 : i32
      %dma_start3A_113 = tpu.memref_slice %arg19[%dma_start3A_111, %dma_start3A_112] : memref<128x8xf32, #tpu.memory_space<vmem>> -> memref<125x8xf32, #tpu.memory_space<vmem>>
      tpu.enqueue_dma source(%dma_start3A_113 : memref<125x8xf32, #tpu.memory_space<vmem>>) target(%dma_start3A_110 : memref<125x8xf32, #tpu.memory_space<vmem_shared>>) target_semaphore(%run_scoped3A_103 : memref<!tpu.dma_semaphore, #tpu.memory_space<semaphore_mem>>)
      %dma_wait3A = arith.constant 0 : i32
      %dma_wait3A_114 = arith.constant 0 : i32
      %dma_wait3A_115 = tpu.memref_slice %arg19[%dma_wait3A, %dma_wait3A_114] : memref<128x8xf32, #tpu.memory_space<vmem>> -> memref<125x8xf32, #tpu.memory_space<vmem>>
      %dma_wait3A_116 = arith.constant 0 : i32
      %dma_wait3A_117 = tpu.memref_slice %arg21[%add3A_61, %dma_wait3A_116] : memref<10000x8xf32, #tpu.memory_space<vmem_shared>> -> memref<125x8xf32, #tpu.memory_space<vmem_shared>>
      %dma_wait3A_118 = arith.constant 0 : i32
      %dma_wait3A_119 = tpu.memref_slice %arg21[%add3A_61, %dma_wait3A_118] : memref<10000x8xf32, #tpu.memory_space<vmem_shared>> -> memref<125x8xf32, #tpu.memory_space<vmem_shared>>
      %dma_wait3A_120 = arith.constant 0 : i32
      %dma_wait3A_121 = arith.constant 0 : i32
      %dma_wait3A_122 = tpu.memref_slice %arg19[%dma_wait3A_120, %dma_wait3A_121] : memref<128x8xf32, #tpu.memory_space<vmem>> -> memref<125x8xf32, #tpu.memory_space<vmem>>
      tpu.wait_dma2 semaphore(%run_scoped3A_103 : memref<!tpu.dma_semaphore, #tpu.memory_space<semaphore_mem>>) src(%dma_wait3A_122 : memref<125x8xf32, #tpu.memory_space<vmem>>) dst(%dma_wait3A_119 : memref<125x8xf32, #tpu.memory_space<vmem_shared>>)
      tpu.yield
    }) : () -> ()
    %mul3A_62 = arith.constant 625 : i32
    %mul3A_63 = arith.muli %arg1, %mul3A_62 : i32
    %add3A_64 = arith.constant 375 : i32
    %add3A_65 = arith.addi %mul3A_63, %add3A_64 : i32
    "tpu.region"() ({
      %run_scoped3A_103 = tpu.sem_alloc : memref<!tpu.dma_semaphore, #tpu.memory_space<semaphore_mem>>
      %dma_start3A_104 = arith.constant 0 : i32
      %dma_start3A_105 = arith.constant 0 : i32
      %dma_start3A_106 = tpu.memref_slice %arg19[%dma_start3A_104, %dma_start3A_105] : memref<128x8xf32, #tpu.memory_space<vmem>> -> memref<125x8xf32, #tpu.memory_space<vmem>>
      %dma_start3A_107 = arith.constant 0 : i32
      %dma_start3A_108 = tpu.memref_slice %arg21[%add3A_65, %dma_start3A_107] : memref<10000x8xf32, #tpu.memory_space<vmem_shared>> -> memref<125x8xf32, #tpu.memory_space<vmem_shared>>
      %dma_start3A_109 = arith.constant 0 : i32
      %dma_start3A_110 = tpu.memref_slice %arg21[%add3A_65, %dma_start3A_109] : memref<10000x8xf32, #tpu.memory_space<vmem_shared>> -> memref<125x8xf32, #tpu.memory_space<vmem_shared>>
      %dma_start3A_111 = arith.constant 0 : i32
      %dma_start3A_112 = arith.constant 0 : i32
      %dma_start3A_113 = tpu.memref_slice %arg19[%dma_start3A_111, %dma_start3A_112] : memref<128x8xf32, #tpu.memory_space<vmem>> -> memref<125x8xf32, #tpu.memory_space<vmem>>
      tpu.enqueue_dma source(%dma_start3A_113 : memref<125x8xf32, #tpu.memory_space<vmem>>) target(%dma_start3A_110 : memref<125x8xf32, #tpu.memory_space<vmem_shared>>) target_semaphore(%run_scoped3A_103 : memref<!tpu.dma_semaphore, #tpu.memory_space<semaphore_mem>>)
      %dma_wait3A = arith.constant 0 : i32
      %dma_wait3A_114 = arith.constant 0 : i32
      %dma_wait3A_115 = tpu.memref_slice %arg19[%dma_wait3A, %dma_wait3A_114] : memref<128x8xf32, #tpu.memory_space<vmem>> -> memref<125x8xf32, #tpu.memory_space<vmem>>
      %dma_wait3A_116 = arith.constant 0 : i32
      %dma_wait3A_117 = tpu.memref_slice %arg21[%add3A_65, %dma_wait3A_116] : memref<10000x8xf32, #tpu.memory_space<vmem_shared>> -> memref<125x8xf32, #tpu.memory_space<vmem_shared>>
      %dma_wait3A_118 = arith.constant 0 : i32
      %dma_wait3A_119 = tpu.memref_slice %arg21[%add3A_65, %dma_wait3A_118] : memref<10000x8xf32, #tpu.memory_space<vmem_shared>> -> memref<125x8xf32, #tpu.memory_space<vmem_shared>>
      %dma_wait3A_120 = arith.constant 0 : i32
      %dma_wait3A_121 = arith.constant 0 : i32
      %dma_wait3A_122 = tpu.memref_slice %arg19[%dma_wait3A_120, %dma_wait3A_121] : memref<128x8xf32, #tpu.memory_space<vmem>> -> memref<125x8xf32, #tpu.memory_space<vmem>>
      tpu.wait_dma2 semaphore(%run_scoped3A_103 : memref<!tpu.dma_semaphore, #tpu.memory_space<semaphore_mem>>) src(%dma_wait3A_122 : memref<125x8xf32, #tpu.memory_space<vmem>>) dst(%dma_wait3A_119 : memref<125x8xf32, #tpu.memory_space<vmem_shared>>)
      tpu.yield
    }) : () -> ()
    %mul3A_66 = arith.constant 625 : i32
    %mul3A_67 = arith.muli %arg1, %mul3A_66 : i32
    %add3A_68 = arith.constant 500 : i32
    %add3A_69 = arith.addi %mul3A_67, %add3A_68 : i32
    "tpu.region"() ({
      %run_scoped3A_103 = tpu.sem_alloc : memref<!tpu.dma_semaphore, #tpu.memory_space<semaphore_mem>>
      %dma_start3A_104 = arith.constant 0 : i32
      %dma_start3A_105 = arith.constant 0 : i32
      %dma_start3A_106 = tpu.memref_slice %arg19[%dma_start3A_104, %dma_start3A_105] : memref<128x8xf32, #tpu.memory_space<vmem>> -> memref<125x8xf32, #tpu.memory_space<vmem>>
      %dma_start3A_107 = arith.constant 0 : i32
      %dma_start3A_108 = tpu.memref_slice %arg21[%add3A_69, %dma_start3A_107] : memref<10000x8xf32, #tpu.memory_space<vmem_shared>> -> memref<125x8xf32, #tpu.memory_space<vmem_shared>>
      %dma_start3A_109 = arith.constant 0 : i32
      %dma_start3A_110 = tpu.memref_slice %arg21[%add3A_69, %dma_start3A_109] : memref<10000x8xf32, #tpu.memory_space<vmem_shared>> -> memref<125x8xf32, #tpu.memory_space<vmem_shared>>
      %dma_start3A_111 = arith.constant 0 : i32
      %dma_start3A_112 = arith.constant 0 : i32
      %dma_start3A_113 = tpu.memref_slice %arg19[%dma_start3A_111, %dma_start3A_112] : memref<128x8xf32, #tpu.memory_space<vmem>> -> memref<125x8xf32, #tpu.memory_space<vmem>>
      tpu.enqueue_dma source(%dma_start3A_113 : memref<125x8xf32, #tpu.memory_space<vmem>>) target(%dma_start3A_110 : memref<125x8xf32, #tpu.memory_space<vmem_shared>>) target_semaphore(%run_scoped3A_103 : memref<!tpu.dma_semaphore, #tpu.memory_space<semaphore_mem>>)
      %dma_wait3A = arith.constant 0 : i32
      %dma_wait3A_114 = arith.constant 0 : i32
      %dma_wait3A_115 = tpu.memref_slice %arg19[%dma_wait3A, %dma_wait3A_114] : memref<128x8xf32, #tpu.memory_space<vmem>> -> memref<125x8xf32, #tpu.memory_space<vmem>>
      %dma_wait3A_116 = arith.constant 0 : i32
      %dma_wait3A_117 = tpu.memref_slice %arg21[%add3A_69, %dma_wait3A_116] : memref<10000x8xf32, #tpu.memory_space<vmem_shared>> -> memref<125x8xf32, #tpu.memory_space<vmem_shared>>
      %dma_wait3A_118 = arith.constant 0 : i32
      %dma_wait3A_119 = tpu.memref_slice %arg21[%add3A_69, %dma_wait3A_118] : memref<10000x8xf32, #tpu.memory_space<vmem_shared>> -> memref<125x8xf32, #tpu.memory_space<vmem_shared>>
      %dma_wait3A_120 = arith.constant 0 : i32
      %dma_wait3A_121 = arith.constant 0 : i32
      %dma_wait3A_122 = tpu.memref_slice %arg19[%dma_wait3A_120, %dma_wait3A_121] : memref<128x8xf32, #tpu.memory_space<vmem>> -> memref<125x8xf32, #tpu.memory_space<vmem>>
      tpu.wait_dma2 semaphore(%run_scoped3A_103 : memref<!tpu.dma_semaphore, #tpu.memory_space<semaphore_mem>>) src(%dma_wait3A_122 : memref<125x8xf32, #tpu.memory_space<vmem>>) dst(%dma_wait3A_119 : memref<125x8xf32, #tpu.memory_space<vmem_shared>>)
      tpu.yield
    }) : () -> ()
    %run_scoped3A_70 = arith.constant 0 : i32
    "tpu.region"() ({
      %run_scoped3A_103 = tpu.sem_alloc : memref<!tpu.dma_semaphore, #tpu.memory_space<semaphore_mem>>
      %dma_start3A_104 = arith.constant 0 : i32
      %dma_start3A_105 = arith.constant 0 : i32
      %dma_start3A_106 = tpu.memref_slice %arg6[%run_scoped3A_70, %dma_start3A_104, %dma_start3A_105] : memref<2x128x8xf32, #tpu.memory_space<hbm>> -> memref<1x128x8xf32, #tpu.memory_space<hbm>>
      %dma_start3A_107 = tpu.memref_squeeze %dma_start3A_106 : memref<1x128x8xf32, #tpu.memory_space<hbm>> -> memref<128x8xf32, #tpu.memory_space<hbm>>
      %dma_start3A_108 = arith.constant 0 : i32
      %dma_start3A_109 = arith.constant 0 : i32
      %dma_start3A_110 = tpu.memref_slice %arg6[%run_scoped3A_70, %dma_start3A_108, %dma_start3A_109] : memref<2x128x8xf32, #tpu.memory_space<hbm>> -> memref<1x128x8xf32, #tpu.memory_space<hbm>>
      %dma_start3A_111 = tpu.memref_squeeze %dma_start3A_110 : memref<1x128x8xf32, #tpu.memory_space<hbm>> -> memref<128x8xf32, #tpu.memory_space<hbm>>
      tpu.enqueue_dma source(%dma_start3A_111 : memref<128x8xf32, #tpu.memory_space<hbm>>) target(%arg19 : memref<128x8xf32, #tpu.memory_space<vmem>>) target_semaphore(%run_scoped3A_103 : memref<!tpu.dma_semaphore, #tpu.memory_space<semaphore_mem>>)
      %dma_wait3A = arith.constant 0 : i32
      %dma_wait3A_112 = arith.constant 0 : i32
      %dma_wait3A_113 = tpu.memref_slice %arg6[%run_scoped3A_70, %dma_wait3A, %dma_wait3A_112] : memref<2x128x8xf32, #tpu.memory_space<hbm>> -> memref<1x128x8xf32, #tpu.memory_space<hbm>>
      %dma_wait3A_114 = tpu.memref_squeeze %dma_wait3A_113 : memref<1x128x8xf32, #tpu.memory_space<hbm>> -> memref<128x8xf32, #tpu.memory_space<hbm>>
      %dma_wait3A_115 = arith.constant 0 : i32
      %dma_wait3A_116 = arith.constant 0 : i32
      %dma_wait3A_117 = tpu.memref_slice %arg6[%run_scoped3A_70, %dma_wait3A_115, %dma_wait3A_116] : memref<2x128x8xf32, #tpu.memory_space<hbm>> -> memref<1x128x8xf32, #tpu.memory_space<hbm>>
      %dma_wait3A_118 = tpu.memref_squeeze %dma_wait3A_117 : memref<1x128x8xf32, #tpu.memory_space<hbm>> -> memref<128x8xf32, #tpu.memory_space<hbm>>
      tpu.wait_dma2 semaphore(%run_scoped3A_103 : memref<!tpu.dma_semaphore, #tpu.memory_space<semaphore_mem>>) src(%dma_wait3A_118 : memref<128x8xf32, #tpu.memory_space<hbm>>) dst(%arg19 : memref<128x8xf32, #tpu.memory_space<vmem>>)
      tpu.yield
    }) : () -> ()
    %barrier3A = arith.constant 0 : index
    tpu.barrier barrier_id(%barrier3A)
    %dma_start3A = arith.constant 0 : i32
    %dma_start3A_71 = arith.constant 0 : i32
    %dma_start3A_72 = arith.constant 0 : i32
    %dma_start3A_73 = arith.constant 0 : i32
    %dma_start3A_74 = tpu.memref_slice %arg12[%dma_start3A_71, %dma_start3A_72, %dma_start3A_73] : memref<2x125x64xf32, #tpu.memory_space<vmem>> -> memref<1x125x64xf32, #tpu.memory_space<vmem>>
    %dma_start3A_75 = tpu.memref_squeeze %dma_start3A_74 : memref<1x125x64xf32, #tpu.memory_space<vmem>> -> memref<125x64xf32, #tpu.memory_space<vmem>>
    %dma_start3A_76 = arith.constant 0 : i32
    %dma_start3A_77 = tpu.memref_slice %arg10[%dma_start3A, %dma_start3A_76] : memref<160x125xi32, #tpu.memory_space<vmem>> -> memref<1x125xi32, #tpu.memory_space<vmem>>
    %dma_start3A_78 = tpu.memref_squeeze %dma_start3A_77 : memref<1x125xi32, #tpu.memory_space<vmem>> -> memref<125xi32, #tpu.memory_space<vmem>>
    %dma_start3A_79 = arith.constant 0 : i32
    %dma_start3A_80 = arith.constant 0 : i32
    %dma_start3A_81 = tpu.memref_slice %arg2[%dma_start3A_79, %dma_start3A_80] : memref<20000x64xf32, #tpu.memory_space<hbm>> -> memref<20000x64xf32, #tpu.memory_space<hbm>>
    tpu.enqueue_indirect_dma source(%dma_start3A_81 : memref<20000x64xf32, #tpu.memory_space<hbm>>) target(%dma_start3A_75 : memref<125x64xf32, #tpu.memory_space<vmem>>) offsets(%dma_start3A_78 : memref<125xi32, #tpu.memory_space<vmem>>) semaphore(%arg15 : memref<!tpu.dma_semaphore, #tpu.memory_space<semaphore_mem>>)
    %dma_start3A_82 = arith.constant 1 : i32
    %dma_start3A_83 = arith.constant 1 : i32
    %dma_start3A_84 = arith.constant 0 : i32
    %dma_start3A_85 = arith.constant 0 : i32
    %dma_start3A_86 = tpu.memref_slice %arg12[%dma_start3A_83, %dma_start3A_84, %dma_start3A_85] : memref<2x125x64xf32, #tpu.memory_space<vmem>> -> memref<1x125x64xf32, #tpu.memory_space<vmem>>
    %dma_start3A_87 = tpu.memref_squeeze %dma_start3A_86 : memref<1x125x64xf32, #tpu.memory_space<vmem>> -> memref<125x64xf32, #tpu.memory_space<vmem>>
    %dma_start3A_88 = arith.constant 0 : i32
    %dma_start3A_89 = tpu.memref_slice %arg10[%dma_start3A_82, %dma_start3A_88] : memref<160x125xi32, #tpu.memory_space<vmem>> -> memref<1x125xi32, #tpu.memory_space<vmem>>
    %dma_start3A_90 = tpu.memref_squeeze %dma_start3A_89 : memref<1x125xi32, #tpu.memory_space<vmem>> -> memref<125xi32, #tpu.memory_space<vmem>>
    %dma_start3A_91 = arith.constant 0 : i32
    %dma_start3A_92 = arith.constant 0 : i32
    %dma_start3A_93 = tpu.memref_slice %arg2[%dma_start3A_91, %dma_start3A_92] : memref<20000x64xf32, #tpu.memory_space<hbm>> -> memref<20000x64xf32, #tpu.memory_space<hbm>>
    tpu.enqueue_indirect_dma source(%dma_start3A_93 : memref<20000x64xf32, #tpu.memory_space<hbm>>) target(%dma_start3A_87 : memref<125x64xf32, #tpu.memory_space<vmem>>) offsets(%dma_start3A_90 : memref<125xi32, #tpu.memory_space<vmem>>) semaphore(%arg16 : memref<!tpu.dma_semaphore, #tpu.memory_space<semaphore_mem>>)
    %scan3A_94 = arith.constant 0 : i32
    %scan3A_95 = arith.constant 0 : i32
    %scan3A_96 = arith.constant 80 : i32
    %scan3A_97 = arith.addi %scan3A_95, %scan3A_96 : i32
    %scan3A_98 = arith.constant 1 : i32
    scf.for %scan3A_103 = %scan3A_95 to %scan3A_97 step %scan3A_98  : i32 {
      %mul3A_104 = arith.constant 2 : i32
      %mul3A_105 = arith.muli %scan3A_103, %mul3A_104 : i32
      %add3A_106 = arith.constant 0 : i32
      %add3A_107 = arith.addi %mul3A_105, %add3A_106 : i32
      %dma_wait3A = arith.constant 0 : i32
      %dma_wait3A_108 = arith.constant 0 : i32
      %dma_wait3A_109 = arith.constant 0 : i32
      %dma_wait3A_110 = arith.constant 0 : i32
      %dma_wait3A_111 = tpu.memref_slice %arg12[%dma_wait3A_108, %dma_wait3A_109, %dma_wait3A_110] : memref<2x125x64xf32, #tpu.memory_space<vmem>> -> memref<1x125x64xf32, #tpu.memory_space<vmem>>
      %dma_wait3A_112 = tpu.memref_squeeze %dma_wait3A_111 : memref<1x125x64xf32, #tpu.memory_space<vmem>> -> memref<125x64xf32, #tpu.memory_space<vmem>>
      %dma_wait3A_113 = arith.constant 0 : i32
      %dma_wait3A_114 = tpu.memref_slice %arg10[%dma_wait3A, %dma_wait3A_113] : memref<160x125xi32, #tpu.memory_space<vmem>> -> memref<1x125xi32, #tpu.memory_space<vmem>>
      %dma_wait3A_115 = tpu.memref_squeeze %dma_wait3A_114 : memref<1x125xi32, #tpu.memory_space<vmem>> -> memref<125xi32, #tpu.memory_space<vmem>>
      %dma_wait3A_116 = arith.constant 0 : i32
      %dma_wait3A_117 = arith.constant 0 : i32
      %dma_wait3A_118 = tpu.memref_slice %arg2[%dma_wait3A_116, %dma_wait3A_117] : memref<20000x64xf32, #tpu.memory_space<hbm>> -> memref<20000x64xf32, #tpu.memory_space<hbm>>
      tpu.wait_indirect_dma semaphore(%arg15 : memref<!tpu.dma_semaphore, #tpu.memory_space<semaphore_mem>>) src(%dma_wait3A_118 : memref<20000x64xf32, #tpu.memory_space<hbm>>) dst(%dma_wait3A_112 : memref<125x64xf32, #tpu.memory_space<vmem>>)
      %run_scoped3A_119 = arith.constant 0 : i32
      "tpu.region"() ({
        %run_scoped3A_176 = tpu.sem_alloc : memref<!tpu.dma_semaphore, #tpu.memory_space<semaphore_mem>>
        %dma_start3A_177 = arith.constant 0 : i32
        %dma_start3A_178 = arith.constant 0 : i32
        %dma_start3A_179 = tpu.memref_slice %arg12[%run_scoped3A_119, %dma_start3A_177, %dma_start3A_178] : memref<2x125x64xf32, #tpu.memory_space<vmem>> -> memref<1x125x64xf32, #tpu.memory_space<vmem>>
        %dma_start3A_180 = tpu.memref_squeeze %dma_start3A_179 : memref<1x125x64xf32, #tpu.memory_space<vmem>> -> memref<125x64xf32, #tpu.memory_space<vmem>>
        %dma_start3A_181 = arith.constant 0 : i32
        %dma_start3A_182 = tpu.memref_slice %arg11[%add3A_107, %dma_start3A_181] : memref<160x125xi32, #tpu.memory_space<vmem>> -> memref<1x125xi32, #tpu.memory_space<vmem>>
        %dma_start3A_183 = tpu.memref_squeeze %dma_start3A_182 : memref<1x125xi32, #tpu.memory_space<vmem>> -> memref<125xi32, #tpu.memory_space<vmem>>
        %dma_start3A_184 = arith.constant 0 : i32
        %dma_start3A_185 = arith.constant 0 : i32
        %dma_start3A_186 = tpu.memref_slice %arg14[%dma_start3A_184, %dma_start3A_185] : memref<10000x64xf32, #tpu.memory_space<vmem_shared>> -> memref<10000x64xf32, #tpu.memory_space<vmem_shared>>
        tpu.enqueue_indirect_dma source(%dma_start3A_180 : memref<125x64xf32, #tpu.memory_space<vmem>>) target(%dma_start3A_186 : memref<10000x64xf32, #tpu.memory_space<vmem_shared>>) offsets(%dma_start3A_183 : memref<125xi32, #tpu.memory_space<vmem>>) semaphore(%run_scoped3A_176 : memref<!tpu.dma_semaphore, #tpu.memory_space<semaphore_mem>>) {add = true}
        %dma_wait3A_187 = arith.constant 0 : i32
        %dma_wait3A_188 = arith.constant 0 : i32
        %dma_wait3A_189 = tpu.memref_slice %arg12[%run_scoped3A_119, %dma_wait3A_187, %dma_wait3A_188] : memref<2x125x64xf32, #tpu.memory_space<vmem>> -> memref<1x125x64xf32, #tpu.memory_space<vmem>>
        %dma_wait3A_190 = tpu.memref_squeeze %dma_wait3A_189 : memref<1x125x64xf32, #tpu.memory_space<vmem>> -> memref<125x64xf32, #tpu.memory_space<vmem>>
        %dma_wait3A_191 = arith.constant 0 : i32
        %dma_wait3A_192 = tpu.memref_slice %arg11[%add3A_107, %dma_wait3A_191] : memref<160x125xi32, #tpu.memory_space<vmem>> -> memref<1x125xi32, #tpu.memory_space<vmem>>
        %dma_wait3A_193 = tpu.memref_squeeze %dma_wait3A_192 : memref<1x125xi32, #tpu.memory_space<vmem>> -> memref<125xi32, #tpu.memory_space<vmem>>
        %dma_wait3A_194 = arith.constant 0 : i32
        %dma_wait3A_195 = arith.constant 0 : i32
        %dma_wait3A_196 = tpu.memref_slice %arg14[%dma_wait3A_194, %dma_wait3A_195] : memref<10000x64xf32, #tpu.memory_space<vmem_shared>> -> memref<10000x64xf32, #tpu.memory_space<vmem_shared>>
        tpu.wait_indirect_dma semaphore(%run_scoped3A_176 : memref<!tpu.dma_semaphore, #tpu.memory_space<semaphore_mem>>) src(%dma_wait3A_190 : memref<125x64xf32, #tpu.memory_space<vmem>>) dst(%dma_wait3A_196 : memref<10000x64xf32, #tpu.memory_space<vmem_shared>>)
        tpu.yield
      }) : () -> ()
      %add3A_120 = arith.constant 2 : i32
      %add3A_121 = arith.addi %add3A_107, %add3A_120 : i32
      %lt3A = arith.constant 160 : i32
      %lt3A_122 = arith.cmpi slt, %add3A_121, %lt3A : i32
      %convert_element_type3A = arith.extui %lt3A_122 : i1 to i32
      %cond3A = arith.constant 0 : i32
      %cond3A_123 = arith.cmpi ne, %convert_element_type3A, %cond3A : i32
      scf.if %cond3A_123 {
        %dma_start3A_176 = arith.constant 0 : i32
        %dma_start3A_177 = arith.constant 0 : i32
        %dma_start3A_178 = arith.constant 0 : i32
        %dma_start3A_179 = tpu.memref_slice %arg12[%dma_start3A_176, %dma_start3A_177, %dma_start3A_178] : memref<2x125x64xf32, #tpu.memory_space<vmem>> -> memref<1x125x64xf32, #tpu.memory_space<vmem>>
        %dma_start3A_180 = tpu.memref_squeeze %dma_start3A_179 : memref<1x125x64xf32, #tpu.memory_space<vmem>> -> memref<125x64xf32, #tpu.memory_space<vmem>>
        %dma_start3A_181 = arith.constant 0 : i32
        %dma_start3A_182 = tpu.memref_slice %arg10[%add3A_121, %dma_start3A_181] : memref<160x125xi32, #tpu.memory_space<vmem>> -> memref<1x125xi32, #tpu.memory_space<vmem>>
        %dma_start3A_183 = tpu.memref_squeeze %dma_start3A_182 : memref<1x125xi32, #tpu.memory_space<vmem>> -> memref<125xi32, #tpu.memory_space<vmem>>
        %dma_start3A_184 = arith.constant 0 : i32
        %dma_start3A_185 = arith.constant 0 : i32
        %dma_start3A_186 = tpu.memref_slice %arg2[%dma_start3A_184, %dma_start3A_185] : memref<20000x64xf32, #tpu.memory_space<hbm>> -> memref<20000x64xf32, #tpu.memory_space<hbm>>
        tpu.enqueue_indirect_dma source(%dma_start3A_186 : memref<20000x64xf32, #tpu.memory_space<hbm>>) target(%dma_start3A_180 : memref<125x64xf32, #tpu.memory_space<vmem>>) offsets(%dma_start3A_183 : memref<125xi32, #tpu.memory_space<vmem>>) semaphore(%arg15 : memref<!tpu.dma_semaphore, #tpu.memory_space<semaphore_mem>>)
      } else {
      }
      %lt3A_124 = arith.constant 80 : i32
      %lt3A_125 = arith.cmpi slt, %add3A_107, %lt3A_124 : i32
      %eq3A = arith.constant 0 : i32
      %eq3A_126 = arith.cmpi eq, %arg0, %eq3A : i32
      %eq3A_127 = arith.xori %lt3A_125, %eq3A_126 : i1
      %eq3A_128 = arith.constant true
      %eq3A_129 = arith.xori %eq3A_127, %eq3A_128 : i1
      %convert_element_type3A_130 = arith.extui %eq3A_129 : i1 to i32
      %cond3A_131 = arith.constant 0 : i32
      %cond3A_132 = arith.cmpi ne, %convert_element_type3A_130, %cond3A_131 : i32
      scf.if %cond3A_132 {
        "tpu.region"() ({
          %run_scoped3A_176 = tpu.sem_alloc : memref<!tpu.dma_semaphore, #tpu.memory_space<semaphore_mem>>
          %dma_start3A_177 = arith.constant 0 : i32
          %dma_start3A_178 = arith.constant 0 : i32
          %dma_start3A_179 = tpu.memref_slice %arg5[%arg1, %add3A_107, %dma_start3A_177, %dma_start3A_178] : memref<16x160x125x16xf32, #tpu.memory_space<hbm>> -> memref<1x1x125x16xf32, #tpu.memory_space<hbm>>
          %dma_start3A_180 = tpu.memref_squeeze %dma_start3A_179 : memref<1x1x125x16xf32, #tpu.memory_space<hbm>> -> memref<125x16xf32, #tpu.memory_space<hbm>>
          %dma_start3A_181 = arith.constant 0 : i32
          %dma_start3A_182 = arith.constant 0 : i32
          %dma_start3A_183 = tpu.memref_slice %arg5[%arg1, %add3A_107, %dma_start3A_181, %dma_start3A_182] : memref<16x160x125x16xf32, #tpu.memory_space<hbm>> -> memref<1x1x125x16xf32, #tpu.memory_space<hbm>>
          %dma_start3A_184 = tpu.memref_squeeze %dma_start3A_183 : memref<1x1x125x16xf32, #tpu.memory_space<hbm>> -> memref<125x16xf32, #tpu.memory_space<hbm>>
          tpu.enqueue_dma source(%dma_start3A_184 : memref<125x16xf32, #tpu.memory_space<hbm>>) target(%arg17 : memref<125x16xf32, #tpu.memory_space<vmem>>) target_semaphore(%run_scoped3A_176 : memref<!tpu.dma_semaphore, #tpu.memory_space<semaphore_mem>>)
          %dma_wait3A_185 = arith.constant 0 : i32
          %dma_wait3A_186 = arith.constant 0 : i32
          %dma_wait3A_187 = tpu.memref_slice %arg5[%arg1, %add3A_107, %dma_wait3A_185, %dma_wait3A_186] : memref<16x160x125x16xf32, #tpu.memory_space<hbm>> -> memref<1x1x125x16xf32, #tpu.memory_space<hbm>>
          %dma_wait3A_188 = tpu.memref_squeeze %dma_wait3A_187 : memref<1x1x125x16xf32, #tpu.memory_space<hbm>> -> memref<125x16xf32, #tpu.memory_space<hbm>>
          %dma_wait3A_189 = arith.constant 0 : i32
          %dma_wait3A_190 = arith.constant 0 : i32
          %dma_wait3A_191 = tpu.memref_slice %arg5[%arg1, %add3A_107, %dma_wait3A_189, %dma_wait3A_190] : memref<16x160x125x16xf32, #tpu.memory_space<hbm>> -> memref<1x1x125x16xf32, #tpu.memory_space<hbm>>
          %dma_wait3A_192 = tpu.memref_squeeze %dma_wait3A_191 : memref<1x1x125x16xf32, #tpu.memory_space<hbm>> -> memref<125x16xf32, #tpu.memory_space<hbm>>
          tpu.wait_dma2 semaphore(%run_scoped3A_176 : memref<!tpu.dma_semaphore, #tpu.memory_space<semaphore_mem>>) src(%dma_wait3A_192 : memref<125x16xf32, #tpu.memory_space<hbm>>) dst(%arg17 : memref<125x16xf32, #tpu.memory_space<vmem>>)
          tpu.yield
        }) : () -> ()
        "tpu.region"() ({
          %run_scoped3A_176 = tpu.sem_alloc : memref<!tpu.dma_semaphore, #tpu.memory_space<semaphore_mem>>
          %dma_start3A_177 = arith.constant 0 : i32
          %dma_start3A_178 = tpu.memref_slice %arg11[%add3A_107, %dma_start3A_177] : memref<160x125xi32, #tpu.memory_space<vmem>> -> memref<1x125xi32, #tpu.memory_space<vmem>>
          %dma_start3A_179 = tpu.memref_squeeze %dma_start3A_178 : memref<1x125xi32, #tpu.memory_space<vmem>> -> memref<125xi32, #tpu.memory_space<vmem>>
          %dma_start3A_180 = arith.constant 0 : i32
          %dma_start3A_181 = arith.constant 0 : i32
          %dma_start3A_182 = tpu.memref_slice %arg20[%dma_start3A_180, %dma_start3A_181] : memref<10000x16xf32, #tpu.memory_space<vmem_shared>> -> memref<10000x16xf32, #tpu.memory_space<vmem_shared>>
          tpu.enqueue_indirect_dma source(%arg17 : memref<125x16xf32, #tpu.memory_space<vmem>>) target(%dma_start3A_182 : memref<10000x16xf32, #tpu.memory_space<vmem_shared>>) offsets(%dma_start3A_179 : memref<125xi32, #tpu.memory_space<vmem>>) semaphore(%run_scoped3A_176 : memref<!tpu.dma_semaphore, #tpu.memory_space<semaphore_mem>>) {add = true}
          %dma_wait3A_183 = arith.constant 0 : i32
          %dma_wait3A_184 = tpu.memref_slice %arg11[%add3A_107, %dma_wait3A_183] : memref<160x125xi32, #tpu.memory_space<vmem>> -> memref<1x125xi32, #tpu.memory_space<vmem>>
          %dma_wait3A_185 = tpu.memref_squeeze %dma_wait3A_184 : memref<1x125xi32, #tpu.memory_space<vmem>> -> memref<125xi32, #tpu.memory_space<vmem>>
          %dma_wait3A_186 = arith.constant 0 : i32
          %dma_wait3A_187 = arith.constant 0 : i32
          %dma_wait3A_188 = tpu.memref_slice %arg20[%dma_wait3A_186, %dma_wait3A_187] : memref<10000x16xf32, #tpu.memory_space<vmem_shared>> -> memref<10000x16xf32, #tpu.memory_space<vmem_shared>>
          tpu.wait_indirect_dma semaphore(%run_scoped3A_176 : memref<!tpu.dma_semaphore, #tpu.memory_space<semaphore_mem>>) src(%arg17 : memref<125x16xf32, #tpu.memory_space<vmem>>) dst(%dma_wait3A_188 : memref<10000x16xf32, #tpu.memory_space<vmem_shared>>)
          tpu.yield
        }) : () -> ()
      } else {
      }
      %not3A = arith.constant true
      %not3A_133 = arith.xori %eq3A_129, %not3A : i1
      %convert_element_type3A_134 = arith.extui %not3A_133 : i1 to i32
      %cond3A_135 = arith.constant 0 : i32
      %cond3A_136 = arith.cmpi ne, %convert_element_type3A_134, %cond3A_135 : i32
      scf.if %cond3A_136 {
        "tpu.region"() ({
          %run_scoped3A_176 = tpu.sem_alloc : memref<!tpu.dma_semaphore, #tpu.memory_space<semaphore_mem>>
          %dma_start3A_177 = arith.constant 0 : i32
          %dma_start3A_178 = arith.constant 0 : i32
          %dma_start3A_179 = tpu.memref_slice %arg19[%dma_start3A_177, %dma_start3A_178] : memref<128x8xf32, #tpu.memory_space<vmem>> -> memref<125x8xf32, #tpu.memory_space<vmem>>
          %dma_start3A_180 = arith.constant 0 : i32
          %dma_start3A_181 = tpu.memref_slice %arg11[%add3A_107, %dma_start3A_180] : memref<160x125xi32, #tpu.memory_space<vmem>> -> memref<1x125xi32, #tpu.memory_space<vmem>>
          %dma_start3A_182 = tpu.memref_squeeze %dma_start3A_181 : memref<1x125xi32, #tpu.memory_space<vmem>> -> memref<125xi32, #tpu.memory_space<vmem>>
          %dma_start3A_183 = arith.constant 0 : i32
          %dma_start3A_184 = arith.constant 0 : i32
          %dma_start3A_185 = tpu.memref_slice %arg21[%dma_start3A_183, %dma_start3A_184] : memref<10000x8xf32, #tpu.memory_space<vmem_shared>> -> memref<10000x8xf32, #tpu.memory_space<vmem_shared>>
          tpu.enqueue_indirect_dma source(%dma_start3A_179 : memref<125x8xf32, #tpu.memory_space<vmem>>) target(%dma_start3A_185 : memref<10000x8xf32, #tpu.memory_space<vmem_shared>>) offsets(%dma_start3A_182 : memref<125xi32, #tpu.memory_space<vmem>>) semaphore(%run_scoped3A_176 : memref<!tpu.dma_semaphore, #tpu.memory_space<semaphore_mem>>) {add = true}
          %dma_wait3A_186 = arith.constant 0 : i32
          %dma_wait3A_187 = arith.constant 0 : i32
          %dma_wait3A_188 = tpu.memref_slice %arg19[%dma_wait3A_186, %dma_wait3A_187] : memref<128x8xf32, #tpu.memory_space<vmem>> -> memref<125x8xf32, #tpu.memory_space<vmem>>
          %dma_wait3A_189 = arith.constant 0 : i32
          %dma_wait3A_190 = tpu.memref_slice %arg11[%add3A_107, %dma_wait3A_189] : memref<160x125xi32, #tpu.memory_space<vmem>> -> memref<1x125xi32, #tpu.memory_space<vmem>>
          %dma_wait3A_191 = tpu.memref_squeeze %dma_wait3A_190 : memref<1x125xi32, #tpu.memory_space<vmem>> -> memref<125xi32, #tpu.memory_space<vmem>>
          %dma_wait3A_192 = arith.constant 0 : i32
          %dma_wait3A_193 = arith.constant 0 : i32
          %dma_wait3A_194 = tpu.memref_slice %arg21[%dma_wait3A_192, %dma_wait3A_193] : memref<10000x8xf32, #tpu.memory_space<vmem_shared>> -> memref<10000x8xf32, #tpu.memory_space<vmem_shared>>
          tpu.wait_indirect_dma semaphore(%run_scoped3A_176 : memref<!tpu.dma_semaphore, #tpu.memory_space<semaphore_mem>>) src(%dma_wait3A_188 : memref<125x8xf32, #tpu.memory_space<vmem>>) dst(%dma_wait3A_194 : memref<10000x8xf32, #tpu.memory_space<vmem_shared>>)
          tpu.yield
        }) : () -> ()
      } else {
      }
      %mul3A_137 = arith.constant 2 : i32
      %mul3A_138 = arith.muli %scan3A_103, %mul3A_137 : i32
      %add3A_139 = arith.constant 1 : i32
      %add3A_140 = arith.addi %mul3A_138, %add3A_139 : i32
      %dma_wait3A_141 = arith.constant 0 : i32
      %dma_wait3A_142 = arith.constant 1 : i32
      %dma_wait3A_143 = arith.constant 0 : i32
      %dma_wait3A_144 = arith.constant 0 : i32
      %dma_wait3A_145 = tpu.memref_slice %arg12[%dma_wait3A_142, %dma_wait3A_143, %dma_wait3A_144] : memref<2x125x64xf32, #tpu.memory_space<vmem>> -> memref<1x125x64xf32, #tpu.memory_space<vmem>>
      %dma_wait3A_146 = tpu.memref_squeeze %dma_wait3A_145 : memref<1x125x64xf32, #tpu.memory_space<vmem>> -> memref<125x64xf32, #tpu.memory_space<vmem>>
      %dma_wait3A_147 = arith.constant 0 : i32
      %dma_wait3A_148 = tpu.memref_slice %arg10[%dma_wait3A_141, %dma_wait3A_147] : memref<160x125xi32, #tpu.memory_space<vmem>> -> memref<1x125xi32, #tpu.memory_space<vmem>>
      %dma_wait3A_149 = tpu.memref_squeeze %dma_wait3A_148 : memref<1x125xi32, #tpu.memory_space<vmem>> -> memref<125xi32, #tpu.memory_space<vmem>>
      %dma_wait3A_150 = arith.constant 0 : i32
      %dma_wait3A_151 = arith.constant 0 : i32
      %dma_wait3A_152 = tpu.memref_slice %arg2[%dma_wait3A_150, %dma_wait3A_151] : memref<20000x64xf32, #tpu.memory_space<hbm>> -> memref<20000x64xf32, #tpu.memory_space<hbm>>
      tpu.wait_indirect_dma semaphore(%arg16 : memref<!tpu.dma_semaphore, #tpu.memory_space<semaphore_mem>>) src(%dma_wait3A_152 : memref<20000x64xf32, #tpu.memory_space<hbm>>) dst(%dma_wait3A_146 : memref<125x64xf32, #tpu.memory_space<vmem>>)
      %run_scoped3A_153 = arith.constant 1 : i32
      "tpu.region"() ({
        %run_scoped3A_176 = tpu.sem_alloc : memref<!tpu.dma_semaphore, #tpu.memory_space<semaphore_mem>>
        %dma_start3A_177 = arith.constant 0 : i32
        %dma_start3A_178 = arith.constant 0 : i32
        %dma_start3A_179 = tpu.memref_slice %arg12[%run_scoped3A_153, %dma_start3A_177, %dma_start3A_178] : memref<2x125x64xf32, #tpu.memory_space<vmem>> -> memref<1x125x64xf32, #tpu.memory_space<vmem>>
        %dma_start3A_180 = tpu.memref_squeeze %dma_start3A_179 : memref<1x125x64xf32, #tpu.memory_space<vmem>> -> memref<125x64xf32, #tpu.memory_space<vmem>>
        %dma_start3A_181 = arith.constant 0 : i32
        %dma_start3A_182 = tpu.memref_slice %arg11[%add3A_140, %dma_start3A_181] : memref<160x125xi32, #tpu.memory_space<vmem>> -> memref<1x125xi32, #tpu.memory_space<vmem>>
        %dma_start3A_183 = tpu.memref_squeeze %dma_start3A_182 : memref<1x125xi32, #tpu.memory_space<vmem>> -> memref<125xi32, #tpu.memory_space<vmem>>
        %dma_start3A_184 = arith.constant 0 : i32
        %dma_start3A_185 = arith.constant 0 : i32
        %dma_start3A_186 = tpu.memref_slice %arg14[%dma_start3A_184, %dma_start3A_185] : memref<10000x64xf32, #tpu.memory_space<vmem_shared>> -> memref<10000x64xf32, #tpu.memory_space<vmem_shared>>
        tpu.enqueue_indirect_dma source(%dma_start3A_180 : memref<125x64xf32, #tpu.memory_space<vmem>>) target(%dma_start3A_186 : memref<10000x64xf32, #tpu.memory_space<vmem_shared>>) offsets(%dma_start3A_183 : memref<125xi32, #tpu.memory_space<vmem>>) semaphore(%run_scoped3A_176 : memref<!tpu.dma_semaphore, #tpu.memory_space<semaphore_mem>>) {add = true}
        %dma_wait3A_187 = arith.constant 0 : i32
        %dma_wait3A_188 = arith.constant 0 : i32
        %dma_wait3A_189 = tpu.memref_slice %arg12[%run_scoped3A_153, %dma_wait3A_187, %dma_wait3A_188] : memref<2x125x64xf32, #tpu.memory_space<vmem>> -> memref<1x125x64xf32, #tpu.memory_space<vmem>>
        %dma_wait3A_190 = tpu.memref_squeeze %dma_wait3A_189 : memref<1x125x64xf32, #tpu.memory_space<vmem>> -> memref<125x64xf32, #tpu.memory_space<vmem>>
        %dma_wait3A_191 = arith.constant 0 : i32
        %dma_wait3A_192 = tpu.memref_slice %arg11[%add3A_140, %dma_wait3A_191] : memref<160x125xi32, #tpu.memory_space<vmem>> -> memref<1x125xi32, #tpu.memory_space<vmem>>
        %dma_wait3A_193 = tpu.memref_squeeze %dma_wait3A_192 : memref<1x125xi32, #tpu.memory_space<vmem>> -> memref<125xi32, #tpu.memory_space<vmem>>
        %dma_wait3A_194 = arith.constant 0 : i32
        %dma_wait3A_195 = arith.constant 0 : i32
        %dma_wait3A_196 = tpu.memref_slice %arg14[%dma_wait3A_194, %dma_wait3A_195] : memref<10000x64xf32, #tpu.memory_space<vmem_shared>> -> memref<10000x64xf32, #tpu.memory_space<vmem_shared>>
        tpu.wait_indirect_dma semaphore(%run_scoped3A_176 : memref<!tpu.dma_semaphore, #tpu.memory_space<semaphore_mem>>) src(%dma_wait3A_190 : memref<125x64xf32, #tpu.memory_space<vmem>>) dst(%dma_wait3A_196 : memref<10000x64xf32, #tpu.memory_space<vmem_shared>>)
        tpu.yield
      }) : () -> ()
      %add3A_154 = arith.constant 2 : i32
      %add3A_155 = arith.addi %add3A_140, %add3A_154 : i32
      %lt3A_156 = arith.constant 160 : i32
      %lt3A_157 = arith.cmpi slt, %add3A_155, %lt3A_156 : i32
      %convert_element_type3A_158 = arith.extui %lt3A_157 : i1 to i32
      %cond3A_159 = arith.constant 0 : i32
      %cond3A_160 = arith.cmpi ne, %convert_element_type3A_158, %cond3A_159 : i32
      scf.if %cond3A_160 {
        %dma_start3A_176 = arith.constant 1 : i32
        %dma_start3A_177 = arith.constant 0 : i32
        %dma_start3A_178 = arith.constant 0 : i32
        %dma_start3A_179 = tpu.memref_slice %arg12[%dma_start3A_176, %dma_start3A_177, %dma_start3A_178] : memref<2x125x64xf32, #tpu.memory_space<vmem>> -> memref<1x125x64xf32, #tpu.memory_space<vmem>>
        %dma_start3A_180 = tpu.memref_squeeze %dma_start3A_179 : memref<1x125x64xf32, #tpu.memory_space<vmem>> -> memref<125x64xf32, #tpu.memory_space<vmem>>
        %dma_start3A_181 = arith.constant 0 : i32
        %dma_start3A_182 = tpu.memref_slice %arg10[%add3A_155, %dma_start3A_181] : memref<160x125xi32, #tpu.memory_space<vmem>> -> memref<1x125xi32, #tpu.memory_space<vmem>>
        %dma_start3A_183 = tpu.memref_squeeze %dma_start3A_182 : memref<1x125xi32, #tpu.memory_space<vmem>> -> memref<125xi32, #tpu.memory_space<vmem>>
        %dma_start3A_184 = arith.constant 0 : i32
        %dma_start3A_185 = arith.constant 0 : i32
        %dma_start3A_186 = tpu.memref_slice %arg2[%dma_start3A_184, %dma_start3A_185] : memref<20000x64xf32, #tpu.memory_space<hbm>> -> memref<20000x64xf32, #tpu.memory_space<hbm>>
        tpu.enqueue_indirect_dma source(%dma_start3A_186 : memref<20000x64xf32, #tpu.memory_space<hbm>>) target(%dma_start3A_180 : memref<125x64xf32, #tpu.memory_space<vmem>>) offsets(%dma_start3A_183 : memref<125xi32, #tpu.memory_space<vmem>>) semaphore(%arg16 : memref<!tpu.dma_semaphore, #tpu.memory_space<semaphore_mem>>)
      } else {
      }
      %lt3A_161 = arith.constant 80 : i32
      %lt3A_162 = arith.cmpi slt, %add3A_140, %lt3A_161 : i32
      %eq3A_163 = arith.constant 0 : i32
      %eq3A_164 = arith.cmpi eq, %arg0, %eq3A_163 : i32
      %eq3A_165 = arith.xori %lt3A_162, %eq3A_164 : i1
      %eq3A_166 = arith.constant true
      %eq3A_167 = arith.xori %eq3A_165, %eq3A_166 : i1
      %convert_element_type3A_168 = arith.extui %eq3A_167 : i1 to i32
      %cond3A_169 = arith.constant 0 : i32
      %cond3A_170 = arith.cmpi ne, %convert_element_type3A_168, %cond3A_169 : i32
      scf.if %cond3A_170 {
        "tpu.region"() ({
          %run_scoped3A_176 = tpu.sem_alloc : memref<!tpu.dma_semaphore, #tpu.memory_space<semaphore_mem>>
          %dma_start3A_177 = arith.constant 0 : i32
          %dma_start3A_178 = arith.constant 0 : i32
          %dma_start3A_179 = tpu.memref_slice %arg5[%arg1, %add3A_140, %dma_start3A_177, %dma_start3A_178] : memref<16x160x125x16xf32, #tpu.memory_space<hbm>> -> memref<1x1x125x16xf32, #tpu.memory_space<hbm>>
          %dma_start3A_180 = tpu.memref_squeeze %dma_start3A_179 : memref<1x1x125x16xf32, #tpu.memory_space<hbm>> -> memref<125x16xf32, #tpu.memory_space<hbm>>
          %dma_start3A_181 = arith.constant 0 : i32
          %dma_start3A_182 = arith.constant 0 : i32
          %dma_start3A_183 = tpu.memref_slice %arg5[%arg1, %add3A_140, %dma_start3A_181, %dma_start3A_182] : memref<16x160x125x16xf32, #tpu.memory_space<hbm>> -> memref<1x1x125x16xf32, #tpu.memory_space<hbm>>
          %dma_start3A_184 = tpu.memref_squeeze %dma_start3A_183 : memref<1x1x125x16xf32, #tpu.memory_space<hbm>> -> memref<125x16xf32, #tpu.memory_space<hbm>>
          tpu.enqueue_dma source(%dma_start3A_184 : memref<125x16xf32, #tpu.memory_space<hbm>>) target(%arg17 : memref<125x16xf32, #tpu.memory_space<vmem>>) target_semaphore(%run_scoped3A_176 : memref<!tpu.dma_semaphore, #tpu.memory_space<semaphore_mem>>)
          %dma_wait3A_185 = arith.constant 0 : i32
          %dma_wait3A_186 = arith.constant 0 : i32
          %dma_wait3A_187 = tpu.memref_slice %arg5[%arg1, %add3A_140, %dma_wait3A_185, %dma_wait3A_186] : memref<16x160x125x16xf32, #tpu.memory_space<hbm>> -> memref<1x1x125x16xf32, #tpu.memory_space<hbm>>
          %dma_wait3A_188 = tpu.memref_squeeze %dma_wait3A_187 : memref<1x1x125x16xf32, #tpu.memory_space<hbm>> -> memref<125x16xf32, #tpu.memory_space<hbm>>
          %dma_wait3A_189 = arith.constant 0 : i32
          %dma_wait3A_190 = arith.constant 0 : i32
          %dma_wait3A_191 = tpu.memref_slice %arg5[%arg1, %add3A_140, %dma_wait3A_189, %dma_wait3A_190] : memref<16x160x125x16xf32, #tpu.memory_space<hbm>> -> memref<1x1x125x16xf32, #tpu.memory_space<hbm>>
          %dma_wait3A_192 = tpu.memref_squeeze %dma_wait3A_191 : memref<1x1x125x16xf32, #tpu.memory_space<hbm>> -> memref<125x16xf32, #tpu.memory_space<hbm>>
          tpu.wait_dma2 semaphore(%run_scoped3A_176 : memref<!tpu.dma_semaphore, #tpu.memory_space<semaphore_mem>>) src(%dma_wait3A_192 : memref<125x16xf32, #tpu.memory_space<hbm>>) dst(%arg17 : memref<125x16xf32, #tpu.memory_space<vmem>>)
          tpu.yield
        }) : () -> ()
        "tpu.region"() ({
          %run_scoped3A_176 = tpu.sem_alloc : memref<!tpu.dma_semaphore, #tpu.memory_space<semaphore_mem>>
          %dma_start3A_177 = arith.constant 0 : i32
          %dma_start3A_178 = tpu.memref_slice %arg11[%add3A_140, %dma_start3A_177] : memref<160x125xi32, #tpu.memory_space<vmem>> -> memref<1x125xi32, #tpu.memory_space<vmem>>
          %dma_start3A_179 = tpu.memref_squeeze %dma_start3A_178 : memref<1x125xi32, #tpu.memory_space<vmem>> -> memref<125xi32, #tpu.memory_space<vmem>>
          %dma_start3A_180 = arith.constant 0 : i32
          %dma_start3A_181 = arith.constant 0 : i32
          %dma_start3A_182 = tpu.memref_slice %arg20[%dma_start3A_180, %dma_start3A_181] : memref<10000x16xf32, #tpu.memory_space<vmem_shared>> -> memref<10000x16xf32, #tpu.memory_space<vmem_shared>>
          tpu.enqueue_indirect_dma source(%arg17 : memref<125x16xf32, #tpu.memory_space<vmem>>) target(%dma_start3A_182 : memref<10000x16xf32, #tpu.memory_space<vmem_shared>>) offsets(%dma_start3A_179 : memref<125xi32, #tpu.memory_space<vmem>>) semaphore(%run_scoped3A_176 : memref<!tpu.dma_semaphore, #tpu.memory_space<semaphore_mem>>) {add = true}
          %dma_wait3A_183 = arith.constant 0 : i32
          %dma_wait3A_184 = tpu.memref_slice %arg11[%add3A_140, %dma_wait3A_183] : memref<160x125xi32, #tpu.memory_space<vmem>> -> memref<1x125xi32, #tpu.memory_space<vmem>>
          %dma_wait3A_185 = tpu.memref_squeeze %dma_wait3A_184 : memref<1x125xi32, #tpu.memory_space<vmem>> -> memref<125xi32, #tpu.memory_space<vmem>>
          %dma_wait3A_186 = arith.constant 0 : i32
          %dma_wait3A_187 = arith.constant 0 : i32
          %dma_wait3A_188 = tpu.memref_slice %arg20[%dma_wait3A_186, %dma_wait3A_187] : memref<10000x16xf32, #tpu.memory_space<vmem_shared>> -> memref<10000x16xf32, #tpu.memory_space<vmem_shared>>
          tpu.wait_indirect_dma semaphore(%run_scoped3A_176 : memref<!tpu.dma_semaphore, #tpu.memory_space<semaphore_mem>>) src(%arg17 : memref<125x16xf32, #tpu.memory_space<vmem>>) dst(%dma_wait3A_188 : memref<10000x16xf32, #tpu.memory_space<vmem_shared>>)
          tpu.yield
        }) : () -> ()
      } else {
      }
      %not3A_171 = arith.constant true
      %not3A_172 = arith.xori %eq3A_167, %not3A_171 : i1
      %convert_element_type3A_173 = arith.extui %not3A_172 : i1 to i32
      %cond3A_174 = arith.constant 0 : i32
      %cond3A_175 = arith.cmpi ne, %convert_element_type3A_173, %cond3A_174 : i32
      scf.if %cond3A_175 {
        "tpu.region"() ({
          %run_scoped3A_176 = tpu.sem_alloc : memref<!tpu.dma_semaphore, #tpu.memory_space<semaphore_mem>>
          %dma_start3A_177 = arith.constant 0 : i32
          %dma_start3A_178 = arith.constant 0 : i32
          %dma_start3A_179 = tpu.memref_slice %arg19[%dma_start3A_177, %dma_start3A_178] : memref<128x8xf32, #tpu.memory_space<vmem>> -> memref<125x8xf32, #tpu.memory_space<vmem>>
          %dma_start3A_180 = arith.constant 0 : i32
          %dma_start3A_181 = tpu.memref_slice %arg11[%add3A_140, %dma_start3A_180] : memref<160x125xi32, #tpu.memory_space<vmem>> -> memref<1x125xi32, #tpu.memory_space<vmem>>
          %dma_start3A_182 = tpu.memref_squeeze %dma_start3A_181 : memref<1x125xi32, #tpu.memory_space<vmem>> -> memref<125xi32, #tpu.memory_space<vmem>>
          %dma_start3A_183 = arith.constant 0 : i32
          %dma_start3A_184 = arith.constant 0 : i32
          %dma_start3A_185 = tpu.memref_slice %arg21[%dma_start3A_183, %dma_start3A_184] : memref<10000x8xf32, #tpu.memory_space<vmem_shared>> -> memref<10000x8xf32, #tpu.memory_space<vmem_shared>>
          tpu.enqueue_indirect_dma source(%dma_start3A_179 : memref<125x8xf32, #tpu.memory_space<vmem>>) target(%dma_start3A_185 : memref<10000x8xf32, #tpu.memory_space<vmem_shared>>) offsets(%dma_start3A_182 : memref<125xi32, #tpu.memory_space<vmem>>) semaphore(%run_scoped3A_176 : memref<!tpu.dma_semaphore, #tpu.memory_space<semaphore_mem>>) {add = true}
          %dma_wait3A_186 = arith.constant 0 : i32
          %dma_wait3A_187 = arith.constant 0 : i32
          %dma_wait3A_188 = tpu.memref_slice %arg19[%dma_wait3A_186, %dma_wait3A_187] : memref<128x8xf32, #tpu.memory_space<vmem>> -> memref<125x8xf32, #tpu.memory_space<vmem>>
          %dma_wait3A_189 = arith.constant 0 : i32
          %dma_wait3A_190 = tpu.memref_slice %arg11[%add3A_140, %dma_wait3A_189] : memref<160x125xi32, #tpu.memory_space<vmem>> -> memref<1x125xi32, #tpu.memory_space<vmem>>
          %dma_wait3A_191 = tpu.memref_squeeze %dma_wait3A_190 : memref<1x125xi32, #tpu.memory_space<vmem>> -> memref<125xi32, #tpu.memory_space<vmem>>
          %dma_wait3A_192 = arith.constant 0 : i32
          %dma_wait3A_193 = arith.constant 0 : i32
          %dma_wait3A_194 = tpu.memref_slice %arg21[%dma_wait3A_192, %dma_wait3A_193] : memref<10000x8xf32, #tpu.memory_space<vmem_shared>> -> memref<10000x8xf32, #tpu.memory_space<vmem_shared>>
          tpu.wait_indirect_dma semaphore(%run_scoped3A_176 : memref<!tpu.dma_semaphore, #tpu.memory_space<semaphore_mem>>) src(%dma_wait3A_188 : memref<125x8xf32, #tpu.memory_space<vmem>>) dst(%dma_wait3A_194 : memref<10000x8xf32, #tpu.memory_space<vmem_shared>>)
          tpu.yield
        }) : () -> ()
      } else {
      }
    }
    %scan3A_99 = arith.constant 80 : i32
    %barrier3A_100 = arith.constant 0 : index
    tpu.barrier barrier_id(%barrier3A_100)
    %mul3A_101 = arith.constant 625 : i32
    %mul3A_102 = arith.muli %arg1, %mul3A_101 : i32
    "tpu.region"() ({
      %run_scoped3A_103 = tpu.sem_alloc : memref<!tpu.dma_semaphore, #tpu.memory_space<semaphore_mem>>
      %dma_start3A_104 = arith.constant 0 : i32
      %dma_start3A_105 = tpu.memref_slice %arg7[%arg0, %mul3A_102, %dma_start3A_104] : memref<2x10000x64xf32, #tpu.memory_space<hbm>> -> memref<1x625x64xf32, #tpu.memory_space<hbm>>
      %dma_start3A_106 = tpu.memref_squeeze %dma_start3A_105 : memref<1x625x64xf32, #tpu.memory_space<hbm>> -> memref<625x64xf32, #tpu.memory_space<hbm>>
      %dma_start3A_107 = arith.constant 0 : i32
      %dma_start3A_108 = tpu.memref_slice %arg14[%mul3A_102, %dma_start3A_107] : memref<10000x64xf32, #tpu.memory_space<vmem_shared>> -> memref<625x64xf32, #tpu.memory_space<vmem_shared>>
      tpu.enqueue_dma source(%dma_start3A_108 : memref<625x64xf32, #tpu.memory_space<vmem_shared>>) target(%dma_start3A_106 : memref<625x64xf32, #tpu.memory_space<hbm>>) target_semaphore(%run_scoped3A_103 : memref<!tpu.dma_semaphore, #tpu.memory_space<semaphore_mem>>)
      %dma_wait3A = arith.constant 0 : i32
      %dma_wait3A_109 = tpu.memref_slice %arg7[%arg0, %mul3A_102, %dma_wait3A] : memref<2x10000x64xf32, #tpu.memory_space<hbm>> -> memref<1x625x64xf32, #tpu.memory_space<hbm>>
      %dma_wait3A_110 = tpu.memref_squeeze %dma_wait3A_109 : memref<1x625x64xf32, #tpu.memory_space<hbm>> -> memref<625x64xf32, #tpu.memory_space<hbm>>
      %dma_wait3A_111 = arith.constant 0 : i32
      %dma_wait3A_112 = tpu.memref_slice %arg14[%mul3A_102, %dma_wait3A_111] : memref<10000x64xf32, #tpu.memory_space<vmem_shared>> -> memref<625x64xf32, #tpu.memory_space<vmem_shared>>
      tpu.wait_dma2 semaphore(%run_scoped3A_103 : memref<!tpu.dma_semaphore, #tpu.memory_space<semaphore_mem>>) src(%dma_wait3A_112 : memref<625x64xf32, #tpu.memory_space<vmem_shared>>) dst(%dma_wait3A_110 : memref<625x64xf32, #tpu.memory_space<hbm>>)
      tpu.yield
    }) : () -> ()
    "tpu.region"() ({
      %run_scoped3A_103 = tpu.sem_alloc : memref<!tpu.dma_semaphore, #tpu.memory_space<semaphore_mem>>
      %dma_start3A_104 = arith.constant 0 : i32
      %dma_start3A_105 = tpu.memref_slice %arg8[%arg0, %mul3A_102, %dma_start3A_104] : memref<2x10000x16xf32, #tpu.memory_space<hbm>> -> memref<1x625x16xf32, #tpu.memory_space<hbm>>
      %dma_start3A_106 = tpu.memref_squeeze %dma_start3A_105 : memref<1x625x16xf32, #tpu.memory_space<hbm>> -> memref<625x16xf32, #tpu.memory_space<hbm>>
      %dma_start3A_107 = arith.constant 0 : i32
      %dma_start3A_108 = tpu.memref_slice %arg20[%mul3A_102, %dma_start3A_107] : memref<10000x16xf32, #tpu.memory_space<vmem_shared>> -> memref<625x16xf32, #tpu.memory_space<vmem_shared>>
      tpu.enqueue_dma source(%dma_start3A_108 : memref<625x16xf32, #tpu.memory_space<vmem_shared>>) target(%dma_start3A_106 : memref<625x16xf32, #tpu.memory_space<hbm>>) target_semaphore(%run_scoped3A_103 : memref<!tpu.dma_semaphore, #tpu.memory_space<semaphore_mem>>)
      %dma_wait3A = arith.constant 0 : i32
      %dma_wait3A_109 = tpu.memref_slice %arg8[%arg0, %mul3A_102, %dma_wait3A] : memref<2x10000x16xf32, #tpu.memory_space<hbm>> -> memref<1x625x16xf32, #tpu.memory_space<hbm>>
      %dma_wait3A_110 = tpu.memref_squeeze %dma_wait3A_109 : memref<1x625x16xf32, #tpu.memory_space<hbm>> -> memref<625x16xf32, #tpu.memory_space<hbm>>
      %dma_wait3A_111 = arith.constant 0 : i32
      %dma_wait3A_112 = tpu.memref_slice %arg20[%mul3A_102, %dma_wait3A_111] : memref<10000x16xf32, #tpu.memory_space<vmem_shared>> -> memref<625x16xf32, #tpu.memory_space<vmem_shared>>
      tpu.wait_dma2 semaphore(%run_scoped3A_103 : memref<!tpu.dma_semaphore, #tpu.memory_space<semaphore_mem>>) src(%dma_wait3A_112 : memref<625x16xf32, #tpu.memory_space<vmem_shared>>) dst(%dma_wait3A_110 : memref<625x16xf32, #tpu.memory_space<hbm>>)
      tpu.yield
    }) : () -> ()
    "tpu.region"() ({
      %run_scoped3A_103 = tpu.sem_alloc : memref<!tpu.dma_semaphore, #tpu.memory_space<semaphore_mem>>
      %dma_start3A_104 = arith.constant 0 : i32
      %dma_start3A_105 = tpu.memref_slice %arg9[%arg0, %mul3A_102, %dma_start3A_104] : memref<2x10000x8xf32, #tpu.memory_space<hbm>> -> memref<1x625x8xf32, #tpu.memory_space<hbm>>
      %dma_start3A_106 = tpu.memref_squeeze %dma_start3A_105 : memref<1x625x8xf32, #tpu.memory_space<hbm>> -> memref<625x8xf32, #tpu.memory_space<hbm>>
      %dma_start3A_107 = arith.constant 0 : i32
      %dma_start3A_108 = tpu.memref_slice %arg21[%mul3A_102, %dma_start3A_107] : memref<10000x8xf32, #tpu.memory_space<vmem_shared>> -> memref<625x8xf32, #tpu.memory_space<vmem_shared>>
      tpu.enqueue_dma source(%dma_start3A_108 : memref<625x8xf32, #tpu.memory_space<vmem_shared>>) target(%dma_start3A_106 : memref<625x8xf32, #tpu.memory_space<hbm>>) target_semaphore(%run_scoped3A_103 : memref<!tpu.dma_semaphore, #tpu.memory_space<semaphore_mem>>)
      %dma_wait3A = arith.constant 0 : i32
      %dma_wait3A_109 = tpu.memref_slice %arg9[%arg0, %mul3A_102, %dma_wait3A] : memref<2x10000x8xf32, #tpu.memory_space<hbm>> -> memref<1x625x8xf32, #tpu.memory_space<hbm>>
      %dma_wait3A_110 = tpu.memref_squeeze %dma_wait3A_109 : memref<1x625x8xf32, #tpu.memory_space<hbm>> -> memref<625x8xf32, #tpu.memory_space<hbm>>
      %dma_wait3A_111 = arith.constant 0 : i32
      %dma_wait3A_112 = tpu.memref_slice %arg21[%mul3A_102, %dma_wait3A_111] : memref<10000x8xf32, #tpu.memory_space<vmem_shared>> -> memref<625x8xf32, #tpu.memory_space<vmem_shared>>
      tpu.wait_dma2 semaphore(%run_scoped3A_103 : memref<!tpu.dma_semaphore, #tpu.memory_space<semaphore_mem>>) src(%dma_wait3A_112 : memref<625x8xf32, #tpu.memory_space<vmem_shared>>) dst(%dma_wait3A_110 : memref<625x8xf32, #tpu.memory_space<hbm>>)
      tpu.yield
    }) : () -> ()
    return
  }
}

module attributes {stable_mosaic.version = 14 : i64} {
  func.func @_fuse_body(%arg0: i32, %arg1: memref<1000x128xf32, #tpu.memory_space<vmem>>, %arg2: memref<2x1000x64xf32, #tpu.memory_space<vmem>>, %arg3: memref<1x1000x16xf32, #tpu.memory_space<vmem>>, %arg4: memref<1x1000x16xf32, #tpu.memory_space<vmem>>, %arg5: memref<1x1000x8xf32, #tpu.memory_space<vmem>>, %arg6: memref<1x1000x8xf32, #tpu.memory_space<vmem>>, %arg7: memref<64x128xf32, #tpu.memory_space<vmem>>, %arg8: memref<64x128xf32, #tpu.memory_space<vmem>>, %arg9: memref<1x128xf32, #tpu.memory_space<vmem>>, %arg10: memref<64x128xf32, #tpu.memory_space<vmem>>, %arg11: memref<64x128xf32, #tpu.memory_space<vmem>>, %arg12: memref<16x128xf32, #tpu.memory_space<vmem>>, %arg13: memref<1x128xf32, #tpu.memory_space<vmem>>, %arg14: memref<1000x128xf32, #tpu.memory_space<vmem>>) attributes {dimension_semantics = [#tpu.dimension_semantics<arbitrary>], iteration_bounds = array<i64: 10>, scalar_prefetch = 0 : i64, scratch_operands = 0 : i64, tpu.core_type = #tpu.core_type<tc>, window_params = [{transform_indices = @transform_0, window_bounds = array<i64: 1000, 128>}, {transform_indices = @transform_1, window_bounds = array<i64: 2, 1000, 64>}, {transform_indices = @transform_2, window_bounds = array<i64: 1, 1000, 16>}, {transform_indices = @transform_3, window_bounds = array<i64: 1, 1000, 16>}, {transform_indices = @transform_4, window_bounds = array<i64: 1, 1000, 8>}, {transform_indices = @transform_5, window_bounds = array<i64: 1, 1000, 8>}, {pipeline_mode = #tpu.pipeline_mode<synchronous>, transform_indices = @transform_6, window_bounds = array<i64: 64, 128>}, {pipeline_mode = #tpu.pipeline_mode<synchronous>, transform_indices = @transform_7, window_bounds = array<i64: 64, 128>}, {pipeline_mode = #tpu.pipeline_mode<synchronous>, transform_indices = @transform_8, window_bounds = array<i64: 1, 128>}, {pipeline_mode = #tpu.pipeline_mode<synchronous>, transform_indices = @transform_9, window_bounds = array<i64: 64, 128>}, {pipeline_mode = #tpu.pipeline_mode<synchronous>, transform_indices = @transform_10, window_bounds = array<i64: 64, 128>}, {pipeline_mode = #tpu.pipeline_mode<synchronous>, transform_indices = @transform_11, window_bounds = array<i64: 16, 128>}, {pipeline_mode = #tpu.pipeline_mode<synchronous>, transform_indices = @transform_12, window_bounds = array<i64: 1, 128>}, {transform_indices = @transform_13, window_bounds = array<i64: 1000, 128>}]} {
    %get3A = arith.constant 0 : index
    %get3A_0 = arith.constant 0 : index
    %get3A_1 = vector.load %arg1[%get3A, %get3A_0] : memref<1000x128xf32, #tpu.memory_space<vmem>>, vector<1000x128xf32>
    %slice3A = vector.extract_strided_slice %get3A_1 {offsets = [0, 0], sizes = [1000, 64], strides = [1, 1]} : vector<1000x128xf32> to vector<1000x64xf32>
    %slice3A_2 = vector.extract_strided_slice %get3A_1 {offsets = [0, 64], sizes = [1000, 64], strides = [1, 1]} : vector<1000x128xf32> to vector<1000x64xf32>
    %get3A_3 = arith.constant 0 : index
    %get3A_4 = arith.constant 0 : index
    %get3A_5 = arith.constant 0 : index
    %get3A_6 = vector.load %arg2[%get3A_3, %get3A_4, %get3A_5] : memref<2x1000x64xf32, #tpu.memory_space<vmem>>, vector<1x1000x64xf32>
    %get3A_7 = vector.shape_cast %get3A_6 : vector<1x1000x64xf32> to vector<1000x64xf32>
    %add3A = arith.addf %get3A_7, %slice3A : vector<1000x64xf32>
    %get3A_8 = arith.constant 1 : index
    %get3A_9 = arith.constant 0 : index
    %get3A_10 = arith.constant 0 : index
    %get3A_11 = vector.load %arg2[%get3A_8, %get3A_9, %get3A_10] : memref<2x1000x64xf32, #tpu.memory_space<vmem>>, vector<1x1000x64xf32>
    %get3A_12 = vector.shape_cast %get3A_11 : vector<1x1000x64xf32> to vector<1000x64xf32>
    %add3A_13 = arith.addf %get3A_12, %slice3A_2 : vector<1000x64xf32>
    %get3A_14 = arith.constant 0 : index
    %get3A_15 = arith.constant 0 : index
    %get3A_16 = arith.constant 0 : index
    %get3A_17 = vector.load %arg5[%get3A_14, %get3A_15, %get3A_16] : memref<1x1000x8xf32, #tpu.memory_space<vmem>>, vector<1x1000x8xf32>
    %get3A_18 = vector.shape_cast %get3A_17 : vector<1x1000x8xf32> to vector<1000x8xf32>
    %slice3A_19 = vector.extract_strided_slice %get3A_18 {offsets = [0, 0], sizes = [1000, 1], strides = [1, 1]} : vector<1000x8xf32> to vector<1000x1xf32>
    %get3A_20 = arith.constant 0 : index
    %get3A_21 = arith.constant 0 : index
    %get3A_22 = arith.constant 0 : index
    %get3A_23 = vector.load %arg6[%get3A_20, %get3A_21, %get3A_22] : memref<1x1000x8xf32, #tpu.memory_space<vmem>>, vector<1x1000x8xf32>
    %get3A_24 = vector.shape_cast %get3A_23 : vector<1x1000x8xf32> to vector<1000x8xf32>
    %slice3A_25 = vector.extract_strided_slice %get3A_24 {offsets = [0, 0], sizes = [1000, 1], strides = [1, 1]} : vector<1000x8xf32> to vector<1000x1xf32>
    %add3A_26 = arith.addf %slice3A_19, %slice3A_25 : vector<1000x1xf32>
    %add3A_27 = arith.constant 1.000000e+00 : f32
    %add3A_28 = vector.broadcast %add3A_27 : f32 to vector<1000x1xf32>
    %add3A_29 = arith.addf %add3A_26, %add3A_28 : vector<1000x1xf32>
    %get3A_30 = arith.constant 0 : index
    %get3A_31 = arith.constant 0 : index
    %get3A_32 = vector.load %arg10[%get3A_30, %get3A_31] : memref<64x128xf32, #tpu.memory_space<vmem>>, vector<64x128xf32>
    %dot_general3A = arith.constant dense<0.000000e+00> : vector<1000x128xf32>
    %dot_general3A_33 = tpu.matmul %add3A, %get3A_32, %dot_general3A {dimension_numbers = #tpu.dot_dimension_numbers<[1], [0], [0], [1], [0, 0, 1, 1], [], []>, transpose_lhs_hint = false} : vector<1000x64xf32>, vector<64x128xf32>, vector<1000x128xf32> -> vector<1000x128xf32>
    %get3A_34 = arith.constant 0 : index
    %get3A_35 = arith.constant 0 : index
    %get3A_36 = vector.load %arg11[%get3A_34, %get3A_35] : memref<64x128xf32, #tpu.memory_space<vmem>>, vector<64x128xf32>
    %dot_general3A_37 = arith.constant dense<0.000000e+00> : vector<1000x128xf32>
    %dot_general3A_38 = tpu.matmul %add3A_13, %get3A_36, %dot_general3A_37 {dimension_numbers = #tpu.dot_dimension_numbers<[1], [0], [0], [1], [0, 0, 1, 1], [], []>, transpose_lhs_hint = false} : vector<1000x64xf32>, vector<64x128xf32>, vector<1000x128xf32> -> vector<1000x128xf32>
    %add3A_39 = arith.addf %dot_general3A_33, %dot_general3A_38 : vector<1000x128xf32>
    %get3A_40 = arith.constant 0 : index
    %get3A_41 = arith.constant 0 : index
    %get3A_42 = arith.constant 0 : index
    %get3A_43 = vector.load %arg3[%get3A_40, %get3A_41, %get3A_42] : memref<1x1000x16xf32, #tpu.memory_space<vmem>>, vector<1x1000x16xf32>
    %get3A_44 = vector.shape_cast %get3A_43 : vector<1x1000x16xf32> to vector<1000x16xf32>
    %get3A_45 = arith.constant 0 : index
    %get3A_46 = arith.constant 0 : index
    %get3A_47 = arith.constant 0 : index
    %get3A_48 = vector.load %arg4[%get3A_45, %get3A_46, %get3A_47] : memref<1x1000x16xf32, #tpu.memory_space<vmem>>, vector<1x1000x16xf32>
    %get3A_49 = vector.shape_cast %get3A_48 : vector<1x1000x16xf32> to vector<1000x16xf32>
    %add3A_50 = arith.addf %get3A_44, %get3A_49 : vector<1000x16xf32>
    %get3A_51 = arith.constant 0 : index
    %get3A_52 = arith.constant 0 : index
    %get3A_53 = vector.load %arg12[%get3A_51, %get3A_52] : memref<16x128xf32, #tpu.memory_space<vmem>>, vector<16x128xf32>
    %dot_general3A_54 = arith.constant dense<0.000000e+00> : vector<1000x128xf32>
    %dot_general3A_55 = tpu.matmul %add3A_50, %get3A_53, %dot_general3A_54 {dimension_numbers = #tpu.dot_dimension_numbers<[1], [0], [0], [1], [0, 0, 1, 1], [], []>, transpose_lhs_hint = false} : vector<1000x16xf32>, vector<16x128xf32>, vector<1000x128xf32> -> vector<1000x128xf32>
    %add3A_56 = arith.addf %add3A_39, %dot_general3A_55 : vector<1000x128xf32>
    %get3A_57 = arith.constant 0 : index
    %get3A_58 = arith.constant 0 : index
    %get3A_59 = vector.load %arg7[%get3A_57, %get3A_58] : memref<64x128xf32, #tpu.memory_space<vmem>>, vector<64x128xf32>
    %dot_general3A_60 = arith.constant dense<0.000000e+00> : vector<1000x128xf32>
    %dot_general3A_61 = tpu.matmul %slice3A, %get3A_59, %dot_general3A_60 {dimension_numbers = #tpu.dot_dimension_numbers<[1], [0], [0], [1], [0, 0, 1, 1], [], []>, transpose_lhs_hint = false} : vector<1000x64xf32>, vector<64x128xf32>, vector<1000x128xf32> -> vector<1000x128xf32>
    %get3A_62 = arith.constant 0 : index
    %get3A_63 = arith.constant 0 : index
    %get3A_64 = vector.load %arg8[%get3A_62, %get3A_63] : memref<64x128xf32, #tpu.memory_space<vmem>>, vector<64x128xf32>
    %dot_general3A_65 = arith.constant dense<0.000000e+00> : vector<1000x128xf32>
    %dot_general3A_66 = tpu.matmul %slice3A_2, %get3A_64, %dot_general3A_65 {dimension_numbers = #tpu.dot_dimension_numbers<[1], [0], [0], [1], [0, 0, 1, 1], [], []>, transpose_lhs_hint = false} : vector<1000x64xf32>, vector<64x128xf32>, vector<1000x128xf32> -> vector<1000x128xf32>
    %add3A_67 = arith.addf %dot_general3A_61, %dot_general3A_66 : vector<1000x128xf32>
    %get3A_68 = arith.constant 0 : index
    %get3A_69 = arith.constant 0 : index
    %get3A_70 = vector.load %arg9[%get3A_68, %get3A_69] : memref<1x128xf32, #tpu.memory_space<vmem>>, vector<1x128xf32>
    %add3A_71 = vector.broadcast %get3A_70 : vector<1x128xf32> to vector<1000x128xf32>
    %add3A_72 = arith.addf %add3A_67, %add3A_71 : vector<1000x128xf32>
    %div3A = vector.broadcast %add3A_29 : vector<1000x1xf32> to vector<1000x128xf32>
    %div3A_73 = arith.divf %add3A_56, %div3A : vector<1000x128xf32>
    %add3A_74 = arith.addf %add3A_72, %div3A_73 : vector<1000x128xf32>
    %get3A_75 = arith.constant 0 : index
    %get3A_76 = arith.constant 0 : index
    %get3A_77 = vector.load %arg13[%get3A_75, %get3A_76] : memref<1x128xf32, #tpu.memory_space<vmem>>, vector<1x128xf32>
    %add3A_78 = vector.broadcast %get3A_77 : vector<1x128xf32> to vector<1000x128xf32>
    %add3A_79 = arith.addf %add3A_74, %add3A_78 : vector<1000x128xf32>
    %max3A = arith.constant 0.000000e+00 : f32
    %max3A_80 = vector.broadcast %max3A : f32 to vector<1000x128xf32>
    %max3A_81 = arith.maximumf %add3A_79, %max3A_80 : vector<1000x128xf32>
    %swap3A = arith.constant 0 : index
    %swap3A_82 = arith.constant 0 : index
    %swap3A_83 = vector.load %arg14[%swap3A, %swap3A_82] : memref<1000x128xf32, #tpu.memory_space<vmem>>, vector<1000x128xf32>
    tpu.vector_store %arg14[%swap3A, %swap3A_82], %max3A_81 {strides = array<i32>} : memref<1000x128xf32, #tpu.memory_space<vmem>>, vector<1000x128xf32>,
    return
  }
  func.func @transform_0(%arg0: i32) -> (i32, i32) {
    %c0_i32 = arith.constant 0 : i32
    %c0_i32_0 = arith.constant 0 : i32
    return %arg0, %c0_i32 : i32, i32
  }
  func.func @transform_1(%arg0: i32) -> (i32, i32, i32) {
    %c0_i32 = arith.constant 0 : i32
    %c0_i32_0 = arith.constant 0 : i32
    %c0_i32_1 = arith.constant 0 : i32
    return %c0_i32, %arg0, %c0_i32_0 : i32, i32, i32
  }
  func.func @transform_2(%arg0: i32) -> (i32, i32, i32) {
    %c0_i32 = arith.constant 0 : i32
    %c0_i32_0 = arith.constant 0 : i32
    %c0_i32_1 = arith.constant 0 : i32
    return %c0_i32, %arg0, %c0_i32_0 : i32, i32, i32
  }
  func.func @transform_3(%arg0: i32) -> (i32, i32, i32) {
    %c1_i32 = arith.constant 1 : i32
    %c0_i32 = arith.constant 0 : i32
    %c0_i32_0 = arith.constant 0 : i32
    return %c1_i32, %arg0, %c0_i32 : i32, i32, i32
  }
  func.func @transform_4(%arg0: i32) -> (i32, i32, i32) {
    %c0_i32 = arith.constant 0 : i32
    %c0_i32_0 = arith.constant 0 : i32
    %c0_i32_1 = arith.constant 0 : i32
    return %c0_i32, %arg0, %c0_i32_0 : i32, i32, i32
  }
  func.func @transform_5(%arg0: i32) -> (i32, i32, i32) {
    %c1_i32 = arith.constant 1 : i32
    %c0_i32 = arith.constant 0 : i32
    %c0_i32_0 = arith.constant 0 : i32
    return %c1_i32, %arg0, %c0_i32 : i32, i32, i32
  }
  func.func @transform_6(%arg0: i32) -> (i32, i32) {
    %c0_i32 = arith.constant 0 : i32
    %c0_i32_0 = arith.constant 0 : i32
    %c0_i32_1 = arith.constant 0 : i32
    return %c0_i32, %c0_i32_0 : i32, i32
  }
  func.func @transform_7(%arg0: i32) -> (i32, i32) {
    %c0_i32 = arith.constant 0 : i32
    %c0_i32_0 = arith.constant 0 : i32
    %c0_i32_1 = arith.constant 0 : i32
    return %c0_i32, %c0_i32_0 : i32, i32
  }
  func.func @transform_8(%arg0: i32) -> (i32, i32) {
    %c0_i32 = arith.constant 0 : i32
    %c0_i32_0 = arith.constant 0 : i32
    %c0_i32_1 = arith.constant 0 : i32
    return %c0_i32, %c0_i32_0 : i32, i32
  }
  func.func @transform_9(%arg0: i32) -> (i32, i32) {
    %c0_i32 = arith.constant 0 : i32
    %c0_i32_0 = arith.constant 0 : i32
    %c0_i32_1 = arith.constant 0 : i32
    return %c0_i32, %c0_i32_0 : i32, i32
  }
  func.func @transform_10(%arg0: i32) -> (i32, i32) {
    %c0_i32 = arith.constant 0 : i32
    %c0_i32_0 = arith.constant 0 : i32
    %c0_i32_1 = arith.constant 0 : i32
    return %c0_i32, %c0_i32_0 : i32, i32
  }
  func.func @transform_11(%arg0: i32) -> (i32, i32) {
    %c0_i32 = arith.constant 0 : i32
    %c0_i32_0 = arith.constant 0 : i32
    %c0_i32_1 = arith.constant 0 : i32
    return %c0_i32, %c0_i32_0 : i32, i32
  }
  func.func @transform_12(%arg0: i32) -> (i32, i32) {
    %c0_i32 = arith.constant 0 : i32
    %c0_i32_0 = arith.constant 0 : i32
    %c0_i32_1 = arith.constant 0 : i32
    return %c0_i32, %c0_i32_0 : i32, i32
  }
  func.func @transform_13(%arg0: i32) -> (i32, i32) {
    %c0_i32 = arith.constant 0 : i32
    %c0_i32_0 = arith.constant 0 : i32
    return %arg0, %c0_i32 : i32, i32
  }
}

module attributes {stable_mosaic.version = 14 : i64} {
  func.func @_fuse_body(%arg0: i32, %arg1: memref<1000x128xf32, #tpu.memory_space<vmem>>, %arg2: memref<2x1000x64xf32, #tpu.memory_space<vmem>>, %arg3: memref<1x1000x16xf32, #tpu.memory_space<vmem>>, %arg4: memref<1x1000x16xf32, #tpu.memory_space<vmem>>, %arg5: memref<1x1000x8xf32, #tpu.memory_space<vmem>>, %arg6: memref<1x1000x8xf32, #tpu.memory_space<vmem>>, %arg7: memref<64x128xf32, #tpu.memory_space<vmem>>, %arg8: memref<64x128xf32, #tpu.memory_space<vmem>>, %arg9: memref<1x128xf32, #tpu.memory_space<vmem>>, %arg10: memref<64x128xf32, #tpu.memory_space<vmem>>, %arg11: memref<64x128xf32, #tpu.memory_space<vmem>>, %arg12: memref<16x128xf32, #tpu.memory_space<vmem>>, %arg13: memref<1x128xf32, #tpu.memory_space<vmem>>, %arg14: memref<1000x128xf32, #tpu.memory_space<vmem>>) attributes {dimension_semantics = [#tpu.dimension_semantics<arbitrary>], iteration_bounds = array<i64: 10>, scalar_prefetch = 0 : i64, scratch_operands = 0 : i64, tpu.core_type = #tpu.core_type<tc>, window_params = [{transform_indices = @transform_0, window_bounds = array<i64: 1000, 128>}, {transform_indices = @transform_1, window_bounds = array<i64: 2, 1000, 64>}, {transform_indices = @transform_2, window_bounds = array<i64: 1, 1000, 16>}, {transform_indices = @transform_3, window_bounds = array<i64: 1, 1000, 16>}, {transform_indices = @transform_4, window_bounds = array<i64: 1, 1000, 8>}, {transform_indices = @transform_5, window_bounds = array<i64: 1, 1000, 8>}, {pipeline_mode = #tpu.pipeline_mode<synchronous>, transform_indices = @transform_6, window_bounds = array<i64: 64, 128>}, {pipeline_mode = #tpu.pipeline_mode<synchronous>, transform_indices = @transform_7, window_bounds = array<i64: 64, 128>}, {pipeline_mode = #tpu.pipeline_mode<synchronous>, transform_indices = @transform_8, window_bounds = array<i64: 1, 128>}, {pipeline_mode = #tpu.pipeline_mode<synchronous>, transform_indices = @transform_9, window_bounds = array<i64: 64, 128>}, {pipeline_mode = #tpu.pipeline_mode<synchronous>, transform_indices = @transform_10, window_bounds = array<i64: 64, 128>}, {pipeline_mode = #tpu.pipeline_mode<synchronous>, transform_indices = @transform_11, window_bounds = array<i64: 16, 128>}, {pipeline_mode = #tpu.pipeline_mode<synchronous>, transform_indices = @transform_12, window_bounds = array<i64: 1, 128>}, {transform_indices = @transform_13, window_bounds = array<i64: 1000, 128>}]} {
    %get3A = arith.constant 0 : index
    %get3A_0 = arith.constant 0 : index
    %get3A_1 = vector.load %arg1[%get3A, %get3A_0] : memref<1000x128xf32, #tpu.memory_space<vmem>>, vector<1000x128xf32>
    %slice3A = vector.extract_strided_slice %get3A_1 {offsets = [0, 0], sizes = [1000, 64], strides = [1, 1]} : vector<1000x128xf32> to vector<1000x64xf32>
    %slice3A_2 = vector.extract_strided_slice %get3A_1 {offsets = [0, 64], sizes = [1000, 64], strides = [1, 1]} : vector<1000x128xf32> to vector<1000x64xf32>
    %get3A_3 = arith.constant 0 : index
    %get3A_4 = arith.constant 0 : index
    %get3A_5 = arith.constant 0 : index
    %get3A_6 = vector.load %arg2[%get3A_3, %get3A_4, %get3A_5] : memref<2x1000x64xf32, #tpu.memory_space<vmem>>, vector<1x1000x64xf32>
    %get3A_7 = vector.shape_cast %get3A_6 : vector<1x1000x64xf32> to vector<1000x64xf32>
    %add3A = arith.addf %get3A_7, %slice3A : vector<1000x64xf32>
    %get3A_8 = arith.constant 1 : index
    %get3A_9 = arith.constant 0 : index
    %get3A_10 = arith.constant 0 : index
    %get3A_11 = vector.load %arg2[%get3A_8, %get3A_9, %get3A_10] : memref<2x1000x64xf32, #tpu.memory_space<vmem>>, vector<1x1000x64xf32>
    %get3A_12 = vector.shape_cast %get3A_11 : vector<1x1000x64xf32> to vector<1000x64xf32>
    %add3A_13 = arith.addf %get3A_12, %slice3A_2 : vector<1000x64xf32>
    %get3A_14 = arith.constant 0 : index
    %get3A_15 = arith.constant 0 : index
    %get3A_16 = arith.constant 0 : index
    %get3A_17 = vector.load %arg5[%get3A_14, %get3A_15, %get3A_16] : memref<1x1000x8xf32, #tpu.memory_space<vmem>>, vector<1x1000x8xf32>
    %get3A_18 = vector.shape_cast %get3A_17 : vector<1x1000x8xf32> to vector<1000x8xf32>
    %slice3A_19 = vector.extract_strided_slice %get3A_18 {offsets = [0, 0], sizes = [1000, 1], strides = [1, 1]} : vector<1000x8xf32> to vector<1000x1xf32>
    %get3A_20 = arith.constant 0 : index
    %get3A_21 = arith.constant 0 : index
    %get3A_22 = arith.constant 0 : index
    %get3A_23 = vector.load %arg6[%get3A_20, %get3A_21, %get3A_22] : memref<1x1000x8xf32, #tpu.memory_space<vmem>>, vector<1x1000x8xf32>
    %get3A_24 = vector.shape_cast %get3A_23 : vector<1x1000x8xf32> to vector<1000x8xf32>
    %slice3A_25 = vector.extract_strided_slice %get3A_24 {offsets = [0, 0], sizes = [1000, 1], strides = [1, 1]} : vector<1000x8xf32> to vector<1000x1xf32>
    %add3A_26 = arith.addf %slice3A_19, %slice3A_25 : vector<1000x1xf32>
    %add3A_27 = arith.constant 1.000000e+00 : f32
    %add3A_28 = vector.broadcast %add3A_27 : f32 to vector<1000x1xf32>
    %add3A_29 = arith.addf %add3A_26, %add3A_28 : vector<1000x1xf32>
    %get3A_30 = arith.constant 0 : index
    %get3A_31 = arith.constant 0 : index
    %get3A_32 = vector.load %arg10[%get3A_30, %get3A_31] : memref<64x128xf32, #tpu.memory_space<vmem>>, vector<64x128xf32>
    %dot_general3A = arith.constant dense<0.000000e+00> : vector<1000x128xf32>
    %dot_general3A_33 = tpu.matmul %add3A, %get3A_32, %dot_general3A {dimension_numbers = #tpu.dot_dimension_numbers<[1], [0], [0], [1], [0, 0, 1, 1], [], []>, transpose_lhs_hint = false} : vector<1000x64xf32>, vector<64x128xf32>, vector<1000x128xf32> -> vector<1000x128xf32>
    %get3A_34 = arith.constant 0 : index
    %get3A_35 = arith.constant 0 : index
    %get3A_36 = vector.load %arg11[%get3A_34, %get3A_35] : memref<64x128xf32, #tpu.memory_space<vmem>>, vector<64x128xf32>
    %dot_general3A_37 = arith.constant dense<0.000000e+00> : vector<1000x128xf32>
    %dot_general3A_38 = tpu.matmul %add3A_13, %get3A_36, %dot_general3A_37 {dimension_numbers = #tpu.dot_dimension_numbers<[1], [0], [0], [1], [0, 0, 1, 1], [], []>, transpose_lhs_hint = false} : vector<1000x64xf32>, vector<64x128xf32>, vector<1000x128xf32> -> vector<1000x128xf32>
    %add3A_39 = arith.addf %dot_general3A_33, %dot_general3A_38 : vector<1000x128xf32>
    %get3A_40 = arith.constant 0 : index
    %get3A_41 = arith.constant 0 : index
    %get3A_42 = arith.constant 0 : index
    %get3A_43 = vector.load %arg3[%get3A_40, %get3A_41, %get3A_42] : memref<1x1000x16xf32, #tpu.memory_space<vmem>>, vector<1x1000x16xf32>
    %get3A_44 = vector.shape_cast %get3A_43 : vector<1x1000x16xf32> to vector<1000x16xf32>
    %get3A_45 = arith.constant 0 : index
    %get3A_46 = arith.constant 0 : index
    %get3A_47 = arith.constant 0 : index
    %get3A_48 = vector.load %arg4[%get3A_45, %get3A_46, %get3A_47] : memref<1x1000x16xf32, #tpu.memory_space<vmem>>, vector<1x1000x16xf32>
    %get3A_49 = vector.shape_cast %get3A_48 : vector<1x1000x16xf32> to vector<1000x16xf32>
    %add3A_50 = arith.addf %get3A_44, %get3A_49 : vector<1000x16xf32>
    %get3A_51 = arith.constant 0 : index
    %get3A_52 = arith.constant 0 : index
    %get3A_53 = vector.load %arg12[%get3A_51, %get3A_52] : memref<16x128xf32, #tpu.memory_space<vmem>>, vector<16x128xf32>
    %dot_general3A_54 = arith.constant dense<0.000000e+00> : vector<1000x128xf32>
    %dot_general3A_55 = tpu.matmul %add3A_50, %get3A_53, %dot_general3A_54 {dimension_numbers = #tpu.dot_dimension_numbers<[1], [0], [0], [1], [0, 0, 1, 1], [], []>, transpose_lhs_hint = false} : vector<1000x16xf32>, vector<16x128xf32>, vector<1000x128xf32> -> vector<1000x128xf32>
    %add3A_56 = arith.addf %add3A_39, %dot_general3A_55 : vector<1000x128xf32>
    %get3A_57 = arith.constant 0 : index
    %get3A_58 = arith.constant 0 : index
    %get3A_59 = vector.load %arg7[%get3A_57, %get3A_58] : memref<64x128xf32, #tpu.memory_space<vmem>>, vector<64x128xf32>
    %dot_general3A_60 = arith.constant dense<0.000000e+00> : vector<1000x128xf32>
    %dot_general3A_61 = tpu.matmul %slice3A, %get3A_59, %dot_general3A_60 {dimension_numbers = #tpu.dot_dimension_numbers<[1], [0], [0], [1], [0, 0, 1, 1], [], []>, transpose_lhs_hint = false} : vector<1000x64xf32>, vector<64x128xf32>, vector<1000x128xf32> -> vector<1000x128xf32>
    %get3A_62 = arith.constant 0 : index
    %get3A_63 = arith.constant 0 : index
    %get3A_64 = vector.load %arg8[%get3A_62, %get3A_63] : memref<64x128xf32, #tpu.memory_space<vmem>>, vector<64x128xf32>
    %dot_general3A_65 = arith.constant dense<0.000000e+00> : vector<1000x128xf32>
    %dot_general3A_66 = tpu.matmul %slice3A_2, %get3A_64, %dot_general3A_65 {dimension_numbers = #tpu.dot_dimension_numbers<[1], [0], [0], [1], [0, 0, 1, 1], [], []>, transpose_lhs_hint = false} : vector<1000x64xf32>, vector<64x128xf32>, vector<1000x128xf32> -> vector<1000x128xf32>
    %add3A_67 = arith.addf %dot_general3A_61, %dot_general3A_66 : vector<1000x128xf32>
    %get3A_68 = arith.constant 0 : index
    %get3A_69 = arith.constant 0 : index
    %get3A_70 = vector.load %arg9[%get3A_68, %get3A_69] : memref<1x128xf32, #tpu.memory_space<vmem>>, vector<1x128xf32>
    %add3A_71 = vector.broadcast %get3A_70 : vector<1x128xf32> to vector<1000x128xf32>
    %add3A_72 = arith.addf %add3A_67, %add3A_71 : vector<1000x128xf32>
    %div3A = vector.broadcast %add3A_29 : vector<1000x1xf32> to vector<1000x128xf32>
    %div3A_73 = arith.divf %add3A_56, %div3A : vector<1000x128xf32>
    %add3A_74 = arith.addf %add3A_72, %div3A_73 : vector<1000x128xf32>
    %get3A_75 = arith.constant 0 : index
    %get3A_76 = arith.constant 0 : index
    %get3A_77 = vector.load %arg13[%get3A_75, %get3A_76] : memref<1x128xf32, #tpu.memory_space<vmem>>, vector<1x128xf32>
    %add3A_78 = vector.broadcast %get3A_77 : vector<1x128xf32> to vector<1000x128xf32>
    %add3A_79 = arith.addf %add3A_74, %add3A_78 : vector<1000x128xf32>
    %max3A = arith.constant 0.000000e+00 : f32
    %max3A_80 = vector.broadcast %max3A : f32 to vector<1000x128xf32>
    %max3A_81 = arith.maximumf %add3A_79, %max3A_80 : vector<1000x128xf32>
    %swap3A = arith.constant 0 : index
    %swap3A_82 = arith.constant 0 : index
    %swap3A_83 = vector.load %arg14[%swap3A, %swap3A_82] : memref<1000x128xf32, #tpu.memory_space<vmem>>, vector<1000x128xf32>
    tpu.vector_store %arg14[%swap3A, %swap3A_82], %max3A_81 {strides = array<i32>} : memref<1000x128xf32, #tpu.memory_space<vmem>>, vector<1000x128xf32>,
    return
  }
  func.func @transform_0(%arg0: i32) -> (i32, i32) {
    %c0_i32 = arith.constant 0 : i32
    %c0_i32_0 = arith.constant 0 : i32
    return %arg0, %c0_i32 : i32, i32
  }
  func.func @transform_1(%arg0: i32) -> (i32, i32, i32) {
    %c0_i32 = arith.constant 0 : i32
    %c0_i32_0 = arith.constant 0 : i32
    %c0_i32_1 = arith.constant 0 : i32
    return %c0_i32, %arg0, %c0_i32_0 : i32, i32, i32
  }
  func.func @transform_2(%arg0: i32) -> (i32, i32, i32) {
    %c0_i32 = arith.constant 0 : i32
    %c0_i32_0 = arith.constant 0 : i32
    %c0_i32_1 = arith.constant 0 : i32
    return %c0_i32, %arg0, %c0_i32_0 : i32, i32, i32
  }
  func.func @transform_3(%arg0: i32) -> (i32, i32, i32) {
    %c1_i32 = arith.constant 1 : i32
    %c0_i32 = arith.constant 0 : i32
    %c0_i32_0 = arith.constant 0 : i32
    return %c1_i32, %arg0, %c0_i32 : i32, i32, i32
  }
  func.func @transform_4(%arg0: i32) -> (i32, i32, i32) {
    %c0_i32 = arith.constant 0 : i32
    %c0_i32_0 = arith.constant 0 : i32
    %c0_i32_1 = arith.constant 0 : i32
    return %c0_i32, %arg0, %c0_i32_0 : i32, i32, i32
  }
  func.func @transform_5(%arg0: i32) -> (i32, i32, i32) {
    %c1_i32 = arith.constant 1 : i32
    %c0_i32 = arith.constant 0 : i32
    %c0_i32_0 = arith.constant 0 : i32
    return %c1_i32, %arg0, %c0_i32 : i32, i32, i32
  }
  func.func @transform_6(%arg0: i32) -> (i32, i32) {
    %c0_i32 = arith.constant 0 : i32
    %c0_i32_0 = arith.constant 0 : i32
    %c0_i32_1 = arith.constant 0 : i32
    return %c0_i32, %c0_i32_0 : i32, i32
  }
  func.func @transform_7(%arg0: i32) -> (i32, i32) {
    %c0_i32 = arith.constant 0 : i32
    %c0_i32_0 = arith.constant 0 : i32
    %c0_i32_1 = arith.constant 0 : i32
    return %c0_i32, %c0_i32_0 : i32, i32
  }
  func.func @transform_8(%arg0: i32) -> (i32, i32) {
    %c0_i32 = arith.constant 0 : i32
    %c0_i32_0 = arith.constant 0 : i32
    %c0_i32_1 = arith.constant 0 : i32
    return %c0_i32, %c0_i32_0 : i32, i32
  }
  func.func @transform_9(%arg0: i32) -> (i32, i32) {
    %c0_i32 = arith.constant 0 : i32
    %c0_i32_0 = arith.constant 0 : i32
    %c0_i32_1 = arith.constant 0 : i32
    return %c0_i32, %c0_i32_0 : i32, i32
  }
  func.func @transform_10(%arg0: i32) -> (i32, i32) {
    %c0_i32 = arith.constant 0 : i32
    %c0_i32_0 = arith.constant 0 : i32
    %c0_i32_1 = arith.constant 0 : i32
    return %c0_i32, %c0_i32_0 : i32, i32
  }
  func.func @transform_11(%arg0: i32) -> (i32, i32) {
    %c0_i32 = arith.constant 0 : i32
    %c0_i32_0 = arith.constant 0 : i32
    %c0_i32_1 = arith.constant 0 : i32
    return %c0_i32, %c0_i32_0 : i32, i32
  }
  func.func @transform_12(%arg0: i32) -> (i32, i32) {
    %c0_i32 = arith.constant 0 : i32
    %c0_i32_0 = arith.constant 0 : i32
    %c0_i32_1 = arith.constant 0 : i32
    return %c0_i32, %c0_i32_0 : i32, i32
  }
  func.func @transform_13(%arg0: i32) -> (i32, i32) {
    %c0_i32 = arith.constant 0 : i32
    %c0_i32_0 = arith.constant 0 : i32
    return %arg0, %c0_i32 : i32, i32
  }
}

</mosaic_0001>

<sc_bundles>
// kernel: kernel.6.cloned.1.call-start
scs
__scs_entry_jumppad:
0x0: {  	(pc) =	sbr.rel $0x88, $3  }
0x1: {  	(tag) =	ssettag $0x0;
	lr =	simm.s32 $0x1  }
0x2: {  	[smem:$0x3F96] =	sst lr;
	_ =	strace $0xD0000000  }
0x3: {  	_ = 	snop  }
0x4: {  	_ = 	snop  }
0x5: {  	_ = 	snop  }
0x6: {  	_ = 	snop  }
0x7: {  	_ = 	snop  }
__scs_overlays_trampoline_lowered:
0x8: {  	[smem:$0x3FA5] =	sst s0  }
0x9: {  	[smem:$0x3FA6] =	sst s1  }
0xa: {  	[smem:$0x3FA7] =	sst s2  }
0xb: {  	[smem:$0x3FA8] =	sst s3  }
0xc: {  	[smem:$0x3FA9] =	sst s4  }
0xd: {  	[smem:$0x3FAA] =	sst s5  }
0xe: {  	[smem:$0x3FAB] =	sst s6  }
0xf: {  	[smem:$0x3FAC] =	sst s7  }
0x10: {  	[smem:$0x3FAD] =	sst s8  }
0x11: {  	[smem:$0x3FAE] =	sst s9;
	s0 =	simm.s32 @!p0 $0x0  }
0x12: {  	s1 =	sld [smem:$0x3F94];
	s0 =	simm.s32 @p0 $0x1  }
0x13: {  	[smem:$0x3FAF] =	sst s0;
	s0 =	simm.s32 @!p1 $0x0  }
0x14: {  	s2 =	sld [smem:$0x3F93];
	s0 =	simm.s32 @p1 $0x1  }
0x15: {  	[smem:$0x3FB0] =	sst s0;
	s0 =	simm.s32 @!p2 $0x0  }
0x16: {  	s3 =	sld [smem:$0x3FDB];
	s0 =	simm.s32 @p2 $0x1  }
0x17: {  	s4 =	simm.s32 $0x1BF5;
	[smem:$0x3FB2] =	sst s0  }
0x18: {  	s0 =	sld [smem:$0x3F95];
	_ =	swait.ge [sflag:s4], $0x0  }
0x19: {  	s7 =	sld [smem:$0x3F96]  }
0x1a: {  	s8 =	sadd.s32 $0xFFFFE003, lr  }
0x1b: {  	s9 =	sadd.s32 $0xFFFFFEF7, lr;
	s5 =	simm.s32 $0xFFFFFFFF;
	p2 =	slt.u32 s8, $0xFFFFF086  }
0x1c: {  	p1 =	slt.u32 s9, $0xF7A;
	s5 =	simm.s32 @!p2 $0x0  }
0x1d: {  	s5 =	simm.s32 @p1 $0x1;
	p0 =	seq.s32 s7, s2  }
0x1e: {  	s7 =	smul.u32 @!p0 $0xF7A, s2;
	p2 =	seq.s32 @!p0 s5, $0x0  }
0x1f: {  	s9 =	smul.u32 $0xF7A, s1;
	s8 =	simm.s32 @!p0 $0x1BF5;
	p2 =	por !p2, p0  }
0x20: {  	[sflag:s8] =	ssyncset.s32 @!p0 $0xFFFFF086;
	s6 =	sadd.s32 @!p0 s3, s7;
	s7 =	simm.s32 @!p0 $0x108  }
0x21: {  	s3 =	sadd.s32 s3, s9;
	s6 =	sadd.s32 @!p0 $0x88, s6;
	s7 =	simm.s32 @p2 $0x1082  }
0x22: {  	[simem:s7], [sflag:s8] =	dma.local @!p0 [hbm:s6], $0xF7A  }
0x23: {  	s9 =	sor.u32 $0xD0000000, s2;
	s6 =	simm.s32 $0x108;
	_ =	swait.ge @!p0 [sflag:s8], $0x0  }
0x24: {  	s3 =	sadd.s32 $0x88, s3;
	s6 =	simm.s32 @!p1 $0x1082;
	[sflag:s4] =	ssyncset.s32 $0xFFFFF086  }
0x25: {  	[simem:s6], [sflag:s4] =	dma.local [hbm:s3], $0xF7A  }
0x26: {  	[smem:$0x3F96] =	sst s1;
	(tag) =	ssettag s2;
	_ =	strace s9  }
0x27: {  	s1 =	sld [smem:$0x3FA6]  }
0x28: {  	s2 =	sld [smem:$0x3FA7]  }
0x29: {  	s4 =	sld [smem:$0x3FA9]  }
0x2a: {  	p0 =	seq.s32 s5, $0x0;
	s5 =	sld [smem:$0x3FAA]  }
0x2b: {  	s6 =	sld [smem:$0x3FAB]  }
0x2c: {  	s7 =	sld [smem:$0x3FAC]  }
0x2d: {  	s3 =	simm.s32 $0x108;
	s8 =	sld [smem:$0x3FAD]  }
0x2e: {  	s3 =	simm.s32 @!p0 $0x1082;
	s9 =	sld [smem:$0x3FAE]  }
0x2f: {  	lr =	sadd.s32 s0, s3;
	s0 =	sld [smem:$0x3FA5]  }
0x30: {  	s3 =	sld [smem:$0x3FA8]  }
0x31: {  	[smem:$0x3FB1] =	sst s10  }
0x32: {  	s10 =	sld [smem:$0x3FAF];
	_ =	sdelay $0x3  }
0x33: {  	p0 =	seq.s32 s10, $0x1;
	s10 =	sld [smem:$0x3FB1];
	_ =	sdelay $0x3  }
0x34: {  	[smem:$0x3FB1] =	sst s10  }
0x35: {  	s10 =	sld [smem:$0x3FB0];
	_ =	sdelay $0x3  }
0x36: {  	p1 =	seq.s32 s10, $0x1;
	s10 =	sld [smem:$0x3FB1];
	_ =	sdelay $0x3  }
0x37: {  	[smem:$0x3FB1] =	sst s10  }
0x38: {  	s10 =	sld [smem:$0x3FB2]  }
0x39: {  	_ = 	snop;
	(pc) =	sbr.ind lr, $3  }
0x3a: {  	_ = 	snop  }
0x3b: {  	_ = 	snop  }
0x3c: {  	p2 =	seq.s32 s10, $0x1;
	s10 =	sld [smem:$0x3FB1]  }
0x3d: {  	_ =	shalt  }
0x3e: {  	_ =	shalt  }
0x3f: {  	_ =	shalt  }
0x40: {  	_ =	shalt  }
0x41: {  	_ =	shalt  }
0x42: {  	_ =	shalt  }
0x43: {  	_ =	shalt  }
0x44: {  	_ =	shalt  }
0x45: {  	_ =	shalt  }
0x46: {  	_ =	shalt  }
0x47: {  	_ =	shalt  }
0x48: {  	_ =	shalt  }
0x49: {  	_ =	shalt  }
0x4a: {  	_ =	shalt  }
0x4b: {  	_ =	shalt  }
0x4c: {  	_ =	shalt  }
0x4d: {  	_ =	shalt  }
0x4e: {  	_ =	shalt  }
0x4f: {  	_ =	shalt  }
0x50: {  	_ =	shalt  }
0x51: {  	_ =	shalt  }
0x52: {  	_ =	shalt  }
0x53: {  	_ =	shalt  }
0x54: {  	_ =	shalt  }
0x55: {  	_ =	shalt  }
0x56: {  	_ =	shalt  }
0x57: {  	_ =	shalt  }
0x58: {  	_ =	shalt  }
0x59: {  	_ =	shalt  }
0x5a: {  	_ =	shalt  }
0x5b: {  	_ =	shalt  }
0x5c: {  	_ =	shalt  }
0x5d: {  	_ =	shalt  }
0x5e: {  	_ =	shalt  }
0x5f: {  	_ =	shalt  }
0x60: {  	_ =	shalt  }
0x61: {  	_ =	shalt  }
0x62: {  	_ =	shalt  }
0x63: {  	_ =	shalt  }
0x64: {  	_ =	shalt  }
0x65: {  	_ =	shalt  }
0x66: {  	_ =	shalt  }
0x67: {  	_ =	shalt  }
0x68: {  	_ =	shalt  }
0x69: {  	_ =	shalt  }
0x6a: {  	_ =	shalt  }
0x6b: {  	_ =	shalt  }
0x6c: {  	_ =	shalt  }
0x6d: {  	_ =	shalt  }
0x6e: {  	_ =	shalt  }
0x6f: {  	_ =	shalt  }
0x70: {  	_ =	shalt  }
0x71: {  	_ =	shalt  }
0x72: {  	_ =	shalt  }
0x73: {  	_ =	shalt  }
0x74: {  	_ =	shalt  }
0x75: {  	_ =	shalt  }
0x76: {  	_ =	shalt  }
0x77: {  	_ =	shalt  }
0x78: {  	_ =	shalt  }
0x79: {  	_ =	shalt  }
0x7a: {  	_ =	shalt  }
0x7b: {  	_ =	shalt  }
0x7c: {  	_ =	shalt  }
0x7d: {  	_ =	shalt  }
0x7e: {  	_ =	shalt  }
0x7f: {  	_ =	shalt  }
0x80: {  	_ =	shalt  }
0x81: {  	_ =	shalt  }
0x82: {  	_ =	shalt  }
0x83: {  	_ =	shalt  }
0x84: {  	_ =	shalt  }
0x85: {  	_ =	shalt  }
0x86: {  	_ =	shalt  }
0x87: {  	_ =	shalt  }
.Lfunc_end0:
.L_simem_size_0:
called_computation_lowered:
.L_overlay_start_0:
0x88: {  	s2 =	sld [smem:$0x3FD9]  }
0x89: {  	s3 =	sld [smem:$0x3FFE];
	_ =	sdelay $0x1  }
0x8a: {  	s1 =	srdreg.scid  }
0x8b: {  	s0 =	sand.u32 $0x1, s1  }
0x8c: {  	s17 =	sshll.u32 s0, $0xA;
	s2 =	sadd.s32 s3, s2  }
0x8d: {  	s2 =	sadd.s32 s2, s17  }
0x8e: {  	[smem:$0x3FBD] =	sst s2  }
0x8f: {  	_ = 	snop  }
0x90: {  	s2 =	sld [smem:$0x3FC9]  }
0x91: {  	s18 =	sld [smem:$0x3FD0];
	(tm) =	ssettm $0x1  }
0x92: {  	s4 =	sld [smem:$0x3FFB];
	_ =	sdelay $0x3  }
0x93: {  	_ =	strace s4  }
0x94: {  	s4 =	sld [smem:$0x3FFC];
	_ =	sdelay $0x3  }
0x95: {  	_ =	strace s4  }
0x96: {  	s4 =	sld [smem:$0x3FFD];
	_ =	sdelay $0x3  }
0x97: {  	_ =	strace s4  }
0x98: {  	_ =	strace $0x8FFFFFFF  }
0x99: {  	s19 =	sld [smem:$0x3FDB];
	_ =	sdelay $0x1  }
0x9a: {  	s5 =	simm.s32 $_scs_section_size  }
0x9b: {  	s6 =	simm.s32 $_size__tile_overlayer_lowered;
	s7 =	simm.s32 $_tile_overlayer_lowered  }
0x9c: {  	s22 =	simm.s32 $0x1BFF;
	s21 =	sshll.u32 s7, $0x1;
	s4 =	sadd.s32 s5, s19  }
0x9d: {  	s8 =	simm.s32 $0x0;
	s20 =	sshll.u32 s6, $0x1;
	s6 =	sadd.s32 s21, s4  }
0x9e: {  	[timem:s8], [sflag:s22] =	dma.local [hbm:s6], s20  }
0x9f: {  	_ =	swait.ge [sflag:s22], s20  }
0xa0: {  	s5 =	ssub.s32 $0x0, s20;
	[sflag:s22] =	ssyncset.done $0x0  }
0xa1: {  	[sflag:s22] =	ssyncadd.s32 s5;
	_ =	sdelay $0x1  }
0xa2: {  	s23 =	simm.s32 $0x1B8B  }
0xa3: {  	_ =	swait.ge [sflag:s23], $0x1  }
0xa4: {  	[sflag:s23] =	ssyncset.done $0x0  }
0xa5: {  	s25 =	simm.s32 $0x1B8E;
	s24 =	sld [smem:$0x3FFE];
	[sflag:s23] =	ssyncadd.s32 $0xFFFFFFFF  }
0xa6: {  	s26 =	simm.s32 $execute0_lowered;
	[smem:$0x3FD2] =	sst s25  }
0xa7: {  	s6 =	sshll.u32 s26, $0x1;
	_ =	strace $0x80000046;
	[dreg:$0x1] =	wrdreg $0xFFFFFFFF  }
0xa8: {  	s28 =	simm.s32 $_size_execute0_lowered;
	s4 =	sadd.s32 s4, s6;
	[dreg:$0x0] =	wrdreg $0x0  }
0xa9: {  	s6 =	sshll.u32 s28, $0x1;
	[dreg:$0x2] =	wrdreg s4  }
0xaa: {  	[dreg:$0x3] =	wrdreg s6  }
0xab: {  	[dreg:$0x4] =	wrdreg $0xC0  }
0xac: {  	_ =	task [dreg:s8], $0x5FFFF  }
0xad: {  	[dreg:$0x1] =	wrdreg $0xFFFFFFFF  }
0xae: {  	[dreg:$0x0] =	wrdreg $0x60  }
0xaf: {  	[dreg:$0x2] =	wrdreg s2  }
0xb0: {  	[dreg:$0x3] =	wrdreg s24  }
0xb1: {  	[dreg:$0x4] =	wrdreg s18  }
0xb2: {  	[dreg:$0x5] =	wrdreg $0xFDC00  }
0xb3: {  	[dreg:$0x6] =	wrdreg $0x1ADA00  }
0xb4: {  	[dreg:$0x7] =	wrdreg $0x1D4B00  }
0xb5: {  	[dreg:$0x8] =	wrdreg $0x9  }
0xb6: {  	_ =	task.clear_ibuf [dreg:s8], $0x9FFFF;
	_ =	strace $0x90000046  }
0xb7: {  	s29 =	simm.s32 $0x9;
	_ =	strace $0x80000048  }
0xb8: {  	_ =	swait.ge [sflag:s29], $0x1  }
0xb9: {  	[sflag:s29] =	ssyncadd.s32 $0xFFFFFFFF  }
0xba: {  	_ =	strace $0x90000048  }
0xbb: {  	_ =	sfence  }
0xbc: {  	s30 =	sld [smem:$0x0];
	_ =	sdelay $0x2  }
0xbd: {  	s31 =	sshll.u32 s1, $0xD;
	s1 =	sshrl.u32 s1, $0x2  }
0xbe: {  	s3 =	sand.u32 $0x4000, s31;
	s1 =	sadd.s32 s1, s30  }
0xbf: {  	s0 =	sor.u32 s3, s0;
	s1 =	sshll.u32 s1, $0x11  }
0xc0: {  	s0 =	sor.u32 s1, s0  }
0xc1: {  	s0 =	sadd.s32 $0x8F2B, s0  }
0xc2: {  	[sflag:s0] =	ssyncadd.remote.s32 $0x1  }
0xc3: {  	_ =	sfence.sel $0xFFFF  }
0xc4: {  	[dreg:$0x0] =	wrdreg $0xFFFFFFFF;
	(pc) =	sbr.abs _section_cstart, $3  }
0xc5: {  	[dreg:$0x1] =	wrdreg $0xFFFFFFFF  }
0xc6: {  	_ =	task.clear_ibuf [dreg:s8], $0x2FFFF;
	_ =	strace $0x9FFFFFFF  }
0xc7: {  	(tm) =	ssettm $0x7FFFFFFF  }
tec
execute0_lowered:
.L_overlay_start_1:
0x0: {  	(tag) =	ssettag $0x1  }
0x1: {  	s1 =	rddreg [dreg:$0x0]  }
0x2: {  	s0 =	rddreg [dreg:$0x1];
	s18 =	stileid.u32  }
0x3: {  	s3 =	rddreg [dreg:$0x2];
	s7 =	smul.u32 $0x5000, s18  }
0x4: {  	s4 =	srdreg.scid;
	s10 =	smul.u32 $0x9C40, s18  }
0x5: {  	s2 =	rddreg [dreg:$0x3];
	s11 =	smul.u32 $0x2710, s18  }
0x6: {  	s5 =	rddreg [dreg:$0x5];
	s12 =	smul.u32 $0x1388, s18  }
0x7: {  	s9 =	simm.s32 $0x0;
	s6 =	sand.u32 $0x1, s4;
	s29 =	smul.u32 $0x271, s18  }
0x8: {  	[smem:$0x7FF] =	sst s9;
	s8 =	smul.u32 $0x50000, s6  }
0x9: {  	s4 =	rddreg [dreg:$0x4];
	s25 =	smul.u32 $0x27100, s6;
	_ =	strace $0x80000047  }
0xa: {  	s13 =	smul.u32 $0x13880, s6;
	s15 =	ssub.s32 $0x2, s6;
	p0 =	seq.s32 s6, $0x0  }
0xb: {  	s14 =	sadd.s32 s10, s0;
	s28 =	sshrl.u32 s15, $0x1;
	s21 =	sadd.s32 $0x7D, s29  }
0xc: {  	s18 =	sadd.s32 $0xFA, s29;
	s8 =	sadd.s32 s7, s8;
	s7 =	sshrl.u32 s7, $0x3  }
0xd: {  	s9 =	sadd.s32 s11, s25;
	s13 =	sadd.s32 s12, s13;
	s19 =	sshll.u32 s21, $0x6  }
0xe: {  	s20 =	sshll.u32 s18, $0x6;
	s31 =	sadd.s32 $0x520A00, s14;
	s14 =	simm.s32 $0x2  }
0xf: {  	s8 =	sshrl.u32 s8, $0x3;
	s7 =	sadd.s32 s7, s0;
	s9 =	sshrl.u32 s9, $0x3  }
0x10: {  	s26 =	sshrl.u32 s13, $0x3;
	s13 =	ssub.s32 s15, s28;
	s22 =	sadd.s32 s19, s2  }
0x11: {  	s23 =	sadd.s32 s20, s2;
	s19 =	sadd.s32 $0x1F4, s29;
	s28 =	sshll.u32 s21, $0x4  }
0x12: {  	s15 =	sadd.s32 s11, s4;
	s20 =	sadd.s32 $0x20A00, s0;
	s21 =	sshll.u32 s21, $0x3  }
0x13: {  	s8 =	sadd.s32 s8, s0;
	s16 =	sadd.s32 s9, s0;
	[dreg:$0x9] =	wrdreg s22  }
0x14: {  	s17 =	sadd.s32 s26, s0;
	s7 =	sadd.s32 $0x16A00, s7;
	[dreg:$0xa] =	wrdreg s23  }
0x15: {  	s9 =	sadd.s32 s10, s2;
	s25 =	sshll.u32 s19, $0x6;
	[dreg:$0x12] =	wrdreg s20  }
0x16: {  	s0 =	sadd.s32 $0x20A80, s0;
	s22 =	sadd.s32 s12, s5;
	[dreg:$0x8] =	wrdreg s7  }
0x17: {  	s23 =	sshll.u32 s18, $0x3;
	s8 =	sadd.s32 $0x2A00, s8;
	[dreg:$0x13] =	wrdreg s0  }
0x18: {  	s30 =	smax.u32 s13, $0x1;
	s26 =	sadd.s32 s25, s2;
	[dreg:$0x7] =	wrdreg s8  }
0x19: {  	s12 =	simm.s32 $0x1;
	s0 =	sadd.s32 s21, s5;
	[dreg:$0xd] =	wrdreg s26  }
0x1a: {  	s8 =	smul.u32 $0x9C400, s6;
	[dreg:$0x14] =	wrdreg s0;
	s0 =	sadd.s32 s23, s5  }
0x1b: {  	s13 =	simm.s32 $0x5;
	s26 =	sshll.u32 s19, $0x3;
	[dreg:$0x15] =	wrdreg s0  }
0x1c: {  	s0 =	sadd.s32 s26, s5;
	s7 =	sadd.s32 s10, s8;
	s10 =	sadd.s32 $0x177, s29  }
0x1d: {  	s29 =	sshll.u32 s18, $0x4;
	[dreg:$0x17] =	wrdreg s0;
	s7 =	sshrl.u32 s7, $0x3  }
0x1e: {  	s0 =	simm.s32 $0xDE80;
	s24 =	sshll.u32 s10, $0x6;
	s3 =	sadd.s32 s3, s7  }
0x1f: {  	s7 =	sshll.u32 s19, $0x4;
	[dreg:$0xb] =	wrdreg s3;
	s3 =	sadd.s32 s24, s2  }
0x20: {  	s8 =	simm.s32 $0x7D;
	s11 =	sadd.s32 s7, s4;
	[dreg:$0xc] =	wrdreg s3  }
0x21: {  	s24 =	sshll.u32 s10, $0x3;
	s3 =	sadd.s32 s28, s4;
	[dreg:$0x11] =	wrdreg s11  }
0x22: {  	s6 =	sshll.u32 s10, $0x4;
	s25 =	sadd.s32 s24, s5;
	[dreg:$0xe] =	wrdreg s3  }
0x23: {  	s7 =	simm.s32 $0x1A9A0;
	s28 =	sadd.s32 $0x25C00, s16;
	[dreg:$0x16] =	wrdreg s25  }
0x24: {  	s10 =	simm.s32 $0xA000;
	s3 =	sadd.s32 s29, s4;
	[dreg:$0x18] =	wrdreg s28  }
0x25: {  	s11 =	simm.s32 $0xBF40;
	s29 =	sadd.s32 $0x20C00, s17;
	[dreg:$0xf] =	wrdreg s3  }
0x26: {  	s16 =	simm.s32 $0x0;
	s3 =	sadd.s32 s6, s4;
	[dreg:$0x19] =	wrdreg s29  }
0x27: {  	v0 =	vimm.f32 $0.0e+00;
	s6 =	simm.s32 $0x1A1D0;
	[dreg:$0x10] =	wrdreg s3;
	s3 =	simm.s32 $0x3  }
.LBB2_1:
0x28: {  	s17 =	simm.s32 $0x0;
	s18 =	rddreg [dreg:$0x7]  }
0x29: {  	[tilespmem:s17], [sflag:$0x3] =	stream.linear.gather [hbm4b:s18+s17], $0x5000, $0x38;
	[tilespmem:$0x1E838] =	vst v63  }
0x2a: {  	_ =	swait.ge [sflag:s3], $0x5000  }
0x2b: {  	[sflag:s3] =	ssyncset.done $0x0  }
0x2c: {  	s19 =	simm.s32 $0x5000;
	s29 =	rddreg [dreg:$0x8];
	[sflag:s3] =	ssyncadd.s32 $0xFFFFB000  }
0x2d: {  	[tilespmem:s19], [sflag:$0x3] =	stream.linear.gather [hbm4b:s29+s17], $0x5000, $0x38;
	[tilespmem:$0x1E838] =	vst v63  }
0x2e: {  	_ =	swait.ge [sflag:s3], $0x5000  }
0x2f: {  	[sflag:s3] =	ssyncset.done $0x0  }
0x30: {  	s18 =	simm.s32 $0x100;
	s17 =	simm.s32 $0x0;
	[sflag:s3] =	ssyncadd.s32 $0xFFFFB000  }
.LBB2_2:
0x31: {  	p1 =	sne.s32 s18, $0x7C00;
	[tilespmem:s17+$0xDEB0] =	vst v0;
	s19 =	smov.u32 s18;
	s18 =	sadd.s32 $0x100, s18  }
.Ltmp0:
0x32: {  	[tilespmem:s17+$0xDEA0] =	vst v0;
	(pc) =	sbr.rel @p1 .LBB2_2-.Ltmp0, $3  }
0x33: {  	[tilespmem:s17+$0xDE80] =	vst v0  }
0x34: {  	[tilespmem:s17+$0xDE90] =	vst v0;
	_ =	sdelay $0x1  }
0x35: {  	s17 =	sshra.s32 s19, $0x2  }
0x36: {  	[tilespmem:s17+$0xDEB0] =	vst v0  }
0x37: {  	[tilespmem:s17+$0xDEA0] =	vst v0  }
0x38: {  	[tilespmem:s17+$0xDE80] =	vst v0  }
0x39: {  	[tilespmem:s17+$0xDE90] =	vst v0  }
0x3a: {  	[spmem:s9] =	stream.linear.scatter [tilespmem:s0], [sflag:$0x3], $0x1F40, $0x38;
	[tilespmem:$0x1E838] =	vst v63  }
0x3b: {  	_ =	swait.ge [sflag:s3], $0x1F40  }
0x3c: {  	[sflag:s3] =	ssyncset.done $0x0  }
0x3d: {  	s25 =	rddreg [dreg:$0x9];
	[sflag:s3] =	ssyncadd.s32 $0xFFFFE0C0  }
0x3e: {  	[spmem:s25] =	stream.linear.scatter [tilespmem:s0], [sflag:$0x3], $0x1F40, $0x38;
	[tilespmem:$0x1E838] =	vst v63  }
0x3f: {  	_ =	swait.ge [sflag:s3], $0x1F40  }
0x40: {  	[sflag:s3] =	ssyncset.done $0x0  }
0x41: {  	s26 =	rddreg [dreg:$0xa];
	[sflag:s3] =	ssyncadd.s32 $0xFFFFE0C0  }
0x42: {  	[spmem:s26] =	stream.linear.scatter [tilespmem:s0], [sflag:$0x3], $0x1F40, $0x38;
	[tilespmem:$0x1E838] =	vst v63  }
0x43: {  	_ =	swait.ge [sflag:s3], $0x1F40  }
0x44: {  	[sflag:s3] =	ssyncset.done $0x0  }
0x45: {  	s28 =	rddreg [dreg:$0xc];
	[sflag:s3] =	ssyncadd.s32 $0xFFFFE0C0  }
0x46: {  	[spmem:s28] =	stream.linear.scatter [tilespmem:s0], [sflag:$0x3], $0x1F40, $0x38;
	[tilespmem:$0x1E838] =	vst v63  }
0x47: {  	_ =	swait.ge [sflag:s3], $0x1F40  }
0x48: {  	[sflag:s3] =	ssyncset.done $0x0  }
0x49: {  	s29 =	rddreg [dreg:$0xd];
	[sflag:s3] =	ssyncadd.s32 $0xFFFFE0C0  }
0x4a: {  	[spmem:s29] =	stream.linear.scatter [tilespmem:s0], [sflag:$0x3], $0x1F40, $0x38;
	[tilespmem:$0x1E838] =	vst v63  }
0x4b: {  	_ =	swait.ge [sflag:s3], $0x1F40  }
0x4c: {  	[sflag:s3] =	ssyncset.done $0x0  }
0x4d: {  	s17 =	simm.s32 $0x40;
	s18 =	simm.s32 $0x0;
	[sflag:s3] =	ssyncadd.s32 $0xFFFFE0C0  }
.LBB2_4:
0x4e: {  	p1 =	sne.s32 s17, $0x1F00;
	[tilespmem:s18+$0x1A1D0] =	vst v0;
	s18 =	smov.u32 s17;
	s17 =	sadd.s32 $0x40, s17  }
.Ltmp1:
0x4f: {  	(pc) =	sbr.rel @p1 .LBB2_4-.Ltmp1, $2  }
0x50: {  	_ =	sdelay $0x2  }
0x51: {  	s18 =	sshra.s32 s18, $0x2  }
0x52: {  	[tilespmem:s18+$0x1A1D0] =	vst v0  }
0x53: {  	[spmem:s15] =	stream.linear.scatter [tilespmem:s6], [sflag:$0x3], $0x7D0, $0x38;
	[tilespmem:$0x1E838] =	vst v63  }
0x54: {  	_ =	swait.ge [sflag:s3], $0x7D0  }
0x55: {  	[sflag:s3] =	ssyncset.done $0x0  }
0x56: {  	s17 =	rddreg [dreg:$0xe];
	[sflag:s3] =	ssyncadd.s32 $0xFFFFF830  }
0x57: {  	[spmem:s17] =	stream.linear.scatter [tilespmem:s6], [sflag:$0x3], $0x7D0, $0x38;
	[tilespmem:$0x1E838] =	vst v63  }
0x58: {  	_ =	swait.ge [sflag:s3], $0x7D0  }
0x59: {  	[sflag:s3] =	ssyncset.done $0x0  }
0x5a: {  	s18 =	rddreg [dreg:$0xf];
	[sflag:s3] =	ssyncadd.s32 $0xFFFFF830  }
0x5b: {  	[spmem:s18] =	stream.linear.scatter [tilespmem:s6], [sflag:$0x3], $0x7D0, $0x38;
	[tilespmem:$0x1E838] =	vst v63  }
0x5c: {  	_ =	swait.ge [sflag:s3], $0x7D0  }
0x5d: {  	[sflag:s3] =	ssyncset.done $0x0  }
0x5e: {  	s19 =	rddreg [dreg:$0x10];
	[sflag:s3] =	ssyncadd.s32 $0xFFFFF830  }
0x5f: {  	[spmem:s19] =	stream.linear.scatter [tilespmem:s6], [sflag:$0x3], $0x7D0, $0x38;
	[tilespmem:$0x1E838] =	vst v63  }
0x60: {  	_ =	swait.ge [sflag:s3], $0x7D0  }
0x61: {  	[sflag:s3] =	ssyncset.done $0x0  }
0x62: {  	s20 =	rddreg [dreg:$0x11];
	[sflag:s3] =	ssyncadd.s32 $0xFFFFF830  }
0x63: {  	[spmem:s20] =	stream.linear.scatter [tilespmem:s6], [sflag:$0x3], $0x7D0, $0x38;
	[tilespmem:$0x1E838] =	vst v63  }
0x64: {  	_ =	swait.ge [sflag:s3], $0x7D0  }
0x65: {  	[sflag:s3] =	ssyncset.done $0x0  }
0x66: {  	s17 =	simm.s32 $0x0;
	s21 =	rddreg [dreg:$0x13];
	[sflag:s3] =	ssyncadd.s32 $0xFFFFF830  }
0x67: {  	[tilespmem:s7], [sflag:$0x3] =	stream.linear.gather [hbm4b:s21+s17], $0x400, $0x38;
	[tilespmem:$0x1E838] =	vst v63  }
0x68: {  	_ =	swait.ge [sflag:s3], $0x400  }
0x69: {  	[sflag:s3] =	ssyncset.done $0x0  }
0x6a: {  	[sflag:s3] =	ssyncadd.s32 $0xFFFFFC00  }
0x6b: {  	[spmem:s22] =	stream.linear.scatter [tilespmem:s7], [sflag:$0x3], $0x3E8, $0x38;
	[tilespmem:$0x1E838] =	vst v63  }
0x6c: {  	_ =	swait.ge [sflag:s3], $0x3E8  }
0x6d: {  	[sflag:s3] =	ssyncset.done $0x0  }
0x6e: {  	s23 =	rddreg [dreg:$0x14];
	[sflag:s3] =	ssyncadd.s32 $0xFFFFFC18  }
0x6f: {  	[spmem:s23] =	stream.linear.scatter [tilespmem:s7], [sflag:$0x3], $0x3E8, $0x38;
	[tilespmem:$0x1E838] =	vst v63  }
0x70: {  	_ =	swait.ge [sflag:s3], $0x3E8  }
0x71: {  	[sflag:s3] =	ssyncset.done $0x0  }
0x72: {  	s24 =	rddreg [dreg:$0x15];
	[sflag:s3] =	ssyncadd.s32 $0xFFFFFC18  }
0x73: {  	[spmem:s24] =	stream.linear.scatter [tilespmem:s7], [sflag:$0x3], $0x3E8, $0x38;
	[tilespmem:$0x1E838] =	vst v63  }
0x74: {  	_ =	swait.ge [sflag:s3], $0x3E8  }
0x75: {  	[sflag:s3] =	ssyncset.done $0x0  }
0x76: {  	s25 =	rddreg [dreg:$0x16];
	[sflag:s3] =	ssyncadd.s32 $0xFFFFFC18  }
0x77: {  	[spmem:s25] =	stream.linear.scatter [tilespmem:s7], [sflag:$0x3], $0x3E8, $0x38;
	[tilespmem:$0x1E838] =	vst v63  }
0x78: {  	_ =	swait.ge [sflag:s3], $0x3E8  }
0x79: {  	[sflag:s3] =	ssyncset.done $0x0  }
0x7a: {  	s26 =	rddreg [dreg:$0x17];
	[sflag:s3] =	ssyncadd.s32 $0xFFFFFC18  }
0x7b: {  	[spmem:s26] =	stream.linear.scatter [tilespmem:s7], [sflag:$0x3], $0x3E8, $0x38;
	[tilespmem:$0x1E838] =	vst v63  }
0x7c: {  	_ =	swait.ge [sflag:s3], $0x3E8  }
0x7d: {  	[sflag:s3] =	ssyncset.done $0x0  }
0x7e: {  	s28 =	rddreg [dreg:$0x12];
	[sflag:s3] =	ssyncadd.s32 $0xFFFFFC18  }
0x7f: {  	[tilespmem:s7], [sflag:$0x3] =	stream.linear.gather [hbm4b:s28+s17], $0x400, $0x38;
	[tilespmem:$0x1E838] =	vst v63  }
0x80: {  	_ =	swait.ge [sflag:s3], $0x400  }
0x81: {  	[sflag:s3] =	ssyncset.done $0x0  }
0x82: {  	[sflag:s3] =	ssyncadd.s32 $0xFFFFFC00  }
0x83: {  	[bflag:$0x0] =	sbarrier.arrive $0xFFFF  }
0x84: {  	[tilespmem:s10], [sflag:$0x1] =	stream.indirect.gather [hbm4b:s1+s8], $0x40, s17, s8, $0xb8;
	[tilespmem:$0x1E838] =	vst v63  }
0x85: {  	s29 =	simm.s32 $0x80  }
0x86: {  	[tilespmem:s11], [sflag:$0x2] =	stream.indirect.gather [hbm4b:s1+s8], $0x40, s29, s8, $0xb8;
	[tilespmem:$0x1E838] =	vst v63  }
0x87: {  	p2 =	por $0x0, $0x0;
	_ =	swait.ge [sflag:s12], $0x1F40  }
0x88: {  	p3 =	por $0x1, $0x1;
	s18 =	simm.s32 $0x1;
	[sflag:s12] =	ssyncset.done $0x0  }
0x89: {  	s18 =	simm.s32 @!p0 $0x0;
	s19 =	simm.s32 $0x5000;
	[sflag:s12] =	ssyncadd.s32 $0xFFFFE0C0  }
0x8a: {  	[spmem:s2] =	stream.indirect.scatter.add.f32 [tilespmem:s10], [sflag:$0x5], $0x40, s19, s8, $0xb8;
	[tilespmem:$0x1E838] =	vst v63  }
0x8b: {  	s20 =	simm.s32 @!p2 $0x7D;
	s24 =	simm.s32 $0x1;
	_ =	swait.ge [sflag:s13], $0x1F40  }
0x8c: {  	s21 =	simm.s32 @!p2 $0x100;
	s24 =	simm.s32 @!p3 $0x0;
	[sflag:s13] =	ssyncset.done $0x0  }
0x8d: {  	s23 =	simm.s32 @!p2 $0xA000;
	p1 =	seq.s32 s18, s24;
	[sflag:s13] =	ssyncadd.s32 $0xFFFFE0C0  }
0x8e: {  	[tilespmem:s23], [sflag:$0x1] =	stream.indirect.gather @!p2 [hbm4b:s1+s20], $0x40, s21, s20, $0xb8;
	[tilespmem:$0x1E838] =	vst v63  }
0x8f: {  	s24 =	simm.s32 @p1 $0x5;
	s21 =	simm.s32 @p1 $0x0;
	s23 =	simm.s32 @p1 $0x19A00  }
0x90: {  	[tilespmem:s23], [sflag:$0x5] =	stream.linear.gather @p1 [hbm4b:s31+s21], $0x7D0, $0x38;
	[tilespmem:$0x1E838] =	vst v63  }
0x91: {  	_ =	swait.ge @p1 [sflag:s24], $0x7D0  }
0x92: {  	[sflag:s24] =	ssyncset.done @p1 $0x0  }
0x93: {  	s21 =	simm.s32 @p1 $0x7D;
	[sflag:s24] =	ssyncadd.s32 @p1 $0xFFFFF830  }
0x94: {  	[spmem:s4] =	stream.indirect.scatter.add.f32 @p1 [tilespmem:s23], [sflag:$0x5], $0x10, s19, s21, $0xb8;
	[tilespmem:$0x1E838] =	vst v63  }
0x95: {  	_ =	swait.ge @p1 [sflag:s24], $0x7D0  }
0x96: {  	[sflag:s24] =	ssyncset.done @p1 $0x0  }
0x97: {  	s21 =	simm.s32 @!p1 $0x7D;
	s23 =	simm.s32 @!p1 $0x1A9A0;
	[sflag:s24] =	ssyncadd.s32 @p1 $0xFFFFF830  }
0x98: {  	[spmem:s5] =	stream.indirect.scatter.add.f32 @!p1 [tilespmem:s23], [sflag:$0x5], $0x8, s19, s21, $0xb8;
	[tilespmem:$0x1E838] =	vst v63  }
0x99: {  	s19 =	simm.s32 @!p1 $0x5  }
0x9a: {  	_ =	swait.ge @!p1 [sflag:s19], $0x3E8  }
0x9b: {  	[sflag:s19] =	ssyncset.done @!p1 $0x0  }
0x9c: {  	[sflag:s19] =	ssyncadd.s32 @!p1 $0xFFFFFC18  }
0x9d: {  	_ =	swait.ge [sflag:s14], $0x1F40  }
0x9e: {  	[sflag:s14] =	ssyncset.done $0x0  }
0x9f: {  	s19 =	simm.s32 $0x5080;
	[sflag:s14] =	ssyncadd.s32 $0xFFFFE0C0  }
0xa0: {  	[spmem:s2] =	stream.indirect.scatter.add.f32 [tilespmem:s11], [sflag:$0x5], $0x40, s19, s8, $0xb8;
	[tilespmem:$0x1E838] =	vst v63  }
0xa1: {  	_ =	swait.ge [sflag:s13], $0x1F40  }
0xa2: {  	s21 =	simm.s32 @!p2 $0x180;
	p1 =	por !p3, !p3;
	[sflag:s13] =	ssyncset.done $0x0  }
0xa3: {  	s23 =	simm.s32 @!p2 $0xBF40;
	p1 =	por @!p0 p3, p3;
	[sflag:s13] =	ssyncadd.s32 $0xFFFFE0C0  }
0xa4: {  	[tilespmem:s23], [sflag:$0x2] =	stream.indirect.gather @!p2 [hbm4b:s1+s20], $0x40, s21, s20, $0xb8;
	[tilespmem:$0x1E838] =	vst v63  }
0xa5: {  	s20 =	simm.s32 @!p1 $0x19A00;
	s21 =	sadd.s32 @!p1 $0xFA, s31;
	s23 =	simm.s32 @!p1 $0x0  }
0xa6: {  	[tilespmem:s20], [sflag:$0x5] =	stream.linear.gather @!p1 [hbm4b:s21+s23], $0x7D0, $0x38;
	[tilespmem:$0x1E838] =	vst v63  }
0xa7: {  	s21 =	simm.s32 @!p1 $0x5  }
0xa8: {  	_ =	swait.ge @!p1 [sflag:s21], $0x7D0  }
0xa9: {  	[sflag:s21] =	ssyncset.done @!p1 $0x0  }
0xaa: {  	[sflag:s21] =	ssyncadd.s32 @!p1 $0xFFFFF830;
	s21 =	simm.s32 @!p1 $0x7D  }
0xab: {  	[spmem:s4] =	stream.indirect.scatter.add.f32 @!p1 [tilespmem:s20], [sflag:$0x4], $0x10, s19, s21, $0xb8;
	[tilespmem:$0x1E838] =	vst v63  }
0xac: {  	s20 =	simm.s32 @!p1 $0x4  }
0xad: {  	_ =	swait.ge @!p1 [sflag:s20], $0x7D0  }
0xae: {  	[sflag:s20] =	ssyncset.done @!p1 $0x0  }
0xaf: {  	s21 =	simm.s32 @p1 $0x7D;
	[sflag:s20] =	ssyncadd.s32 @!p1 $0xFFFFF830;
	s20 =	simm.s32 @p1 $0x1A9A0  }
0xb0: {  	[spmem:s5] =	stream.indirect.scatter.add.f32 @p1 [tilespmem:s20], [sflag:$0x3], $0x8, s19, s21, $0xb8;
	[tilespmem:$0x1E838] =	vst v63  }
0xb1: {  	s19 =	simm.s32 $0x400;
	s21 =	simm.s32 @p1 $0x3;
	s20 =	sadd.s32 $0x1F4, s31  }
.LBB2_6:
0xb2: {  	_ =	swait.ge @p1 [sflag:s21], $0x3E8  }
0xb3: {  	s17 =	sadd.s32 $0x1, s17;
	s24 =	smov.u32 s19;
	s19 =	sadd.s32 $0x400, s19  }
0xb4: {  	p2 =	sne.s32 s19, $0x14000;
	[sflag:s21] =	ssyncset.done @p1 $0x0  }
0xb5: {  	[sflag:s21] =	ssyncadd.s32 @p1 $0xFFFFFC18  }
0xb6: {  	s23 =	sshra.s32 s24, $0x2;
	_ =	swait.ge [sflag:s12], $0x1F40  }
0xb7: {  	s29 =	simm.s32 $0x1;
	s25 =	sadd.s32 $0x5000, s23;
	[sflag:s12] =	ssyncset.done $0x0  }
0xb8: {  	p3 =	seq.s32 s24, $0x13C00;
	p4 =	slt.u32 s17, $0x28;
	[sflag:s12] =	ssyncadd.s32 $0xFFFFE0C0  }
0xb9: {  	[spmem:s2] =	stream.indirect.scatter.add.f32 [tilespmem:s10], [sflag:$0x5], $0x40, s25, s8, $0xb8;
	[tilespmem:$0x1E838] =	vst v63  }
0xba: {  	s24 =	sshra.s32 @!p3 s24, $0x2;
	s21 =	simm.s32 @!p3 $0x7D;
	_ =	swait.ge [sflag:s13], $0x1F40  }
0xbb: {  	s28 =	simm.s32 @!p3 $0xA000;
	s26 =	sadd.s32 @!p3 $0x100, s24;
	[sflag:s13] =	ssyncset.done $0x0  }
0xbc: {  	s29 =	simm.s32 @!p4 $0x0;
	[sflag:s13] =	ssyncadd.s32 $0xFFFFE0C0  }
0xbd: {  	[tilespmem:s28], [sflag:$0x1] =	stream.indirect.gather @!p3 [hbm4b:s1+s21], $0x40, s26, s21, $0xb8;
	[tilespmem:$0x1E838] =	vst v63  }
0xbe: {  	p1 =	por !p4, !p4;
	p5 =	seq.s32 s18, s29;
	s24 =	sadd.s32 @!p3 $0x180, s24  }
0xbf: {  	s29 =	simm.s32 @p5 $0x5;
	s26 =	simm.s32 @p5 $0x0;
	s28 =	simm.s32 @p5 $0x19A00  }
0xc0: {  	[tilespmem:s28], [sflag:$0x5] =	stream.linear.gather @p5 [hbm4b:s20+s26], $0x7D0, $0x38;
	[tilespmem:$0x1E838] =	vst v63  }
0xc1: {  	_ =	swait.ge @p5 [sflag:s29], $0x7D0  }
0xc2: {  	s26 =	simm.s32 @p5 $0x7D;
	[sflag:s29] =	ssyncset.done @p5 $0x0  }
0xc3: {  	[sflag:s29] =	ssyncadd.s32 @p5 $0xFFFFF830  }
0xc4: {  	[spmem:s4] =	stream.indirect.scatter.add.f32 @p5 [tilespmem:s28], [sflag:$0x5], $0x10, s25, s26, $0xb8;
	[tilespmem:$0x1E838] =	vst v63  }
0xc5: {  	_ =	swait.ge @p5 [sflag:s29], $0x7D0  }
0xc6: {  	s26 =	simm.s32 @!p5 $0x7D;
	s28 =	simm.s32 @!p5 $0x1A9A0;
	[sflag:s29] =	ssyncset.done @p5 $0x0  }
0xc7: {  	[sflag:s29] =	ssyncadd.s32 @p5 $0xFFFFF830;
	s29 =	simm.s32 @!p5 $0x5  }
0xc8: {  	[spmem:s5] =	stream.indirect.scatter.add.f32 @!p5 [tilespmem:s28], [sflag:$0x5], $0x8, s25, s26, $0xb8;
	[tilespmem:$0x1E838] =	vst v63  }
0xc9: {  	_ =	swait.ge @!p5 [sflag:s29], $0x3E8  }
0xca: {  	[sflag:s29] =	ssyncset.done @!p5 $0x0  }
0xcb: {  	[sflag:s29] =	ssyncadd.s32 @!p5 $0xFFFFFC18  }
0xcc: {  	_ =	swait.ge [sflag:s14], $0x1F40  }
0xcd: {  	s23 =	sadd.s32 $0x5080, s23;
	[sflag:s14] =	ssyncset.done $0x0  }
0xce: {  	[sflag:s14] =	ssyncadd.s32 $0xFFFFE0C0  }
0xcf: {  	[spmem:s2] =	stream.indirect.scatter.add.f32 [tilespmem:s11], [sflag:$0x5], $0x40, s23, s8, $0xb8;
	[tilespmem:$0x1E838] =	vst v63  }
0xd0: {  	p1 =	por @!p0 p4, p4;
	_ =	swait.ge [sflag:s13], $0x1F40  }
0xd1: {  	s25 =	simm.s32 @!p3 $0xBF40;
	s26 =	simm.s32 @!p1 $0x19A00;
	[sflag:s13] =	ssyncset.done $0x0  }
0xd2: {  	s28 =	sadd.s32 @!p1 $0xFA, s20;
	s29 =	simm.s32 @!p1 $0x0;
	[sflag:s13] =	ssyncadd.s32 $0xFFFFE0C0  }
0xd3: {  	[tilespmem:s25], [sflag:$0x2] =	stream.indirect.gather @!p3 [hbm4b:s1+s21], $0x40, s24, s21, $0xb8;
	[tilespmem:$0x1E838] =	vst v63  }
0xd4: {  	s21 =	simm.s32 @!p1 $0x5  }
0xd5: {  	[tilespmem:s26], [sflag:$0x5] =	stream.linear.gather @!p1 [hbm4b:s28+s29], $0x7D0, $0x38;
	[tilespmem:$0x1E838] =	vst v63  }
0xd6: {  	_ =	swait.ge @!p1 [sflag:s21], $0x7D0  }
0xd7: {  	s24 =	simm.s32 @!p1 $0x7D;
	[sflag:s21] =	ssyncset.done @!p1 $0x0  }
0xd8: {  	[sflag:s21] =	ssyncadd.s32 @!p1 $0xFFFFF830;
	s21 =	simm.s32 @!p1 $0x4  }
0xd9: {  	[spmem:s4] =	stream.indirect.scatter.add.f32 @!p1 [tilespmem:s26], [sflag:$0x4], $0x10, s23, s24, $0xb8;
	[tilespmem:$0x1E838] =	vst v63  }
.Ltmp2:
0xda: {  	_ = 	snop;
	(pc) =	sbr.rel @p2 .LBB2_6-.Ltmp2, $4  }
0xdb: {  	_ =	swait.ge @!p1 [sflag:s21], $0x7D0  }
0xdc: {  	s25 =	simm.s32 @p1 $0x1A9A0;
	s24 =	simm.s32 @p1 $0x7D;
	[sflag:s21] =	ssyncset.done @!p1 $0x0  }
0xdd: {  	s20 =	sadd.s32 $0x1F4, s20;
	[sflag:s21] =	ssyncadd.s32 @!p1 $0xFFFFF830;
	s21 =	simm.s32 @p1 $0x3  }
0xde: {  	[spmem:s5] =	stream.indirect.scatter.add.f32 @p1 [tilespmem:s25], [sflag:$0x3], $0x8, s23, s24, $0xb8;
	[tilespmem:$0x1E838] =	vst v63  }
0xdf: {  	_ =	swait.ge @p1 [sflag:s21], $0x3E8  }
0xe0: {  	[sflag:s21] =	ssyncset.done @p1 $0x0  }
0xe1: {  	s17 =	stileid.u32;
	[sflag:s21] =	ssyncadd.s32 @p1 $0xFFFFFC18  }
0xe2: {  	s17 =	sshll.u32 s17, $0x6;
	[bflag:$0x0] =	sbarrier.arrive $0xFFFF  }
0xe3: {  	s18 =	sshrl.u32 s9, $0x3;
	s17 =	sor.u32 $0x1C03, s17;
	s19 =	rddreg [dreg:$0xb]  }
0xe4: {  	[hbm:s19], [sflag:s17] =	dma.local [spmem:s18], $0x1388  }
0xe5: {  	_ =	swait.ge [sflag:s3], $0x1388  }
0xe6: {  	[sflag:s3] =	ssyncset.done $0x0  }
0xe7: {  	s25 =	sshrl.u32 s15, $0x3;
	s26 =	rddreg [dreg:$0x18];
	[sflag:s3] =	ssyncadd.s32 $0xFFFFEC78  }
0xe8: {  	[hbm:s26], [sflag:s17] =	dma.local [spmem:s25], $0x4E2  }
0xe9: {  	s16 =	sadd.s32 $0x1, s16;
	_ =	swait.ge [sflag:s3], $0x4E2  }
0xea: {  	s28 =	sshrl.u32 s22, $0x3;
	p1 =	sne.s32 s16, s30;
	[sflag:s3] =	ssyncset.done $0x0  }
.Ltmp3:
0xeb: {  	s29 =	rddreg [dreg:$0x19];
	[sflag:s3] =	ssyncadd.s32 $0xFFFFFB1E;
	(pc) =	sbr.rel @p1 .LBB2_1-.Ltmp3, $4  }
0xec: {  	[hbm:s29], [sflag:s17] =	dma.local [spmem:s28], $0x271  }
0xed: {  	_ =	swait.ge [sflag:s3], $0x271  }
0xee: {  	[sflag:s3] =	ssyncset.done $0x0  }
0xef: {  	[sflag:s3] =	ssyncadd.s32 $0xFFFFFD8F  }
0xf0: {  	_ =	sfence.sel $0x180000  }
0xf1: {  	[bflag:$0x0] =	sbarrier.arrive $0xFFFF  }
0xf2: {  	_ =	strace $0x90000047  }
0xf3: {  	s0 =	stileid.u32;
	[bflag:$0x2] =	sbarrier.arrive $0xFFFF  }
0xf4: {  	p0 =	sne.s32 s0, $0x0;
	s0 =	rddreg [dreg:$0x6]  }
0xf5: {  	s0 =	sadd.s32 @!p0 $0x100000, s0  }
0xf6: {  	[sflag:s0] =	ssyncadd.tile.s32 @!p0 $0x1;
	_ =	shalt  }
.Lfunc_end2:
_tile_overlayer_lowered:
.L_overlay_start_2:
0xf7: {  	(tag) =	ssettag $0x2  }
0xf8: {  	s0 =	rddreg [dreg:$0x0];
	s2 =	stileid.u32  }
0xf9: {  	s1 =	rddreg [dreg:$0x1];
	p0 =	sne.s32 s2, $0x0  }
0xfa: {  	s3 =	rddreg [dreg:$0x2];
	[bflag:$0x3] =	sbarrier.arrive $0xFFFF;
	s2 =	simm.s32 @!p0 $0x1C03  }
0xfb: {  	[timem:s3], [sflag:s2] =	dma.local @!p0 [hbm:s0], s1  }
0xfc: {  	s0 =	simm.s32 @!p0 $0x3  }
0xfd: {  	_ =	swait.ge @!p0 [sflag:s0], s1  }
0xfe: {  	s1 =	ssub.s32 @!p0 $0x0, s1;
	[sflag:s0] =	ssyncset.done @!p0 $0x0  }
0xff: {  	[sflag:s0] =	ssyncadd.s32 @!p0 s1  }
0x100: {  	[bflag:$0x3] =	sbarrier.arrive $0xFFFF  }
0x101: {  	_ =	shalt  }

// kernel: kernel.9.cloned.1.call-start
scs
__scs_entry_jumppad:
0x0: {  	(pc) =	sbr.rel $0x88, $3  }
0x1: {  	(tag) =	ssettag $0x0;
	lr =	simm.s32 $0x1  }
0x2: {  	[smem:$0x3F96] =	sst lr;
	_ =	strace $0xD0000000  }
0x3: {  	_ = 	snop  }
0x4: {  	_ = 	snop  }
0x5: {  	_ = 	snop  }
0x6: {  	_ = 	snop  }
0x7: {  	_ = 	snop  }
__scs_overlays_trampoline_lowered:
0x8: {  	[smem:$0x3FA5] =	sst s0  }
0x9: {  	[smem:$0x3FA6] =	sst s1  }
0xa: {  	[smem:$0x3FA7] =	sst s2  }
0xb: {  	[smem:$0x3FA8] =	sst s3  }
0xc: {  	[smem:$0x3FA9] =	sst s4  }
0xd: {  	[smem:$0x3FAA] =	sst s5  }
0xe: {  	[smem:$0x3FAB] =	sst s6  }
0xf: {  	[smem:$0x3FAC] =	sst s7  }
0x10: {  	[smem:$0x3FAD] =	sst s8  }
0x11: {  	[smem:$0x3FAE] =	sst s9;
	s0 =	simm.s32 @!p0 $0x0  }
0x12: {  	s1 =	sld [smem:$0x3F94];
	s0 =	simm.s32 @p0 $0x1  }
0x13: {  	[smem:$0x3FAF] =	sst s0;
	s0 =	simm.s32 @!p1 $0x0  }
0x14: {  	s2 =	sld [smem:$0x3F93];
	s0 =	simm.s32 @p1 $0x1  }
0x15: {  	[smem:$0x3FB0] =	sst s0;
	s0 =	simm.s32 @!p2 $0x0  }
0x16: {  	s3 =	sld [smem:$0x3FDB];
	s0 =	simm.s32 @p2 $0x1  }
0x17: {  	s4 =	simm.s32 $0x1BF5;
	[smem:$0x3FB2] =	sst s0  }
0x18: {  	s0 =	sld [smem:$0x3F95];
	_ =	swait.ge [sflag:s4], $0x0  }
0x19: {  	s7 =	sld [smem:$0x3F96]  }
0x1a: {  	s8 =	sadd.s32 $0xFFFFE003, lr  }
0x1b: {  	s9 =	sadd.s32 $0xFFFFFEF7, lr;
	s5 =	simm.s32 $0xFFFFFFFF;
	p2 =	slt.u32 s8, $0xFFFFF086  }
0x1c: {  	p1 =	slt.u32 s9, $0xF7A;
	s5 =	simm.s32 @!p2 $0x0  }
0x1d: {  	s5 =	simm.s32 @p1 $0x1;
	p0 =	seq.s32 s7, s2  }
0x1e: {  	s7 =	smul.u32 @!p0 $0xF7A, s2;
	p2 =	seq.s32 @!p0 s5, $0x0  }
0x1f: {  	s9 =	smul.u32 $0xF7A, s1;
	s8 =	simm.s32 @!p0 $0x1BF5;
	p2 =	por !p2, p0  }
0x20: {  	[sflag:s8] =	ssyncset.s32 @!p0 $0xFFFFF086;
	s6 =	sadd.s32 @!p0 s3, s7;
	s7 =	simm.s32 @!p0 $0x108  }
0x21: {  	s3 =	sadd.s32 s3, s9;
	s6 =	sadd.s32 @!p0 $0x88, s6;
	s7 =	simm.s32 @p2 $0x1082  }
0x22: {  	[simem:s7], [sflag:s8] =	dma.local @!p0 [hbm:s6], $0xF7A  }
0x23: {  	s9 =	sor.u32 $0xD0000000, s2;
	s6 =	simm.s32 $0x108;
	_ =	swait.ge @!p0 [sflag:s8], $0x0  }
0x24: {  	s3 =	sadd.s32 $0x88, s3;
	s6 =	simm.s32 @!p1 $0x1082;
	[sflag:s4] =	ssyncset.s32 $0xFFFFF086  }
0x25: {  	[simem:s6], [sflag:s4] =	dma.local [hbm:s3], $0xF7A  }
0x26: {  	[smem:$0x3F96] =	sst s1;
	(tag) =	ssettag s2;
	_ =	strace s9  }
0x27: {  	s1 =	sld [smem:$0x3FA6]  }
0x28: {  	s2 =	sld [smem:$0x3FA7]  }
0x29: {  	s4 =	sld [smem:$0x3FA9]  }
0x2a: {  	p0 =	seq.s32 s5, $0x0;
	s5 =	sld [smem:$0x3FAA]  }
0x2b: {  	s6 =	sld [smem:$0x3FAB]  }
0x2c: {  	s7 =	sld [smem:$0x3FAC]  }
0x2d: {  	s3 =	simm.s32 $0x108;
	s8 =	sld [smem:$0x3FAD]  }
0x2e: {  	s3 =	simm.s32 @!p0 $0x1082;
	s9 =	sld [smem:$0x3FAE]  }
0x2f: {  	lr =	sadd.s32 s0, s3;
	s0 =	sld [smem:$0x3FA5]  }
0x30: {  	s3 =	sld [smem:$0x3FA8]  }
0x31: {  	[smem:$0x3FB1] =	sst s10  }
0x32: {  	s10 =	sld [smem:$0x3FAF];
	_ =	sdelay $0x3  }
0x33: {  	p0 =	seq.s32 s10, $0x1;
	s10 =	sld [smem:$0x3FB1];
	_ =	sdelay $0x3  }
0x34: {  	[smem:$0x3FB1] =	sst s10  }
0x35: {  	s10 =	sld [smem:$0x3FB0];
	_ =	sdelay $0x3  }
0x36: {  	p1 =	seq.s32 s10, $0x1;
	s10 =	sld [smem:$0x3FB1];
	_ =	sdelay $0x3  }
0x37: {  	[smem:$0x3FB1] =	sst s10  }
0x38: {  	s10 =	sld [smem:$0x3FB2]  }
0x39: {  	_ = 	snop;
	(pc) =	sbr.ind lr, $3  }
0x3a: {  	_ = 	snop  }
0x3b: {  	_ = 	snop  }
0x3c: {  	p2 =	seq.s32 s10, $0x1;
	s10 =	sld [smem:$0x3FB1]  }
0x3d: {  	_ =	shalt  }
0x3e: {  	_ =	shalt  }
0x3f: {  	_ =	shalt  }
0x40: {  	_ =	shalt  }
0x41: {  	_ =	shalt  }
0x42: {  	_ =	shalt  }
0x43: {  	_ =	shalt  }
0x44: {  	_ =	shalt  }
0x45: {  	_ =	shalt  }
0x46: {  	_ =	shalt  }
0x47: {  	_ =	shalt  }
0x48: {  	_ =	shalt  }
0x49: {  	_ =	shalt  }
0x4a: {  	_ =	shalt  }
0x4b: {  	_ =	shalt  }
0x4c: {  	_ =	shalt  }
0x4d: {  	_ =	shalt  }
0x4e: {  	_ =	shalt  }
0x4f: {  	_ =	shalt  }
0x50: {  	_ =	shalt  }
0x51: {  	_ =	shalt  }
0x52: {  	_ =	shalt  }
0x53: {  	_ =	shalt  }
0x54: {  	_ =	shalt  }
0x55: {  	_ =	shalt  }
0x56: {  	_ =	shalt  }
0x57: {  	_ =	shalt  }
0x58: {  	_ =	shalt  }
0x59: {  	_ =	shalt  }
0x5a: {  	_ =	shalt  }
0x5b: {  	_ =	shalt  }
0x5c: {  	_ =	shalt  }
0x5d: {  	_ =	shalt  }
0x5e: {  	_ =	shalt  }
0x5f: {  	_ =	shalt  }
0x60: {  	_ =	shalt  }
0x61: {  	_ =	shalt  }
0x62: {  	_ =	shalt  }
0x63: {  	_ =	shalt  }
0x64: {  	_ =	shalt  }
0x65: {  	_ =	shalt  }
0x66: {  	_ =	shalt  }
0x67: {  	_ =	shalt  }
0x68: {  	_ =	shalt  }
0x69: {  	_ =	shalt  }
0x6a: {  	_ =	shalt  }
0x6b: {  	_ =	shalt  }
0x6c: {  	_ =	shalt  }
0x6d: {  	_ =	shalt  }
0x6e: {  	_ =	shalt  }
0x6f: {  	_ =	shalt  }
0x70: {  	_ =	shalt  }
0x71: {  	_ =	shalt  }
0x72: {  	_ =	shalt  }
0x73: {  	_ =	shalt  }
0x74: {  	_ =	shalt  }
0x75: {  	_ =	shalt  }
0x76: {  	_ =	shalt  }
0x77: {  	_ =	shalt  }
0x78: {  	_ =	shalt  }
0x79: {  	_ =	shalt  }
0x7a: {  	_ =	shalt  }
0x7b: {  	_ =	shalt  }
0x7c: {  	_ =	shalt  }
0x7d: {  	_ =	shalt  }
0x7e: {  	_ =	shalt  }
0x7f: {  	_ =	shalt  }
0x80: {  	_ =	shalt  }
0x81: {  	_ =	shalt  }
0x82: {  	_ =	shalt  }
0x83: {  	_ =	shalt  }
0x84: {  	_ =	shalt  }
0x85: {  	_ =	shalt  }
0x86: {  	_ =	shalt  }
0x87: {  	_ =	shalt  }
.Lfunc_end0:
.L_simem_size_0:
called_computation.1_lowered:
.L_overlay_start_0:
0x88: {  	s2 =	sld [smem:$0x3FD9]  }
0x89: {  	s3 =	sld [smem:$0x3FFE];
	_ =	sdelay $0x1  }
0x8a: {  	s1 =	srdreg.scid  }
0x8b: {  	s0 =	sand.u32 $0x1, s1  }
0x8c: {  	s17 =	sshll.u32 s0, $0xA;
	s2 =	sadd.s32 s3, s2  }
0x8d: {  	s2 =	sadd.s32 s2, s17  }
0x8e: {  	[smem:$0x3FBD] =	sst s2  }
0x8f: {  	_ = 	snop  }
0x90: {  	s2 =	sld [smem:$0x3FD0];
	(tm) =	ssettm $0x1  }
0x91: {  	s18 =	sld [smem:$0x3FFB];
	_ =	sdelay $0x3  }
0x92: {  	_ =	strace s18  }
0x93: {  	s3 =	sld [smem:$0x3FFC];
	_ =	sdelay $0x3  }
0x94: {  	_ =	strace s3  }
0x95: {  	s3 =	sld [smem:$0x3FFD];
	_ =	sdelay $0x3  }
0x96: {  	_ =	strace s3  }
0x97: {  	_ =	strace $0x8FFFFFFF  }
0x98: {  	s19 =	sld [smem:$0x3FDB];
	_ =	sdelay $0x1  }
0x99: {  	s4 =	simm.s32 $_scs_section_size  }
0x9a: {  	s5 =	simm.s32 $_size__tile_overlayer_lowered;
	s6 =	simm.s32 $_tile_overlayer_lowered  }
0x9b: {  	s22 =	simm.s32 $0x1BFF;
	s21 =	sshll.u32 s6, $0x1;
	s3 =	sadd.s32 s4, s19  }
0x9c: {  	s7 =	simm.s32 $0x0;
	s20 =	sshll.u32 s5, $0x1;
	s5 =	sadd.s32 s21, s3  }
0x9d: {  	[timem:s7], [sflag:s22] =	dma.local [hbm:s5], s20  }
0x9e: {  	_ =	swait.ge [sflag:s22], s20  }
0x9f: {  	s4 =	ssub.s32 $0x0, s20;
	[sflag:s22] =	ssyncset.done $0x0  }
0xa0: {  	[sflag:s22] =	ssyncadd.s32 s4;
	_ =	sdelay $0x1  }
0xa1: {  	s23 =	simm.s32 $0x1B8B  }
0xa2: {  	_ =	swait.ge [sflag:s23], $0x1  }
0xa3: {  	[sflag:s23] =	ssyncset.done $0x0  }
0xa4: {  	s25 =	simm.s32 $0x1B8E;
	s24 =	sld [smem:$0x3FFE];
	[sflag:s23] =	ssyncadd.s32 $0xFFFFFFFF  }
0xa5: {  	s26 =	simm.s32 $execute0_lowered;
	[smem:$0x3FD2] =	sst s25  }
0xa6: {  	s5 =	sshll.u32 s26, $0x1;
	_ =	strace $0x80000049;
	[dreg:$0x1] =	wrdreg $0xFFFFFFFF  }
0xa7: {  	s28 =	simm.s32 $_size_execute0_lowered;
	s3 =	sadd.s32 s3, s5;
	[dreg:$0x0] =	wrdreg $0x0  }
0xa8: {  	s5 =	sshll.u32 s28, $0x1;
	[dreg:$0x2] =	wrdreg s3  }
0xa9: {  	[dreg:$0x3] =	wrdreg s5  }
0xaa: {  	[dreg:$0x4] =	wrdreg $0xC0  }
0xab: {  	_ =	task [dreg:s7], $0x5FFFF  }
0xac: {  	[dreg:$0x1] =	wrdreg $0xFFFFFFFF  }
0xad: {  	[dreg:$0x0] =	wrdreg $0x60  }
0xae: {  	[dreg:$0x2] =	wrdreg s2  }
0xaf: {  	[dreg:$0x3] =	wrdreg s24  }
0xb0: {  	[dreg:$0x4] =	wrdreg $0xFDC00  }
0xb1: {  	[dreg:$0x5] =	wrdreg $0x9  }
0xb2: {  	_ =	task.clear_ibuf [dreg:s7], $0x6FFFF;
	_ =	strace $0x90000049  }
0xb3: {  	s29 =	simm.s32 $0x9;
	_ =	strace $0x8000004B  }
0xb4: {  	_ =	swait.ge [sflag:s29], $0x1  }
0xb5: {  	[sflag:s29] =	ssyncadd.s32 $0xFFFFFFFF  }
0xb6: {  	_ =	strace $0x9000004B  }
0xb7: {  	_ =	sfence  }
0xb8: {  	s30 =	sld [smem:$0x0];
	_ =	sdelay $0x2  }
0xb9: {  	s31 =	sshll.u32 s1, $0xD;
	s1 =	sshrl.u32 s1, $0x2  }
0xba: {  	s3 =	sand.u32 $0x4000, s31;
	s1 =	sadd.s32 s1, s30  }
0xbb: {  	s0 =	sor.u32 s3, s0;
	s1 =	sshll.u32 s1, $0x11  }
0xbc: {  	s0 =	sor.u32 s1, s0  }
0xbd: {  	s0 =	sadd.s32 $0x8F2B, s0  }
0xbe: {  	[sflag:s0] =	ssyncadd.remote.s32 $0x1  }
0xbf: {  	_ =	sfence.sel $0xFFFF  }
0xc0: {  	[dreg:$0x0] =	wrdreg $0xFFFFFFFF;
	(pc) =	sbr.abs _section_cstart, $3  }
0xc1: {  	[dreg:$0x1] =	wrdreg $0xFFFFFFFF  }
0xc2: {  	_ =	task.clear_ibuf [dreg:s7], $0x2FFFF;
	_ =	strace $0x9FFFFFFF  }
0xc3: {  	(tm) =	ssettm $0x7FFFFFFF  }
tec
execute0_lowered:
.L_overlay_start_1:
0x0: {  	(tag) =	ssettag $0x1  }
0x1: {  	s1 =	rddreg [dreg:$0x0];
	s2 =	srdreg.scid  }
0x2: {  	s0 =	stileid.u32;
	s5 =	rddreg [dreg:$0x1]  }
0x3: {  	s3 =	rddreg [dreg:$0x2];
	s4 =	simm.s32 $0x0;
	s14 =	simm.s32 $0x3  }
0x4: {  	s15 =	simm.s32 $0x5000;
	s16 =	simm.s32 $0xDE80;
	s17 =	simm.s32 $0x7D  }
0x5: {  	s18 =	simm.s32 $0xA000;
	s19 =	simm.s32 $0x80;
	s20 =	simm.s32 $0xBF40  }
0x6: {  	s21 =	simm.s32 $0x1;
	s22 =	simm.s32 $0x2;
	s7 =	smul.u32 $0x5000, s0  }
0x7: {  	s23 =	simm.s32 $0x9F00;
	s24 =	simm.s32 $0x9F80;
	s9 =	smul.u32 $0x9C40, s0  }
0x8: {  	s6 =	sand.u32 $0x1, s2;
	s2 =	rddreg [dreg:$0x3];
	s11 =	smul.u32 $0x27100, s0  }
0x9: {  	s25 =	simm.s32 $0x0;
	[smem:$0x7FF] =	sst s4;
	s8 =	smul.u32 $0x50000, s6  }
0xa: {  	s10 =	smul.u32 $0x9C400, s6;
	_ =	strace $0x8000004A;
	s6 =	ssub.s32 $0x2, s6  }
0xb: {  	s30 =	sshrl.u32 s6, $0x1;
	s31 =	sshrl.u32 s11, $0x2;
	s8 =	sadd.s32 s7, s8  }
0xc: {  	s7 =	sshrl.u32 s7, $0x3;
	s10 =	sadd.s32 s9, s10;
	s13 =	ssub.s32 s6, s30  }
0xd: {  	s11 =	sadd.s32 s31, s3;
	s8 =	sshrl.u32 s8, $0x3;
	s10 =	sshrl.u32 s10, $0x3  }
0xe: {  	s7 =	sadd.s32 s7, s5;
	s13 =	smax.u32 s13, $0x1;
	s8 =	sadd.s32 s8, s5  }
0xf: {  	s12 =	sadd.s32 s10, s5;
	s6 =	sadd.s32 $0x16A00, s7;
	s7 =	sadd.s32 s9, s3  }
0x10: {  	s9 =	sadd.s32 $0x3E80, s11;
	s10 =	sadd.s32 $0x5DC0, s11;
	s5 =	sadd.s32 $0x2A00, s8  }
0x11: {  	v0 =	vimm.f32 $0.0e+00;
	s8 =	sadd.s32 $0x1F40, s11;
	s11 =	sadd.s32 $0x7D00, s11;
	s12 =	sadd.s32 $0xCBE00, s12  }
.LBB2_1:
0x12: {  	[tilespmem:s4], [sflag:$0x3] =	stream.linear.gather [hbm4b:s5+s4], $0x5000, $0x38;
	[tilespmem:$0x19A00] =	vst v63  }
0x13: {  	_ =	swait.ge [sflag:s14], $0x5000  }
0x14: {  	[sflag:s14] =	ssyncset.done $0x0  }
0x15: {  	[sflag:s14] =	ssyncadd.s32 $0xFFFFB000  }
0x16: {  	[tilespmem:s15], [sflag:$0x3] =	stream.linear.gather [hbm4b:s6+s4], $0x5000, $0x38;
	[tilespmem:$0x19A00] =	vst v63  }
0x17: {  	_ =	swait.ge [sflag:s14], $0x5000  }
0x18: {  	[sflag:s14] =	ssyncset.done $0x0  }
0x19: {  	s28 =	simm.s32 $0x100;
	s26 =	simm.s32 $0x0;
	[sflag:s14] =	ssyncadd.s32 $0xFFFFB000  }
.LBB2_2:
0x1a: {  	p0 =	sne.s32 s28, $0x7C00;
	[tilespmem:s26+$0xDEB0] =	vst v0;
	s29 =	smov.u32 s28;
	s28 =	sadd.s32 $0x100, s28  }
.Ltmp0:
0x1b: {  	[tilespmem:s26+$0xDEA0] =	vst v0;
	(pc) =	sbr.rel @p0 .LBB2_2-.Ltmp0, $3  }
0x1c: {  	[tilespmem:s26+$0xDE80] =	vst v0  }
0x1d: {  	[tilespmem:s26+$0xDE90] =	vst v0;
	_ =	sdelay $0x1  }
0x1e: {  	s26 =	sshra.s32 s29, $0x2  }
0x1f: {  	[tilespmem:s26+$0xDEB0] =	vst v0  }
0x20: {  	[tilespmem:s26+$0xDEA0] =	vst v0  }
0x21: {  	[tilespmem:s26+$0xDE80] =	vst v0  }
0x22: {  	[tilespmem:s26+$0xDE90] =	vst v0  }
0x23: {  	[spmem:s7] =	stream.linear.scatter [tilespmem:s16], [sflag:$0x3], $0x1F40, $0x38;
	[tilespmem:$0x19A00] =	vst v63  }
0x24: {  	_ =	swait.ge [sflag:s14], $0x1F40  }
0x25: {  	[sflag:s14] =	ssyncset.done $0x0  }
0x26: {  	[sflag:s14] =	ssyncadd.s32 $0xFFFFE0C0  }
0x27: {  	[spmem:s8] =	stream.linear.scatter [tilespmem:s16], [sflag:$0x3], $0x1F40, $0x38;
	[tilespmem:$0x19A00] =	vst v63  }
0x28: {  	_ =	swait.ge [sflag:s14], $0x1F40  }
0x29: {  	[sflag:s14] =	ssyncset.done $0x0  }
0x2a: {  	[sflag:s14] =	ssyncadd.s32 $0xFFFFE0C0  }
0x2b: {  	[spmem:s9] =	stream.linear.scatter [tilespmem:s16], [sflag:$0x3], $0x1F40, $0x38;
	[tilespmem:$0x19A00] =	vst v63  }
0x2c: {  	_ =	swait.ge [sflag:s14], $0x1F40  }
0x2d: {  	[sflag:s14] =	ssyncset.done $0x0  }
0x2e: {  	[sflag:s14] =	ssyncadd.s32 $0xFFFFE0C0  }
0x2f: {  	[spmem:s10] =	stream.linear.scatter [tilespmem:s16], [sflag:$0x3], $0x1F40, $0x38;
	[tilespmem:$0x19A00] =	vst v63  }
0x30: {  	_ =	swait.ge [sflag:s14], $0x1F40  }
0x31: {  	[sflag:s14] =	ssyncset.done $0x0  }
0x32: {  	[sflag:s14] =	ssyncadd.s32 $0xFFFFE0C0  }
0x33: {  	[spmem:s11] =	stream.linear.scatter [tilespmem:s16], [sflag:$0x3], $0x1F40, $0x38;
	[tilespmem:$0x19A00] =	vst v63  }
0x34: {  	_ =	swait.ge [sflag:s14], $0x1F40  }
0x35: {  	[sflag:s14] =	ssyncset.done $0x0  }
0x36: {  	[sflag:s14] =	ssyncadd.s32 $0xFFFFE0C0  }
0x37: {  	s31 =	simm.s32 $0x0;
	[bflag:$0x0] =	sbarrier.arrive $0xFFFF  }
0x38: {  	[tilespmem:s18], [sflag:$0x1] =	stream.indirect.gather [hbm4b:s1+s17], $0x40, s31, s17, $0xb8;
	[tilespmem:$0x19A00] =	vst v63  }
0x39: {  	_ = 	snop  }
0x3a: {  	[tilespmem:s20], [sflag:$0x2] =	stream.indirect.gather [hbm4b:s1+s17], $0x40, s19, s17, $0xb8;
	[tilespmem:$0x19A00] =	vst v63  }
0x3b: {  	_ =	swait.ge [sflag:s21], $0x1F40  }
0x3c: {  	[sflag:s21] =	ssyncset.done $0x0  }
0x3d: {  	s29 =	simm.s32 $0x5000;
	[sflag:s21] =	ssyncadd.s32 $0xFFFFE0C0  }
0x3e: {  	[spmem:s3] =	stream.indirect.scatter.add.f32 [tilespmem:s18], [sflag:$0x3], $0x40, s29, s17, $0xb8;
	[tilespmem:$0x19A00] =	vst v63  }
0x3f: {  	_ =	swait.ge [sflag:s14], $0x1F40  }
0x40: {  	[sflag:s14] =	ssyncset.done $0x0  }
0x41: {  	s30 =	simm.s32 $0x100;
	[sflag:s14] =	ssyncadd.s32 $0xFFFFE0C0  }
0x42: {  	[tilespmem:s18], [sflag:$0x1] =	stream.indirect.gather [hbm4b:s1+s17], $0x40, s30, s17, $0xb8;
	[tilespmem:$0x19A00] =	vst v63  }
0x43: {  	_ =	swait.ge [sflag:s22], $0x1F40  }
0x44: {  	[sflag:s22] =	ssyncset.done $0x0  }
0x45: {  	s31 =	simm.s32 $0x5080;
	[sflag:s22] =	ssyncadd.s32 $0xFFFFE0C0  }
0x46: {  	[spmem:s3] =	stream.indirect.scatter.add.f32 [tilespmem:s20], [sflag:$0x3], $0x40, s31, s17, $0xb8;
	[tilespmem:$0x19A00] =	vst v63  }
0x47: {  	_ =	swait.ge [sflag:s14], $0x1F40  }
0x48: {  	[sflag:s14] =	ssyncset.done $0x0  }
0x49: {  	s26 =	simm.s32 $0x400;
	s28 =	simm.s32 $0x180;
	[sflag:s14] =	ssyncadd.s32 $0xFFFFE0C0  }
.LBB2_4:
0x4a: {  	[tilespmem:s20], [sflag:$0x2] =	stream.indirect.gather [hbm4b:s1+s17], $0x40, s28, s17, $0xb8;
	[tilespmem:$0x19A00] =	vst v63  }
0x4b: {  	s28 =	smov.u32 s26  }
0x4c: {  	p0 =	sne.s32 s26, $0x13800;
	s26 =	sadd.s32 $0x400, s26;
	_ =	swait.ge [sflag:s21], $0x1F40  }
0x4d: {  	s28 =	sshra.s32 s28, $0x2;
	[sflag:s21] =	ssyncset.done $0x0  }
0x4e: {  	s29 =	sadd.s32 $0x5000, s28;
	[sflag:s21] =	ssyncadd.s32 $0xFFFFE0C0  }
0x4f: {  	[spmem:s3] =	stream.indirect.scatter.add.f32 [tilespmem:s18], [sflag:$0x3], $0x40, s29, s17, $0xb8;
	[tilespmem:$0x19A00] =	vst v63  }
0x50: {  	_ =	swait.ge [sflag:s14], $0x1F40  }
0x51: {  	[sflag:s14] =	ssyncset.done $0x0  }
0x52: {  	s29 =	sadd.s32 $0x100, s28;
	[sflag:s14] =	ssyncadd.s32 $0xFFFFE0C0  }
0x53: {  	[tilespmem:s18], [sflag:$0x1] =	stream.indirect.gather [hbm4b:s1+s17], $0x40, s29, s17, $0xb8;
	[tilespmem:$0x19A00] =	vst v63  }
0x54: {  	_ =	swait.ge [sflag:s22], $0x1F40  }
0x55: {  	[sflag:s22] =	ssyncset.done $0x0  }
.Ltmp1:
0x56: {  	s29 =	sadd.s32 $0x5080, s28;
	[sflag:s22] =	ssyncadd.s32 $0xFFFFE0C0;
	(pc) =	sbr.rel @p0 .LBB2_4-.Ltmp1, $4  }
0x57: {  	[spmem:s3] =	stream.indirect.scatter.add.f32 [tilespmem:s20], [sflag:$0x3], $0x40, s29, s17, $0xb8;
	[tilespmem:$0x19A00] =	vst v63  }
0x58: {  	_ =	swait.ge [sflag:s14], $0x1F40  }
0x59: {  	[sflag:s14] =	ssyncset.done $0x0  }
0x5a: {  	s28 =	sadd.s32 $0x180, s28;
	[sflag:s14] =	ssyncadd.s32 $0xFFFFE0C0  }
0x5b: {  	[tilespmem:s20], [sflag:$0x2] =	stream.indirect.gather [hbm4b:s1+s17], $0x40, s28, s17, $0xb8;
	[tilespmem:$0x19A00] =	vst v63  }
0x5c: {  	_ =	swait.ge [sflag:s21], $0x1F40  }
0x5d: {  	[sflag:s21] =	ssyncset.done $0x0  }
0x5e: {  	[sflag:s21] =	ssyncadd.s32 $0xFFFFE0C0  }
0x5f: {  	[spmem:s3] =	stream.indirect.scatter.add.f32 [tilespmem:s18], [sflag:$0x3], $0x40, s23, s17, $0xb8;
	[tilespmem:$0x19A00] =	vst v63  }
0x60: {  	_ =	swait.ge [sflag:s14], $0x1F40  }
0x61: {  	[sflag:s14] =	ssyncset.done $0x0  }
0x62: {  	[sflag:s14] =	ssyncadd.s32 $0xFFFFE0C0  }
0x63: {  	_ =	swait.ge [sflag:s22], $0x1F40  }
0x64: {  	[sflag:s22] =	ssyncset.done $0x0  }
0x65: {  	[sflag:s22] =	ssyncadd.s32 $0xFFFFE0C0  }
0x66: {  	[spmem:s3] =	stream.indirect.scatter.add.f32 [tilespmem:s20], [sflag:$0x3], $0x40, s24, s17, $0xb8;
	[tilespmem:$0x19A00] =	vst v63  }
0x67: {  	_ =	swait.ge [sflag:s14], $0x1F40  }
0x68: {  	s26 =	sshll.u32 s0, $0x6;
	s25 =	sadd.s32 $0x1, s25;
	[sflag:s14] =	ssyncset.done $0x0  }
0x69: {  	s31 =	sshrl.u32 s7, $0x3;
	p0 =	sne.s32 s25, s13;
	[sflag:s14] =	ssyncadd.s32 $0xFFFFE0C0  }
.Ltmp2:
0x6a: {  	s26 =	sor.u32 $0x1C03, s26;
	[bflag:$0x0] =	sbarrier.arrive $0xFFFF;
	(pc) =	sbr.rel @p0 .LBB2_1-.Ltmp2, $4  }
0x6b: {  	[hbm:s12], [sflag:s26] =	dma.local [spmem:s31], $0x1388  }
0x6c: {  	_ =	swait.ge [sflag:s14], $0x1388  }
0x6d: {  	[sflag:s14] =	ssyncset.done $0x0  }
0x6e: {  	[sflag:s14] =	ssyncadd.s32 $0xFFFFEC78  }
0x6f: {  	_ =	sfence.sel $0x180000  }
0x70: {  	[bflag:$0x0] =	sbarrier.arrive $0xFFFF  }
0x71: {  	p0 =	sne.s32 s0, $0x0;
	_ =	strace $0x9000004A  }
0x72: {  	s0 =	sadd.s32 @!p0 $0x100000, s2;
	[bflag:$0x2] =	sbarrier.arrive $0xFFFF  }
0x73: {  	[sflag:s0] =	ssyncadd.tile.s32 @!p0 $0x1;
	_ =	shalt  }
.Lfunc_end2:
_tile_overlayer_lowered:
.L_overlay_start_2:
0x74: {  	(tag) =	ssettag $0x2  }
0x75: {  	s0 =	rddreg [dreg:$0x0];
	s2 =	stileid.u32  }
0x76: {  	s1 =	rddreg [dreg:$0x1];
	p0 =	sne.s32 s2, $0x0  }
0x77: {  	s3 =	rddreg [dreg:$0x2];
	[bflag:$0x3] =	sbarrier.arrive $0xFFFF;
	s2 =	simm.s32 @!p0 $0x1C03  }
0x78: {  	[timem:s3], [sflag:s2] =	dma.local @!p0 [hbm:s0], s1  }
0x79: {  	s0 =	simm.s32 @!p0 $0x3  }
0x7a: {  	_ =	swait.ge @!p0 [sflag:s0], s1  }
0x7b: {  	s1 =	ssub.s32 @!p0 $0x0, s1;
	[sflag:s0] =	ssyncset.done @!p0 $0x0  }
0x7c: {  	[sflag:s0] =	ssyncadd.s32 @!p0 s1  }
0x7d: {  	[bflag:$0x3] =	sbarrier.arrive $0xFFFF  }
0x7e: {  	_ =	shalt  }

</sc_bundles>
